<compile_context>
chip_gen: v7x
topology: tpu7x:2x2x1
jax: 0.10.2.dev20260603
libtpu: 0.0.44.dev20260713+nightly
codegen_flags: <defaults>
</compile_context>

<pallas_src>
import functools

import jax
import jax.numpy as jnp
import numpy as np
from jax.experimental import pallas as pl
from jax.experimental.pallas import tpu as pltpu
from jax.experimental.pallas import tpu_sc as plsc

N = 10000
E = 320000
D_IN = 128
FPH = 16
HEADS = 8
NUM_CLASSES = 64

NC = 2
NS = 16
NW = NC * NS
EPT = E // NW
CHUNK = 40
NCHUNK = EPT // CHUNK
NPAD = 10240
ROWS_PT = NPAD // NS
ZROWS = 32


def _matmul2_body(x_ref, wa_ref, wb_ref, oa_ref, ob_ref):
    x = x_ref[...]
    oa_ref[...] = jnp.dot(x, wa_ref[...], preferred_element_type=jnp.float32)
    ob_ref[...] = jnp.dot(x, wb_ref[...], preferred_element_type=jnp.float32)


def _prep_tables(x, wa, wb, bn):
    n = x.shape[0]
    da, db = wa.shape[1], wb.shape[1]
    grid = n // bn
    return pl.pallas_call(
        _matmul2_body,
        grid=(grid,),
        in_specs=[
            pl.BlockSpec((bn, x.shape[1]), lambda i: (i, 0)),
            pl.BlockSpec(wa.shape, lambda i: (0, 0)),
            pl.BlockSpec(wb.shape, lambda i: (0, 0)),
        ],
        out_specs=[
            pl.BlockSpec((bn, da), lambda i: (i, 0)),
            pl.BlockSpec((bn, db), lambda i: (i, 0)),
        ],
        out_shape=[
            jax.ShapeDtypeStruct((n, da), jnp.float32),
            jax.ShapeDtypeStruct((n, db), jnp.float32),
        ],
    )(x, wa, wb)


@functools.lru_cache(maxsize=None)
def _make_edge_kernel(d_row, n_hv, att_off, chunk):
    nch = EPT // chunk
    mesh = plsc.VectorSubcoreMesh(
        core_axis_name="c", subcore_axis_name="s", num_cores=NC,
        num_subcores=NS)

    @functools.partial(
        pl.kernel,
        out_type=jax.ShapeDtypeStruct((NC, NPAD, d_row), jnp.float32),
        mesh=mesh,
        scratch_types=[
            pltpu.VMEM((ZROWS, d_row), jnp.float32),
            pltpu.VMEM((nch, chunk), jnp.int32),
            pltpu.VMEM((nch, chunk), jnp.int32),
            pltpu.VMEM((chunk, d_row), jnp.float32),
            pltpu.VMEM((chunk, d_row), jnp.float32),
            pltpu.VMEM((chunk, 16), jnp.float32),
            pltpu.VMEM((chunk, 16), jnp.float32),
            pltpu.VMEM_SHARED((NPAD, d_row), jnp.float32),
            pltpu.SemaphoreType.DMA,
            pltpu.SemaphoreType.DMA,
            pltpu.SemaphoreType.DMA,
            pltpu.SemaphoreType.DMA,
            pltpu.SemaphoreType.DMA,
        ],
        compiler_params=pltpu.CompilerParams(use_tc_tiling_on_sc=False),
    )
    def edge_kernel(src_tab, adst_tab, ei, acc_out,
                    zbuf, sidx_all, didx_all, rows_a, rows_b, adst_a, adst_b,
                    acc_sh, sem_ra, sem_rb, sem_aa, sem_ab, sem_z):
        cid = jax.lax.axis_index("c")
        sid = jax.lax.axis_index("s")
        wid = cid * NS + sid
        eb0 = wid * EPT

        def zrow(r, _):
            for j in range(d_row // 16):
                zbuf[r, pl.ds(j * 16, 16)] = jnp.zeros((16,), jnp.float32)
            return _
        jax.lax.fori_loop(0, ZROWS, zrow, 0)
        zds = []
        for t in range(ROWS_PT // ZROWS):
            zds.append(pltpu.async_copy(
                zbuf, acc_sh.at[pl.ds(sid * ROWS_PT + t * ZROWS, ZROWS)],
                sem_z))
        r_src = wid * nch
        r_dst = (E // chunk) + wid * nch
        pltpu.sync_copy(ei.at[pl.ds(r_src, nch)], sidx_all)
        pltpu.sync_copy(ei.at[pl.ds(r_dst, nch)], didx_all)
        for d in zds:
            d.wait()
        plsc.subcore_barrier()

        rbufs = (rows_a, rows_b)
        abufs = (adst_a, adst_b)
        rsems = (sem_ra, sem_rb)
        asems = (sem_aa, sem_ab)

        def issue(c, p):
            pltpu.async_copy(src_tab.at[sidx_all.at[c]], rbufs[p], rsems[p])
            pltpu.async_copy(adst_tab.at[didx_all.at[c]], abufs[p], asems[p])

        def wait(p):
            pltpu.make_async_copy(src_tab.at[sidx_all.at[0]], rbufs[p],
                                  rsems[p]).wait()
            pltpu.make_async_copy(adst_tab.at[didx_all.at[0]], abufs[p],
                                  asems[p]).wait()

        def compute(p):
            rows_v = rbufs[p]
            adst_v = abufs[p]

            @functools.partial(plsc.parallel_loop, 0, chunk, unroll=4)
            def edge_body(e):
                av = rows_v[e, pl.ds(att_off, 16)]
                bv = adst_v[e, pl.ds(0, 16)]
                s = av + bv
                ex = jnp.exp(jnp.maximum(s, 0.2 * s))
                rows_v[e, pl.ds(att_off, 16)] = ex
                for j in range(n_hv):
                    rows_v[e, pl.ds(j * 16, 16)] = (
                        rows_v[e, pl.ds(j * 16, 16)] * ex)

        issue(0, 0)
        issue(1, 1)

        def pipe_body(k2, carry):
            c0 = 2 * k2
            wait(0)
            compute(0)
            pltpu.sync_copy(rbufs[0], acc_sh.at[didx_all.at[c0]], add=True)
            wait(1)

            @pl.when(c0 + 2 < nch)
            def _issue_a():
                issue(c0 + 2, 0)
            compute(1)
            pltpu.sync_copy(rbufs[1], acc_sh.at[didx_all.at[c0 + 1]],
                            add=True)

            @pl.when(c0 + 3 < nch)
            def _issue_b():
                issue(c0 + 3, 1)
            return carry
        jax.lax.fori_loop(0, nch // 2, pipe_body, 0)
        if nch % 2:
            wait(0)
            compute(0)
            pltpu.sync_copy(rbufs[0], acc_sh.at[didx_all.at[nch - 1]],
                            add=True)

        plsc.subcore_barrier()
        r0 = sid * ROWS_PT
        pltpu.sync_copy(acc_sh.at[pl.ds(r0, ROWS_PT)],
                        acc_out.at[cid, pl.ds(r0, ROWS_PT)])

    return edge_kernel


def _finalize1_body(acc_ref, pb_ref, r_ref, b1_ref, w2c_ref, w2d_ref,
                    src2_ref, adst2_ref):
    a = acc_ref[0] + acc_ref[1]
    num = a[:, :128]
    den = a[:, 128:136]
    rec = 1.0 / (den + 1e-16)
    num_hm = jnp.dot(num, pb_ref[...], preferred_element_type=jnp.float32)
    rec_hm = jnp.dot(rec, r_ref[...], preferred_element_type=jnp.float32)
    o1 = num_hm * rec_hm + b1_ref[...]
    e1 = jnp.where(o1 > 0, o1, jnp.exp(jnp.minimum(o1, 0.0)) - 1.0)
    src2_ref[...] = jnp.dot(e1, w2c_ref[...],
                            preferred_element_type=jnp.float32)
    adst2_ref[...] = jnp.dot(e1, w2d_ref[...],
                             preferred_element_type=jnp.float32)


def _finalize2_body(acc_ref, b2_ref, out_ref):
    a = acc_ref[0] + acc_ref[1]
    num = a[:, :NUM_CLASSES]
    den = a[:, NUM_CLASSES:NUM_CLASSES + 1]
    out_ref[...] = num * (1.0 / (den + 1e-16)) + b2_ref[...]


def kernel(x, edge_index, W1, att_src1, att_dst1, bias1, W2, att_src2,
           att_dst2, bias2):
    ei = edge_index.astype(jnp.int32).reshape(-1)

    perm_cm = np.empty((D_IN,), np.int32)
    for c in range(FPH):
        for hd in range(HEADS):
            perm_cm[c * HEADS + hd] = hd * FPH + c
    pb = np.zeros((D_IN, D_IN), np.float32)
    for c in range(FPH):
        for hd in range(HEADS):
            pb[c * HEADS + hd, hd * FPH + c] = 1.0
    r_exp = np.zeros((HEADS, D_IN), np.float32)
    for hd in range(HEADS):
        r_exp[hd, hd * FPH:(hd + 1) * FPH] = 1.0

    w1cm = W1[:, perm_cm]
    asrc1 = att_src1.reshape(HEADS, FPH)
    adst1 = att_dst1.reshape(HEADS, FPH)
    a_s = jnp.zeros((D_IN, HEADS), jnp.float32)
    a_d = jnp.zeros((D_IN, HEADS), jnp.float32)
    rows = np.arange(D_IN)
    hd_of = rows // FPH
    c_of = rows % FPH
    a_s = a_s.at[rows, hd_of].set(asrc1[hd_of, c_of])
    a_d = a_d.at[rows, hd_of].set(adst1[hd_of, c_of])
    m_src = jnp.concatenate([a_s, a_s], axis=1)
    m_dst = jnp.concatenate([a_d, a_d], axis=1)
    wcat1 = jnp.concatenate([w1cm, W1 @ m_src], axis=1)
    wd1 = W1 @ m_dst

    as2 = att_src2.reshape(NUM_CLASSES, 1)
    ad2 = att_dst2.reshape(NUM_CLASSES, 1)
    w2cat = jnp.concatenate(
        [W2, (W2 @ as2) * jnp.ones((1, 16), jnp.float32)], axis=1)
    w2d = (W2 @ ad2) * jnp.ones((1, 16), jnp.float32)

    bn = 1000

    src_tab1, adst_tab1 = _prep_tables(x, wcat1, wd1, bn)
    acc1 = _make_edge_kernel(d_row=144, n_hv=8, att_off=128, chunk=40)(
        src_tab1, adst_tab1, ei.reshape(-1, 40))

    src_tab2, adst_tab2 = pl.pallas_call(
        _finalize1_body,
        grid=(N // bn,),
        in_specs=[
            pl.BlockSpec((2, bn, 144), lambda i: (0, i, 0)),
            pl.BlockSpec((D_IN, D_IN), lambda i: (0, 0)),
            pl.BlockSpec((HEADS, D_IN), lambda i: (0, 0)),
            pl.BlockSpec((D_IN,), lambda i: (0,)),
            pl.BlockSpec((D_IN, 80), lambda i: (0, 0)),
            pl.BlockSpec((D_IN, 16), lambda i: (0, 0)),
        ],
        out_specs=[
            pl.BlockSpec((bn, 80), lambda i: (i, 0)),
            pl.BlockSpec((bn, 16), lambda i: (i, 0)),
        ],
        out_shape=[
            jax.ShapeDtypeStruct((N, 80), jnp.float32),
            jax.ShapeDtypeStruct((N, 16), jnp.float32),
        ],
    )(acc1, jnp.asarray(pb), jnp.asarray(r_exp), bias1, w2cat, w2d)

    acc2 = _make_edge_kernel(d_row=80, n_hv=4, att_off=64, chunk=80)(
        src_tab2, adst_tab2, ei.reshape(-1, 80))

    out = pl.pallas_call(
        _finalize2_body,
        grid=(N // bn,),
        in_specs=[
            pl.BlockSpec((2, bn, 80), lambda i: (0, i, 0)),
            pl.BlockSpec((NUM_CLASSES,), lambda i: (0,)),
        ],
        out_specs=pl.BlockSpec((bn, NUM_CLASSES), lambda i: (i, 0)),
        out_shape=jax.ShapeDtypeStruct((N, NUM_CLASSES), jnp.float32),
    )(acc2, bias2)
    return out

# --- scband reference (transcript-rebuilt; emitter-appended) ---
"""Pipeline reference for scband-gat-64845416235490 (READ-ONLY COPY).

The authoritative reference and input builder live on the scoring server;
editing this copy changes nothing except your own understanding.
"""

import jax, jax.numpy as jnp
import numpy as np

N = 10000
E = 320000
D_IN = 128
FPH = 16
HEADS = 8
NUM_CLASSES = 64


def _gat_conv(x, edge_index, W, att_src, att_dst, bias, heads, ch):
    n = x.shape[0]
    h = (x @ W).reshape(n, heads, ch)
    a_src = jnp.sum(h * att_src, axis=-1)  # [N, H]
    a_dst = jnp.sum(h * att_dst, axis=-1)  # [N, H]
    src = edge_index[0]
    dst = edge_index[1]
    alpha = a_src[src] + a_dst[dst]  # [E, H]
    alpha = jax.nn.leaky_relu(alpha, negative_slope=0.2)
    amax = jax.ops.segment_max(alpha, dst, num_segments=n)
    amax = jnp.where(jnp.isfinite(amax), amax, 0.0)
    amax = jax.lax.stop_gradient(amax)
    ex = jnp.exp(alpha - amax[dst])
    denom = jax.ops.segment_sum(ex, dst, num_segments=n)
    att = ex / (denom[dst] + 1e-16)
    msg = h[src] * att[:, :, None]  # [E, H, C]
    out = jax.ops.segment_sum(msg, dst, num_segments=n)  # [N, H, C]
    return out.reshape(n, heads * ch) + bias


def setup_inputs(seed: int = 0) -> dict:
    key = jax.random.key(seed)
    ks = jax.random.split(key, 8)
    x = jax.random.normal(ks[0], (N, D_IN), dtype=jnp.float32)
    edge_index = jax.random.randint(ks[1], (2, E), 0, N, dtype=jnp.int64)
    W1 = jax.random.normal(ks[2], (D_IN, HEADS * FPH), dtype=jnp.float32) * 0.1
    att_src1 = jax.random.normal(ks[3], (1, HEADS, FPH), dtype=jnp.float32) * 0.1
    att_dst1 = jax.random.normal(ks[4], (1, HEADS, FPH), dtype=jnp.float32) * 0.1
    bias1 = jnp.zeros((HEADS * FPH,), dtype=jnp.float32)
    W2 = jax.random.normal(ks[5], (HEADS * FPH, NUM_CLASSES), dtype=jnp.float32) * 0.1
    att_src2 = jax.random.normal(ks[6], (1, 1, NUM_CLASSES), dtype=jnp.float32) * 0.1
    att_dst2 = jax.random.normal(ks[7], (1, 1, NUM_CLASSES), dtype=jnp.float32) * 0.1
    bias2 = jnp.zeros((NUM_CLASSES,), dtype=jnp.float32)
    return {"x": x, "edge_index": edge_index, "W1": W1, "att_src1": att_src1,
            "att_dst1": att_dst1, "bias1": bias1, "W2": W2, "att_src2": att_src2,
            "att_dst2": att_dst2, "bias2": bias2}


def reference(x, edge_index, W1, att_src1, att_dst1, bias1, W2, att_src2, att_dst2, bias2):
    h = _gat_conv(x, edge_index, W1, att_src1, att_dst1, bias1, HEADS, FPH)
    h = jax.nn.elu(h)
    out = _gat_conv(h, edge_index, W2, att_src2, att_dst2, bias2, 1, NUM_CLASSES)
    return out

if __name__ == "__main__":
    import jax
    _d = setup_inputs()
    print(jax.jit(kernel)(*tuple(_d.values())))

</pallas_src>

<mosaic_0001>
#map = affine_map<(d0, d1) -> (0, 0)>
#map1 = affine_map<(d0, d1) -> (0, 0, 0)>
module attributes {stable_mosaic.version = 14 : i64} {
  func.func @edge_kernel(%arg0: i32, %arg1: i32, %arg2: memref<10000x144xf32, #tpu.memory_space<hbm>>, %arg3: memref<10000x16xf32, #tpu.memory_space<hbm>>, %arg4: memref<16000x40xi32, #tpu.memory_space<hbm>>, %arg5: memref<2x10240x144xf32, #tpu.memory_space<hbm>>, %arg6: memref<32x144xf32, #tpu.memory_space<vmem>>, %arg7: memref<250x40xi32, #tpu.memory_space<vmem>>, %arg8: memref<250x40xi32, #tpu.memory_space<vmem>>, %arg9: memref<40x144xf32, #tpu.memory_space<vmem>>, %arg10: memref<40x144xf32, #tpu.memory_space<vmem>>, %arg11: memref<40x16xf32, #tpu.memory_space<vmem>>, %arg12: memref<40x16xf32, #tpu.memory_space<vmem>>, %arg13: memref<10240x144xf32, #tpu.memory_space<vmem_shared>>, %arg14: memref<!tpu.dma_semaphore, #tpu.memory_space<semaphore_mem>>, %arg15: memref<!tpu.dma_semaphore, #tpu.memory_space<semaphore_mem>>, %arg16: memref<!tpu.dma_semaphore, #tpu.memory_space<semaphore_mem>>, %arg17: memref<!tpu.dma_semaphore, #tpu.memory_space<semaphore_mem>>, %arg18: memref<!tpu.dma_semaphore, #tpu.memory_space<semaphore_mem>>) attributes {dimension_semantics = [#tpu.dimension_semantics<core_parallel>, #tpu.dimension_semantics<subcore_parallel>], iteration_bounds = array<i64: 2, 16>, scalar_prefetch = 0 : i64, scratch_operands = 13 : i64, tpu.core_type = #tpu.core_type<sc_vector_subcore>, window_params = [{transform_indices = #map}, {transform_indices = #map}, {transform_indices = #map}, {transform_indices = #map1}]} {
    %mul3A = arith.constant 16 : i32
    %mul3A_0 = arith.muli %arg0, %mul3A : i32
    %add3A = arith.addi %mul3A_0, %arg1 : i32
    %mul3A_1 = arith.constant 10000 : i32
    %mul3A_2 = arith.muli %add3A, %mul3A_1 : i32
    %scan3A = arith.constant 0 : i32
    %scan3A_3 = arith.constant 0 : i32
    %scan3A_4 = arith.constant 32 : i32
    %scan3A_5 = arith.addi %scan3A_3, %scan3A_4 : i32
    %scan3A_6 = arith.constant 1 : i32
    scf.for %scan3A_289 = %scan3A_3 to %scan3A_5 step %scan3A_6  : i32 {
      %broadcast_in_dim3A = arith.constant 0.000000e+00 : f32
      %broadcast_in_dim3A_290 = vector.broadcast %broadcast_in_dim3A : f32 to vector<16xf32>
      %swap3A = arith.index_cast %scan3A_289 : i32 to index
      %swap3A_291 = arith.constant 0 : index
      %swap3A_292 = tpu.vector_load %arg6[%swap3A, %swap3A_291] {strides = array<i32>} : memref<32x144xf32, #tpu.memory_space<vmem>>, vector<1x16xf32>,
      %swap3A_293 = vector.shape_cast %swap3A_292 : vector<1x16xf32> to vector<16xf32>
      %swap3A_294 = vector.shape_cast %broadcast_in_dim3A_290 : vector<16xf32> to vector<1x16xf32>
      tpu.vector_store %arg6[%swap3A, %swap3A_291], %swap3A_294 {strides = array<i32>} : memref<32x144xf32, #tpu.memory_space<vmem>>, vector<1x16xf32>,
      %broadcast_in_dim3A_295 = arith.constant 0.000000e+00 : f32
      %broadcast_in_dim3A_296 = vector.broadcast %broadcast_in_dim3A_295 : f32 to vector<16xf32>
      %swap3A_297 = arith.index_cast %scan3A_289 : i32 to index
      %swap3A_298 = arith.constant 16 : index
      %swap3A_299 = tpu.vector_load %arg6[%swap3A_297, %swap3A_298] {strides = array<i32>} : memref<32x144xf32, #tpu.memory_space<vmem>>, vector<1x16xf32>,
      %swap3A_300 = vector.shape_cast %swap3A_299 : vector<1x16xf32> to vector<16xf32>
      %swap3A_301 = vector.shape_cast %broadcast_in_dim3A_296 : vector<16xf32> to vector<1x16xf32>
      tpu.vector_store %arg6[%swap3A_297, %swap3A_298], %swap3A_301 {strides = array<i32>} : memref<32x144xf32, #tpu.memory_space<vmem>>, vector<1x16xf32>,
      %broadcast_in_dim3A_302 = arith.constant 0.000000e+00 : f32
      %broadcast_in_dim3A_303 = vector.broadcast %broadcast_in_dim3A_302 : f32 to vector<16xf32>
      %swap3A_304 = arith.index_cast %scan3A_289 : i32 to index
      %swap3A_305 = arith.constant 32 : index
      %swap3A_306 = tpu.vector_load %arg6[%swap3A_304, %swap3A_305] {strides = array<i32>} : memref<32x144xf32, #tpu.memory_space<vmem>>, vector<1x16xf32>,
      %swap3A_307 = vector.shape_cast %swap3A_306 : vector<1x16xf32> to vector<16xf32>
      %swap3A_308 = vector.shape_cast %broadcast_in_dim3A_303 : vector<16xf32> to vector<1x16xf32>
      tpu.vector_store %arg6[%swap3A_304, %swap3A_305], %swap3A_308 {strides = array<i32>} : memref<32x144xf32, #tpu.memory_space<vmem>>, vector<1x16xf32>,
      %broadcast_in_dim3A_309 = arith.constant 0.000000e+00 : f32
      %broadcast_in_dim3A_310 = vector.broadcast %broadcast_in_dim3A_309 : f32 to vector<16xf32>
      %swap3A_311 = arith.index_cast %scan3A_289 : i32 to index
      %swap3A_312 = arith.constant 48 : index
      %swap3A_313 = tpu.vector_load %arg6[%swap3A_311, %swap3A_312] {strides = array<i32>} : memref<32x144xf32, #tpu.memory_space<vmem>>, vector<1x16xf32>,
      %swap3A_314 = vector.shape_cast %swap3A_313 : vector<1x16xf32> to vector<16xf32>
      %swap3A_315 = vector.shape_cast %broadcast_in_dim3A_310 : vector<16xf32> to vector<1x16xf32>
      tpu.vector_store %arg6[%swap3A_311, %swap3A_312], %swap3A_315 {strides = array<i32>} : memref<32x144xf32, #tpu.memory_space<vmem>>, vector<1x16xf32>,
      %broadcast_in_dim3A_316 = arith.constant 0.000000e+00 : f32
      %broadcast_in_dim3A_317 = vector.broadcast %broadcast_in_dim3A_316 : f32 to vector<16xf32>
      %swap3A_318 = arith.index_cast %scan3A_289 : i32 to index
      %swap3A_319 = arith.constant 64 : index
      %swap3A_320 = tpu.vector_load %arg6[%swap3A_318, %swap3A_319] {strides = array<i32>} : memref<32x144xf32, #tpu.memory_space<vmem>>, vector<1x16xf32>,
      %swap3A_321 = vector.shape_cast %swap3A_320 : vector<1x16xf32> to vector<16xf32>
      %swap3A_322 = vector.shape_cast %broadcast_in_dim3A_317 : vector<16xf32> to vector<1x16xf32>
      tpu.vector_store %arg6[%swap3A_318, %swap3A_319], %swap3A_322 {strides = array<i32>} : memref<32x144xf32, #tpu.memory_space<vmem>>, vector<1x16xf32>,
      %broadcast_in_dim3A_323 = arith.constant 0.000000e+00 : f32
      %broadcast_in_dim3A_324 = vector.broadcast %broadcast_in_dim3A_323 : f32 to vector<16xf32>
      %swap3A_325 = arith.index_cast %scan3A_289 : i32 to index
      %swap3A_326 = arith.constant 80 : index
      %swap3A_327 = tpu.vector_load %arg6[%swap3A_325, %swap3A_326] {strides = array<i32>} : memref<32x144xf32, #tpu.memory_space<vmem>>, vector<1x16xf32>,
      %swap3A_328 = vector.shape_cast %swap3A_327 : vector<1x16xf32> to vector<16xf32>
      %swap3A_329 = vector.shape_cast %broadcast_in_dim3A_324 : vector<16xf32> to vector<1x16xf32>
      tpu.vector_store %arg6[%swap3A_325, %swap3A_326], %swap3A_329 {strides = array<i32>} : memref<32x144xf32, #tpu.memory_space<vmem>>, vector<1x16xf32>,
      %broadcast_in_dim3A_330 = arith.constant 0.000000e+00 : f32
      %broadcast_in_dim3A_331 = vector.broadcast %broadcast_in_dim3A_330 : f32 to vector<16xf32>
      %swap3A_332 = arith.index_cast %scan3A_289 : i32 to index
      %swap3A_333 = arith.constant 96 : index
      %swap3A_334 = tpu.vector_load %arg6[%swap3A_332, %swap3A_333] {strides = array<i32>} : memref<32x144xf32, #tpu.memory_space<vmem>>, vector<1x16xf32>,
      %swap3A_335 = vector.shape_cast %swap3A_334 : vector<1x16xf32> to vector<16xf32>
      %swap3A_336 = vector.shape_cast %broadcast_in_dim3A_331 : vector<16xf32> to vector<1x16xf32>
      tpu.vector_store %arg6[%swap3A_332, %swap3A_333], %swap3A_336 {strides = array<i32>} : memref<32x144xf32, #tpu.memory_space<vmem>>, vector<1x16xf32>,
      %broadcast_in_dim3A_337 = arith.constant 0.000000e+00 : f32
      %broadcast_in_dim3A_338 = vector.broadcast %broadcast_in_dim3A_337 : f32 to vector<16xf32>
      %swap3A_339 = arith.index_cast %scan3A_289 : i32 to index
      %swap3A_340 = arith.constant 112 : index
      %swap3A_341 = tpu.vector_load %arg6[%swap3A_339, %swap3A_340] {strides = array<i32>} : memref<32x144xf32, #tpu.memory_space<vmem>>, vector<1x16xf32>,
      %swap3A_342 = vector.shape_cast %swap3A_341 : vector<1x16xf32> to vector<16xf32>
      %swap3A_343 = vector.shape_cast %broadcast_in_dim3A_338 : vector<16xf32> to vector<1x16xf32>
      tpu.vector_store %arg6[%swap3A_339, %swap3A_340], %swap3A_343 {strides = array<i32>} : memref<32x144xf32, #tpu.memory_space<vmem>>, vector<1x16xf32>,
      %broadcast_in_dim3A_344 = arith.constant 0.000000e+00 : f32
      %broadcast_in_dim3A_345 = vector.broadcast %broadcast_in_dim3A_344 : f32 to vector<16xf32>
      %swap3A_346 = arith.index_cast %scan3A_289 : i32 to index
      %swap3A_347 = arith.constant 128 : index
      %swap3A_348 = tpu.vector_load %arg6[%swap3A_346, %swap3A_347] {strides = array<i32>} : memref<32x144xf32, #tpu.memory_space<vmem>>, vector<1x16xf32>,
      %swap3A_349 = vector.shape_cast %swap3A_348 : vector<1x16xf32> to vector<16xf32>
      %swap3A_350 = vector.shape_cast %broadcast_in_dim3A_345 : vector<16xf32> to vector<1x16xf32>
      tpu.vector_store %arg6[%swap3A_346, %swap3A_347], %swap3A_350 {strides = array<i32>} : memref<32x144xf32, #tpu.memory_space<vmem>>, vector<1x16xf32>,
    }
    %scan3A_7 = arith.constant 32 : i32
    %mul3A_8 = arith.constant 640 : i32
    %mul3A_9 = arith.muli %arg1, %mul3A_8 : i32
    %add3A_10 = arith.constant 0 : i32
    %add3A_11 = arith.addi %mul3A_9, %add3A_10 : i32
    %dma_start3A = arith.constant 0 : i32
    %dma_start3A_12 = tpu.memref_slice %arg13[%add3A_11, %dma_start3A] : memref<10240x144xf32, #tpu.memory_space<vmem_shared>> -> memref<32x144xf32, #tpu.memory_space<vmem_shared>>
    %dma_start3A_13 = arith.constant 0 : i32
    %dma_start3A_14 = tpu.memref_slice %arg13[%add3A_11, %dma_start3A_13] : memref<10240x144xf32, #tpu.memory_space<vmem_shared>> -> memref<32x144xf32, #tpu.memory_space<vmem_shared>>
    tpu.enqueue_dma source(%arg6 : memref<32x144xf32, #tpu.memory_space<vmem>>) target(%dma_start3A_14 : memref<32x144xf32, #tpu.memory_space<vmem_shared>>) target_semaphore(%arg18 : memref<!tpu.dma_semaphore, #tpu.memory_space<semaphore_mem>>)
    %mul3A_15 = arith.constant 640 : i32
    %mul3A_16 = arith.muli %arg1, %mul3A_15 : i32
    %add3A_17 = arith.constant 32 : i32
    %add3A_18 = arith.addi %mul3A_16, %add3A_17 : i32
    %dma_start3A_19 = arith.constant 0 : i32
    %dma_start3A_20 = tpu.memref_slice %arg13[%add3A_18, %dma_start3A_19] : memref<10240x144xf32, #tpu.memory_space<vmem_shared>> -> memref<32x144xf32, #tpu.memory_space<vmem_shared>>
    %dma_start3A_21 = arith.constant 0 : i32
    %dma_start3A_22 = tpu.memref_slice %arg13[%add3A_18, %dma_start3A_21] : memref<10240x144xf32, #tpu.memory_space<vmem_shared>> -> memref<32x144xf32, #tpu.memory_space<vmem_shared>>
    tpu.enqueue_dma source(%arg6 : memref<32x144xf32, #tpu.memory_space<vmem>>) target(%dma_start3A_22 : memref<32x144xf32, #tpu.memory_space<vmem_shared>>) target_semaphore(%arg18 : memref<!tpu.dma_semaphore, #tpu.memory_space<semaphore_mem>>)
    %mul3A_23 = arith.constant 640 : i32
    %mul3A_24 = arith.muli %arg1, %mul3A_23 : i32
    %add3A_25 = arith.constant 64 : i32
    %add3A_26 = arith.addi %mul3A_24, %add3A_25 : i32
    %dma_start3A_27 = arith.constant 0 : i32
    %dma_start3A_28 = tpu.memref_slice %arg13[%add3A_26, %dma_start3A_27] : memref<10240x144xf32, #tpu.memory_space<vmem_shared>> -> memref<32x144xf32, #tpu.memory_space<vmem_shared>>
    %dma_start3A_29 = arith.constant 0 : i32
    %dma_start3A_30 = tpu.memref_slice %arg13[%add3A_26, %dma_start3A_29] : memref<10240x144xf32, #tpu.memory_space<vmem_shared>> -> memref<32x144xf32, #tpu.memory_space<vmem_shared>>
    tpu.enqueue_dma source(%arg6 : memref<32x144xf32, #tpu.memory_space<vmem>>) target(%dma_start3A_30 : memref<32x144xf32, #tpu.memory_space<vmem_shared>>) target_semaphore(%arg18 : memref<!tpu.dma_semaphore, #tpu.memory_space<semaphore_mem>>)
    %mul3A_31 = arith.constant 640 : i32
    %mul3A_32 = arith.muli %arg1, %mul3A_31 : i32
    %add3A_33 = arith.constant 96 : i32
    %add3A_34 = arith.addi %mul3A_32, %add3A_33 : i32
    %dma_start3A_35 = arith.constant 0 : i32
    %dma_start3A_36 = tpu.memref_slice %arg13[%add3A_34, %dma_start3A_35] : memref<10240x144xf32, #tpu.memory_space<vmem_shared>> -> memref<32x144xf32, #tpu.memory_space<vmem_shared>>
    %dma_start3A_37 = arith.constant 0 : i32
    %dma_start3A_38 = tpu.memref_slice %arg13[%add3A_34, %dma_start3A_37] : memref<10240x144xf32, #tpu.memory_space<vmem_shared>> -> memref<32x144xf32, #tpu.memory_space<vmem_shared>>
    tpu.enqueue_dma source(%arg6 : memref<32x144xf32, #tpu.memory_space<vmem>>) target(%dma_start3A_38 : memref<32x144xf32, #tpu.memory_space<vmem_shared>>) target_semaphore(%arg18 : memref<!tpu.dma_semaphore, #tpu.memory_space<semaphore_mem>>)
    %mul3A_39 = arith.constant 640 : i32
    %mul3A_40 = arith.muli %arg1, %mul3A_39 : i32
    %add3A_41 = arith.constant 128 : i32
    %add3A_42 = arith.addi %mul3A_40, %add3A_41 : i32
    %dma_start3A_43 = arith.constant 0 : i32
    %dma_start3A_44 = tpu.memref_slice %arg13[%add3A_42, %dma_start3A_43] : memref<10240x144xf32, #tpu.memory_space<vmem_shared>> -> memref<32x144xf32, #tpu.memory_space<vmem_shared>>
    %dma_start3A_45 = arith.constant 0 : i32
    %dma_start3A_46 = tpu.memref_slice %arg13[%add3A_42, %dma_start3A_45] : memref<10240x144xf32, #tpu.memory_space<vmem_shared>> -> memref<32x144xf32, #tpu.memory_space<vmem_shared>>
    tpu.enqueue_dma source(%arg6 : memref<32x144xf32, #tpu.memory_space<vmem>>) target(%dma_start3A_46 : memref<32x144xf32, #tpu.memory_space<vmem_shared>>) target_semaphore(%arg18 : memref<!tpu.dma_semaphore, #tpu.memory_space<semaphore_mem>>)
    %mul3A_47 = arith.constant 640 : i32
    %mul3A_48 = arith.muli %arg1, %mul3A_47 : i32
    %add3A_49 = arith.constant 160 : i32
    %add3A_50 = arith.addi %mul3A_48, %add3A_49 : i32
    %dma_start3A_51 = arith.constant 0 : i32
    %dma_start3A_52 = tpu.memref_slice %arg13[%add3A_50, %dma_start3A_51] : memref<10240x144xf32, #tpu.memory_space<vmem_shared>> -> memref<32x144xf32, #tpu.memory_space<vmem_shared>>
    %dma_start3A_53 = arith.constant 0 : i32
    %dma_start3A_54 = tpu.memref_slice %arg13[%add3A_50, %dma_start3A_53] : memref<10240x144xf32, #tpu.memory_space<vmem_shared>> -> memref<32x144xf32, #tpu.memory_space<vmem_shared>>
    tpu.enqueue_dma source(%arg6 : memref<32x144xf32, #tpu.memory_space<vmem>>) target(%dma_start3A_54 : memref<32x144xf32, #tpu.memory_space<vmem_shared>>) target_semaphore(%arg18 : memref<!tpu.dma_semaphore, #tpu.memory_space<semaphore_mem>>)
    %mul3A_55 = arith.constant 640 : i32
    %mul3A_56 = arith.muli %arg1, %mul3A_55 : i32
    %add3A_57 = arith.constant 192 : i32
    %add3A_58 = arith.addi %mul3A_56, %add3A_57 : i32
    %dma_start3A_59 = arith.constant 0 : i32
    %dma_start3A_60 = tpu.memref_slice %arg13[%add3A_58, %dma_start3A_59] : memref<10240x144xf32, #tpu.memory_space<vmem_shared>> -> memref<32x144xf32, #tpu.memory_space<vmem_shared>>
    %dma_start3A_61 = arith.constant 0 : i32
    %dma_start3A_62 = tpu.memref_slice %arg13[%add3A_58, %dma_start3A_61] : memref<10240x144xf32, #tpu.memory_space<vmem_shared>> -> memref<32x144xf32, #tpu.memory_space<vmem_shared>>
    tpu.enqueue_dma source(%arg6 : memref<32x144xf32, #tpu.memory_space<vmem>>) target(%dma_start3A_62 : memref<32x144xf32, #tpu.memory_space<vmem_shared>>) target_semaphore(%arg18 : memref<!tpu.dma_semaphore, #tpu.memory_space<semaphore_mem>>)
    %mul3A_63 = arith.constant 640 : i32
    %mul3A_64 = arith.muli %arg1, %mul3A_63 : i32
    %add3A_65 = arith.constant 224 : i32
    %add3A_66 = arith.addi %mul3A_64, %add3A_65 : i32
    %dma_start3A_67 = arith.constant 0 : i32
    %dma_start3A_68 = tpu.memref_slice %arg13[%add3A_66, %dma_start3A_67] : memref<10240x144xf32, #tpu.memory_space<vmem_shared>> -> memref<32x144xf32, #tpu.memory_space<vmem_shared>>
    %dma_start3A_69 = arith.constant 0 : i32
    %dma_start3A_70 = tpu.memref_slice %arg13[%add3A_66, %dma_start3A_69] : memref<10240x144xf32, #tpu.memory_space<vmem_shared>> -> memref<32x144xf32, #tpu.memory_space<vmem_shared>>
    tpu.enqueue_dma source(%arg6 : memref<32x144xf32, #tpu.memory_space<vmem>>) target(%dma_start3A_70 : memref<32x144xf32, #tpu.memory_space<vmem_shared>>) target_semaphore(%arg18 : memref<!tpu.dma_semaphore, #tpu.memory_space<semaphore_mem>>)
    %mul3A_71 = arith.constant 640 : i32
    %mul3A_72 = arith.muli %arg1, %mul3A_71 : i32
    %add3A_73 = arith.constant 256 : i32
    %add3A_74 = arith.addi %mul3A_72, %add3A_73 : i32
    %dma_start3A_75 = arith.constant 0 : i32
    %dma_start3A_76 = tpu.memref_slice %arg13[%add3A_74, %dma_start3A_75] : memref<10240x144xf32, #tpu.memory_space<vmem_shared>> -> memref<32x144xf32, #tpu.memory_space<vmem_shared>>
    %dma_start3A_77 = arith.constant 0 : i32
    %dma_start3A_78 = tpu.memref_slice %arg13[%add3A_74, %dma_start3A_77] : memref<10240x144xf32, #tpu.memory_space<vmem_shared>> -> memref<32x144xf32, #tpu.memory_space<vmem_shared>>
    tpu.enqueue_dma source(%arg6 : memref<32x144xf32, #tpu.memory_space<vmem>>) target(%dma_start3A_78 : memref<32x144xf32, #tpu.memory_space<vmem_shared>>) target_semaphore(%arg18 : memref<!tpu.dma_semaphore, #tpu.memory_space<semaphore_mem>>)
    %mul3A_79 = arith.constant 640 : i32
    %mul3A_80 = arith.muli %arg1, %mul3A_79 : i32
    %add3A_81 = arith.constant 288 : i32
    %add3A_82 = arith.addi %mul3A_80, %add3A_81 : i32
    %dma_start3A_83 = arith.constant 0 : i32
    %dma_start3A_84 = tpu.memref_slice %arg13[%add3A_82, %dma_start3A_83] : memref<10240x144xf32, #tpu.memory_space<vmem_shared>> -> memref<32x144xf32, #tpu.memory_space<vmem_shared>>
    %dma_start3A_85 = arith.constant 0 : i32
    %dma_start3A_86 = tpu.memref_slice %arg13[%add3A_82, %dma_start3A_85] : memref<10240x144xf32, #tpu.memory_space<vmem_shared>> -> memref<32x144xf32, #tpu.memory_space<vmem_shared>>
    tpu.enqueue_dma source(%arg6 : memref<32x144xf32, #tpu.memory_space<vmem>>) target(%dma_start3A_86 : memref<32x144xf32, #tpu.memory_space<vmem_shared>>) target_semaphore(%arg18 : memref<!tpu.dma_semaphore, #tpu.memory_space<semaphore_mem>>)
    %mul3A_87 = arith.constant 640 : i32
    %mul3A_88 = arith.muli %arg1, %mul3A_87 : i32
    %add3A_89 = arith.constant 320 : i32
    %add3A_90 = arith.addi %mul3A_88, %add3A_89 : i32
    %dma_start3A_91 = arith.constant 0 : i32
    %dma_start3A_92 = tpu.memref_slice %arg13[%add3A_90, %dma_start3A_91] : memref<10240x144xf32, #tpu.memory_space<vmem_shared>> -> memref<32x144xf32, #tpu.memory_space<vmem_shared>>
    %dma_start3A_93 = arith.constant 0 : i32
    %dma_start3A_94 = tpu.memref_slice %arg13[%add3A_90, %dma_start3A_93] : memref<10240x144xf32, #tpu.memory_space<vmem_shared>> -> memref<32x144xf32, #tpu.memory_space<vmem_shared>>
    tpu.enqueue_dma source(%arg6 : memref<32x144xf32, #tpu.memory_space<vmem>>) target(%dma_start3A_94 : memref<32x144xf32, #tpu.memory_space<vmem_shared>>) target_semaphore(%arg18 : memref<!tpu.dma_semaphore, #tpu.memory_space<semaphore_mem>>)
    %mul3A_95 = arith.constant 640 : i32
    %mul3A_96 = arith.muli %arg1, %mul3A_95 : i32
    %add3A_97 = arith.constant 352 : i32
    %add3A_98 = arith.addi %mul3A_96, %add3A_97 : i32
    %dma_start3A_99 = arith.constant 0 : i32
    %dma_start3A_100 = tpu.memref_slice %arg13[%add3A_98, %dma_start3A_99] : memref<10240x144xf32, #tpu.memory_space<vmem_shared>> -> memref<32x144xf32, #tpu.memory_space<vmem_shared>>
    %dma_start3A_101 = arith.constant 0 : i32
    %dma_start3A_102 = tpu.memref_slice %arg13[%add3A_98, %dma_start3A_101] : memref<10240x144xf32, #tpu.memory_space<vmem_shared>> -> memref<32x144xf32, #tpu.memory_space<vmem_shared>>
    tpu.enqueue_dma source(%arg6 : memref<32x144xf32, #tpu.memory_space<vmem>>) target(%dma_start3A_102 : memref<32x144xf32, #tpu.memory_space<vmem_shared>>) target_semaphore(%arg18 : memref<!tpu.dma_semaphore, #tpu.memory_space<semaphore_mem>>)
    %mul3A_103 = arith.constant 640 : i32
    %mul3A_104 = arith.muli %arg1, %mul3A_103 : i32
    %add3A_105 = arith.constant 384 : i32
    %add3A_106 = arith.addi %mul3A_104, %add3A_105 : i32
    %dma_start3A_107 = arith.constant 0 : i32
    %dma_start3A_108 = tpu.memref_slice %arg13[%add3A_106, %dma_start3A_107] : memref<10240x144xf32, #tpu.memory_space<vmem_shared>> -> memref<32x144xf32, #tpu.memory_space<vmem_shared>>
    %dma_start3A_109 = arith.constant 0 : i32
    %dma_start3A_110 = tpu.memref_slice %arg13[%add3A_106, %dma_start3A_109] : memref<10240x144xf32, #tpu.memory_space<vmem_shared>> -> memref<32x144xf32, #tpu.memory_space<vmem_shared>>
    tpu.enqueue_dma source(%arg6 : memref<32x144xf32, #tpu.memory_space<vmem>>) target(%dma_start3A_110 : memref<32x144xf32, #tpu.memory_space<vmem_shared>>) target_semaphore(%arg18 : memref<!tpu.dma_semaphore, #tpu.memory_space<semaphore_mem>>)
    %mul3A_111 = arith.constant 640 : i32
    %mul3A_112 = arith.muli %arg1, %mul3A_111 : i32
    %add3A_113 = arith.constant 416 : i32
    %add3A_114 = arith.addi %mul3A_112, %add3A_113 : i32
    %dma_start3A_115 = arith.constant 0 : i32
    %dma_start3A_116 = tpu.memref_slice %arg13[%add3A_114, %dma_start3A_115] : memref<10240x144xf32, #tpu.memory_space<vmem_shared>> -> memref<32x144xf32, #tpu.memory_space<vmem_shared>>
    %dma_start3A_117 = arith.constant 0 : i32
    %dma_start3A_118 = tpu.memref_slice %arg13[%add3A_114, %dma_start3A_117] : memref<10240x144xf32, #tpu.memory_space<vmem_shared>> -> memref<32x144xf32, #tpu.memory_space<vmem_shared>>
    tpu.enqueue_dma source(%arg6 : memref<32x144xf32, #tpu.memory_space<vmem>>) target(%dma_start3A_118 : memref<32x144xf32, #tpu.memory_space<vmem_shared>>) target_semaphore(%arg18 : memref<!tpu.dma_semaphore, #tpu.memory_space<semaphore_mem>>)
    %mul3A_119 = arith.constant 640 : i32
    %mul3A_120 = arith.muli %arg1, %mul3A_119 : i32
    %add3A_121 = arith.constant 448 : i32
    %add3A_122 = arith.addi %mul3A_120, %add3A_121 : i32
    %dma_start3A_123 = arith.constant 0 : i32
    %dma_start3A_124 = tpu.memref_slice %arg13[%add3A_122, %dma_start3A_123] : memref<10240x144xf32, #tpu.memory_space<vmem_shared>> -> memref<32x144xf32, #tpu.memory_space<vmem_shared>>
    %dma_start3A_125 = arith.constant 0 : i32
    %dma_start3A_126 = tpu.memref_slice %arg13[%add3A_122, %dma_start3A_125] : memref<10240x144xf32, #tpu.memory_space<vmem_shared>> -> memref<32x144xf32, #tpu.memory_space<vmem_shared>>
    tpu.enqueue_dma source(%arg6 : memref<32x144xf32, #tpu.memory_space<vmem>>) target(%dma_start3A_126 : memref<32x144xf32, #tpu.memory_space<vmem_shared>>) target_semaphore(%arg18 : memref<!tpu.dma_semaphore, #tpu.memory_space<semaphore_mem>>)
    %mul3A_127 = arith.constant 640 : i32
    %mul3A_128 = arith.muli %arg1, %mul3A_127 : i32
    %add3A_129 = arith.constant 480 : i32
    %add3A_130 = arith.addi %mul3A_128, %add3A_129 : i32
    %dma_start3A_131 = arith.constant 0 : i32
    %dma_start3A_132 = tpu.memref_slice %arg13[%add3A_130, %dma_start3A_131] : memref<10240x144xf32, #tpu.memory_space<vmem_shared>> -> memref<32x144xf32, #tpu.memory_space<vmem_shared>>
    %dma_start3A_133 = arith.constant 0 : i32
    %dma_start3A_134 = tpu.memref_slice %arg13[%add3A_130, %dma_start3A_133] : memref<10240x144xf32, #tpu.memory_space<vmem_shared>> -> memref<32x144xf32, #tpu.memory_space<vmem_shared>>
    tpu.enqueue_dma source(%arg6 : memref<32x144xf32, #tpu.memory_space<vmem>>) target(%dma_start3A_134 : memref<32x144xf32, #tpu.memory_space<vmem_shared>>) target_semaphore(%arg18 : memref<!tpu.dma_semaphore, #tpu.memory_space<semaphore_mem>>)
    %mul3A_135 = arith.constant 640 : i32
    %mul3A_136 = arith.muli %arg1, %mul3A_135 : i32
    %add3A_137 = arith.constant 512 : i32
    %add3A_138 = arith.addi %mul3A_136, %add3A_137 : i32
    %dma_start3A_139 = arith.constant 0 : i32
    %dma_start3A_140 = tpu.memref_slice %arg13[%add3A_138, %dma_start3A_139] : memref<10240x144xf32, #tpu.memory_space<vmem_shared>> -> memref<32x144xf32, #tpu.memory_space<vmem_shared>>
    %dma_start3A_141 = arith.constant 0 : i32
    %dma_start3A_142 = tpu.memref_slice %arg13[%add3A_138, %dma_start3A_141] : memref<10240x144xf32, #tpu.memory_space<vmem_shared>> -> memref<32x144xf32, #tpu.memory_space<vmem_shared>>
    tpu.enqueue_dma source(%arg6 : memref<32x144xf32, #tpu.memory_space<vmem>>) target(%dma_start3A_142 : memref<32x144xf32, #tpu.memory_space<vmem_shared>>) target_semaphore(%arg18 : memref<!tpu.dma_semaphore, #tpu.memory_space<semaphore_mem>>)
    %mul3A_143 = arith.constant 640 : i32
    %mul3A_144 = arith.muli %arg1, %mul3A_143 : i32
    %add3A_145 = arith.constant 544 : i32
    %add3A_146 = arith.addi %mul3A_144, %add3A_145 : i32
    %dma_start3A_147 = arith.constant 0 : i32
    %dma_start3A_148 = tpu.memref_slice %arg13[%add3A_146, %dma_start3A_147] : memref<10240x144xf32, #tpu.memory_space<vmem_shared>> -> memref<32x144xf32, #tpu.memory_space<vmem_shared>>
    %dma_start3A_149 = arith.constant 0 : i32
    %dma_start3A_150 = tpu.memref_slice %arg13[%add3A_146, %dma_start3A_149] : memref<10240x144xf32, #tpu.memory_space<vmem_shared>> -> memref<32x144xf32, #tpu.memory_space<vmem_shared>>
    tpu.enqueue_dma source(%arg6 : memref<32x144xf32, #tpu.memory_space<vmem>>) target(%dma_start3A_150 : memref<32x144xf32, #tpu.memory_space<vmem_shared>>) target_semaphore(%arg18 : memref<!tpu.dma_semaphore, #tpu.memory_space<semaphore_mem>>)
    %mul3A_151 = arith.constant 640 : i32
    %mul3A_152 = arith.muli %arg1, %mul3A_151 : i32
    %add3A_153 = arith.constant 576 : i32
    %add3A_154 = arith.addi %mul3A_152, %add3A_153 : i32
    %dma_start3A_155 = arith.constant 0 : i32
    %dma_start3A_156 = tpu.memref_slice %arg13[%add3A_154, %dma_start3A_155] : memref<10240x144xf32, #tpu.memory_space<vmem_shared>> -> memref<32x144xf32, #tpu.memory_space<vmem_shared>>
    %dma_start3A_157 = arith.constant 0 : i32
    %dma_start3A_158 = tpu.memref_slice %arg13[%add3A_154, %dma_start3A_157] : memref<10240x144xf32, #tpu.memory_space<vmem_shared>> -> memref<32x144xf32, #tpu.memory_space<vmem_shared>>
    tpu.enqueue_dma source(%arg6 : memref<32x144xf32, #tpu.memory_space<vmem>>) target(%dma_start3A_158 : memref<32x144xf32, #tpu.memory_space<vmem_shared>>) target_semaphore(%arg18 : memref<!tpu.dma_semaphore, #tpu.memory_space<semaphore_mem>>)
    %mul3A_159 = arith.constant 640 : i32
    %mul3A_160 = arith.muli %arg1, %mul3A_159 : i32
    %add3A_161 = arith.constant 608 : i32
    %add3A_162 = arith.addi %mul3A_160, %add3A_161 : i32
    %dma_start3A_163 = arith.constant 0 : i32
    %dma_start3A_164 = tpu.memref_slice %arg13[%add3A_162, %dma_start3A_163] : memref<10240x144xf32, #tpu.memory_space<vmem_shared>> -> memref<32x144xf32, #tpu.memory_space<vmem_shared>>
    %dma_start3A_165 = arith.constant 0 : i32
    %dma_start3A_166 = tpu.memref_slice %arg13[%add3A_162, %dma_start3A_165] : memref<10240x144xf32, #tpu.memory_space<vmem_shared>> -> memref<32x144xf32, #tpu.memory_space<vmem_shared>>
    tpu.enqueue_dma source(%arg6 : memref<32x144xf32, #tpu.memory_space<vmem>>) target(%dma_start3A_166 : memref<32x144xf32, #tpu.memory_space<vmem_shared>>) target_semaphore(%arg18 : memref<!tpu.dma_semaphore, #tpu.memory_space<semaphore_mem>>)
    %mul3A_167 = arith.constant 250 : i32
    %mul3A_168 = arith.muli %add3A, %mul3A_167 : i32
    %mul3A_169 = arith.constant 250 : i32
    %mul3A_170 = arith.muli %add3A, %mul3A_169 : i32
    %add3A_171 = arith.constant 8000 : i32
    %add3A_172 = arith.addi %add3A_171, %mul3A_170 : i32
    "tpu.region"() ({
      %run_scoped3A = tpu.sem_alloc : memref<!tpu.dma_semaphore, #tpu.memory_space<semaphore_mem>>
      %dma_start3A_289 = arith.constant 0 : i32
      %dma_start3A_290 = tpu.memref_slice %arg4[%mul3A_168, %dma_start3A_289] : memref<16000x40xi32, #tpu.memory_space<hbm>> -> memref<250x40xi32, #tpu.memory_space<hbm>>
      %dma_start3A_291 = arith.constant 0 : i32
      %dma_start3A_292 = tpu.memref_slice %arg4[%mul3A_168, %dma_start3A_291] : memref<16000x40xi32, #tpu.memory_space<hbm>> -> memref<250x40xi32, #tpu.memory_space<hbm>>
      tpu.enqueue_dma source(%dma_start3A_292 : memref<250x40xi32, #tpu.memory_space<hbm>>) target(%arg7 : memref<250x40xi32, #tpu.memory_space<vmem>>) target_semaphore(%run_scoped3A : memref<!tpu.dma_semaphore, #tpu.memory_space<semaphore_mem>>)
      %dma_wait3A_293 = arith.constant 0 : i32
      %dma_wait3A_294 = tpu.memref_slice %arg4[%mul3A_168, %dma_wait3A_293] : memref<16000x40xi32, #tpu.memory_space<hbm>> -> memref<250x40xi32, #tpu.memory_space<hbm>>
      %dma_wait3A_295 = arith.constant 0 : i32
      %dma_wait3A_296 = tpu.memref_slice %arg4[%mul3A_168, %dma_wait3A_295] : memref<16000x40xi32, #tpu.memory_space<hbm>> -> memref<250x40xi32, #tpu.memory_space<hbm>>
      tpu.wait_dma2 semaphore(%run_scoped3A : memref<!tpu.dma_semaphore, #tpu.memory_space<semaphore_mem>>) src(%dma_wait3A_296 : memref<250x40xi32, #tpu.memory_space<hbm>>) dst(%arg7 : memref<250x40xi32, #tpu.memory_space<vmem>>)
      tpu.yield
    }) : () -> ()
    "tpu.region"() ({
      %run_scoped3A = tpu.sem_alloc : memref<!tpu.dma_semaphore, #tpu.memory_space<semaphore_mem>>
      %dma_start3A_289 = arith.constant 0 : i32
      %dma_start3A_290 = tpu.memref_slice %arg4[%add3A_172, %dma_start3A_289] : memref<16000x40xi32, #tpu.memory_space<hbm>> -> memref<250x40xi32, #tpu.memory_space<hbm>>
      %dma_start3A_291 = arith.constant 0 : i32
      %dma_start3A_292 = tpu.memref_slice %arg4[%add3A_172, %dma_start3A_291] : memref<16000x40xi32, #tpu.memory_space<hbm>> -> memref<250x40xi32, #tpu.memory_space<hbm>>
      tpu.enqueue_dma source(%dma_start3A_292 : memref<250x40xi32, #tpu.memory_space<hbm>>) target(%arg8 : memref<250x40xi32, #tpu.memory_space<vmem>>) target_semaphore(%run_scoped3A : memref<!tpu.dma_semaphore, #tpu.memory_space<semaphore_mem>>)
      %dma_wait3A_293 = arith.constant 0 : i32
      %dma_wait3A_294 = tpu.memref_slice %arg4[%add3A_172, %dma_wait3A_293] : memref<16000x40xi32, #tpu.memory_space<hbm>> -> memref<250x40xi32, #tpu.memory_space<hbm>>
      %dma_wait3A_295 = arith.constant 0 : i32
      %dma_wait3A_296 = tpu.memref_slice %arg4[%add3A_172, %dma_wait3A_295] : memref<16000x40xi32, #tpu.memory_space<hbm>> -> memref<250x40xi32, #tpu.memory_space<hbm>>
      tpu.wait_dma2 semaphore(%run_scoped3A : memref<!tpu.dma_semaphore, #tpu.memory_space<semaphore_mem>>) src(%dma_wait3A_296 : memref<250x40xi32, #tpu.memory_space<hbm>>) dst(%arg8 : memref<250x40xi32, #tpu.memory_space<vmem>>)
      tpu.yield
    }) : () -> ()
    %dma_wait3A = arith.constant 0 : i32
    %dma_wait3A_173 = tpu.memref_slice %arg13[%add3A_11, %dma_wait3A] : memref<10240x144xf32, #tpu.memory_space<vmem_shared>> -> memref<32x144xf32, #tpu.memory_space<vmem_shared>>
    %dma_wait3A_174 = arith.constant 0 : i32
    %dma_wait3A_175 = tpu.memref_slice %arg13[%add3A_11, %dma_wait3A_174] : memref<10240x144xf32, #tpu.memory_space<vmem_shared>> -> memref<32x144xf32, #tpu.memory_space<vmem_shared>>
    tpu.wait_dma2 semaphore(%arg18 : memref<!tpu.dma_semaphore, #tpu.memory_space<semaphore_mem>>) src(%arg6 : memref<32x144xf32, #tpu.memory_space<vmem>>) dst(%dma_wait3A_175 : memref<32x144xf32, #tpu.memory_space<vmem_shared>>)
    %dma_wait3A_176 = arith.constant 0 : i32
    %dma_wait3A_177 = tpu.memref_slice %arg13[%add3A_18, %dma_wait3A_176] : memref<10240x144xf32, #tpu.memory_space<vmem_shared>> -> memref<32x144xf32, #tpu.memory_space<vmem_shared>>
    %dma_wait3A_178 = arith.constant 0 : i32
    %dma_wait3A_179 = tpu.memref_slice %arg13[%add3A_18, %dma_wait3A_178] : memref<10240x144xf32, #tpu.memory_space<vmem_shared>> -> memref<32x144xf32, #tpu.memory_space<vmem_shared>>
    tpu.wait_dma2 semaphore(%arg18 : memref<!tpu.dma_semaphore, #tpu.memory_space<semaphore_mem>>) src(%arg6 : memref<32x144xf32, #tpu.memory_space<vmem>>) dst(%dma_wait3A_179 : memref<32x144xf32, #tpu.memory_space<vmem_shared>>)
    %dma_wait3A_180 = arith.constant 0 : i32
    %dma_wait3A_181 = tpu.memref_slice %arg13[%add3A_26, %dma_wait3A_180] : memref<10240x144xf32, #tpu.memory_space<vmem_shared>> -> memref<32x144xf32, #tpu.memory_space<vmem_shared>>
    %dma_wait3A_182 = arith.constant 0 : i32
    %dma_wait3A_183 = tpu.memref_slice %arg13[%add3A_26, %dma_wait3A_182] : memref<10240x144xf32, #tpu.memory_space<vmem_shared>> -> memref<32x144xf32, #tpu.memory_space<vmem_shared>>
    tpu.wait_dma2 semaphore(%arg18 : memref<!tpu.dma_semaphore, #tpu.memory_space<semaphore_mem>>) src(%arg6 : memref<32x144xf32, #tpu.memory_space<vmem>>) dst(%dma_wait3A_183 : memref<32x144xf32, #tpu.memory_space<vmem_shared>>)
    %dma_wait3A_184 = arith.constant 0 : i32
    %dma_wait3A_185 = tpu.memref_slice %arg13[%add3A_34, %dma_wait3A_184] : memref<10240x144xf32, #tpu.memory_space<vmem_shared>> -> memref<32x144xf32, #tpu.memory_space<vmem_shared>>
    %dma_wait3A_186 = arith.constant 0 : i32
    %dma_wait3A_187 = tpu.memref_slice %arg13[%add3A_34, %dma_wait3A_186] : memref<10240x144xf32, #tpu.memory_space<vmem_shared>> -> memref<32x144xf32, #tpu.memory_space<vmem_shared>>
    tpu.wait_dma2 semaphore(%arg18 : memref<!tpu.dma_semaphore, #tpu.memory_space<semaphore_mem>>) src(%arg6 : memref<32x144xf32, #tpu.memory_space<vmem>>) dst(%dma_wait3A_187 : memref<32x144xf32, #tpu.memory_space<vmem_shared>>)
    %dma_wait3A_188 = arith.constant 0 : i32
    %dma_wait3A_189 = tpu.memref_slice %arg13[%add3A_42, %dma_wait3A_188] : memref<10240x144xf32, #tpu.memory_space<vmem_shared>> -> memref<32x144xf32, #tpu.memory_space<vmem_shared>>
    %dma_wait3A_190 = arith.constant 0 : i32
    %dma_wait3A_191 = tpu.memref_slice %arg13[%add3A_42, %dma_wait3A_190] : memref<10240x144xf32, #tpu.memory_space<vmem_shared>> -> memref<32x144xf32, #tpu.memory_space<vmem_shared>>
    tpu.wait_dma2 semaphore(%arg18 : memref<!tpu.dma_semaphore, #tpu.memory_space<semaphore_mem>>) src(%arg6 : memref<32x144xf32, #tpu.memory_space<vmem>>) dst(%dma_wait3A_191 : memref<32x144xf32, #tpu.memory_space<vmem_shared>>)
    %dma_wait3A_192 = arith.constant 0 : i32
    %dma_wait3A_193 = tpu.memref_slice %arg13[%add3A_50, %dma_wait3A_192] : memref<10240x144xf32, #tpu.memory_space<vmem_shared>> -> memref<32x144xf32, #tpu.memory_space<vmem_shared>>
    %dma_wait3A_194 = arith.constant 0 : i32
    %dma_wait3A_195 = tpu.memref_slice %arg13[%add3A_50, %dma_wait3A_194] : memref<10240x144xf32, #tpu.memory_space<vmem_shared>> -> memref<32x144xf32, #tpu.memory_space<vmem_shared>>
    tpu.wait_dma2 semaphore(%arg18 : memref<!tpu.dma_semaphore, #tpu.memory_space<semaphore_mem>>) src(%arg6 : memref<32x144xf32, #tpu.memory_space<vmem>>) dst(%dma_wait3A_195 : memref<32x144xf32, #tpu.memory_space<vmem_shared>>)
    %dma_wait3A_196 = arith.constant 0 : i32
    %dma_wait3A_197 = tpu.memref_slice %arg13[%add3A_58, %dma_wait3A_196] : memref<10240x144xf32, #tpu.memory_space<vmem_shared>> -> memref<32x144xf32, #tpu.memory_space<vmem_shared>>
    %dma_wait3A_198 = arith.constant 0 : i32
    %dma_wait3A_199 = tpu.memref_slice %arg13[%add3A_58, %dma_wait3A_198] : memref<10240x144xf32, #tpu.memory_space<vmem_shared>> -> memref<32x144xf32, #tpu.memory_space<vmem_shared>>
    tpu.wait_dma2 semaphore(%arg18 : memref<!tpu.dma_semaphore, #tpu.memory_space<semaphore_mem>>) src(%arg6 : memref<32x144xf32, #tpu.memory_space<vmem>>) dst(%dma_wait3A_199 : memref<32x144xf32, #tpu.memory_space<vmem_shared>>)
    %dma_wait3A_200 = arith.constant 0 : i32
    %dma_wait3A_201 = tpu.memref_slice %arg13[%add3A_66, %dma_wait3A_200] : memref<10240x144xf32, #tpu.memory_space<vmem_shared>> -> memref<32x144xf32, #tpu.memory_space<vmem_shared>>
    %dma_wait3A_202 = arith.constant 0 : i32
    %dma_wait3A_203 = tpu.memref_slice %arg13[%add3A_66, %dma_wait3A_202] : memref<10240x144xf32, #tpu.memory_space<vmem_shared>> -> memref<32x144xf32, #tpu.memory_space<vmem_shared>>
    tpu.wait_dma2 semaphore(%arg18 : memref<!tpu.dma_semaphore, #tpu.memory_space<semaphore_mem>>) src(%arg6 : memref<32x144xf32, #tpu.memory_space<vmem>>) dst(%dma_wait3A_203 : memref<32x144xf32, #tpu.memory_space<vmem_shared>>)
    %dma_wait3A_204 = arith.constant 0 : i32
    %dma_wait3A_205 = tpu.memref_slice %arg13[%add3A_74, %dma_wait3A_204] : memref<10240x144xf32, #tpu.memory_space<vmem_shared>> -> memref<32x144xf32, #tpu.memory_space<vmem_shared>>
    %dma_wait3A_206 = arith.constant 0 : i32
    %dma_wait3A_207 = tpu.memref_slice %arg13[%add3A_74, %dma_wait3A_206] : memref<10240x144xf32, #tpu.memory_space<vmem_shared>> -> memref<32x144xf32, #tpu.memory_space<vmem_shared>>
    tpu.wait_dma2 semaphore(%arg18 : memref<!tpu.dma_semaphore, #tpu.memory_space<semaphore_mem>>) src(%arg6 : memref<32x144xf32, #tpu.memory_space<vmem>>) dst(%dma_wait3A_207 : memref<32x144xf32, #tpu.memory_space<vmem_shared>>)
    %dma_wait3A_208 = arith.constant 0 : i32
    %dma_wait3A_209 = tpu.memref_slice %arg13[%add3A_82, %dma_wait3A_208] : memref<10240x144xf32, #tpu.memory_space<vmem_shared>> -> memref<32x144xf32, #tpu.memory_space<vmem_shared>>
    %dma_wait3A_210 = arith.constant 0 : i32
    %dma_wait3A_211 = tpu.memref_slice %arg13[%add3A_82, %dma_wait3A_210] : memref<10240x144xf32, #tpu.memory_space<vmem_shared>> -> memref<32x144xf32, #tpu.memory_space<vmem_shared>>
    tpu.wait_dma2 semaphore(%arg18 : memref<!tpu.dma_semaphore, #tpu.memory_space<semaphore_mem>>) src(%arg6 : memref<32x144xf32, #tpu.memory_space<vmem>>) dst(%dma_wait3A_211 : memref<32x144xf32, #tpu.memory_space<vmem_shared>>)
    %dma_wait3A_212 = arith.constant 0 : i32
    %dma_wait3A_213 = tpu.memref_slice %arg13[%add3A_90, %dma_wait3A_212] : memref<10240x144xf32, #tpu.memory_space<vmem_shared>> -> memref<32x144xf32, #tpu.memory_space<vmem_shared>>
    %dma_wait3A_214 = arith.constant 0 : i32
    %dma_wait3A_215 = tpu.memref_slice %arg13[%add3A_90, %dma_wait3A_214] : memref<10240x144xf32, #tpu.memory_space<vmem_shared>> -> memref<32x144xf32, #tpu.memory_space<vmem_shared>>
    tpu.wait_dma2 semaphore(%arg18 : memref<!tpu.dma_semaphore, #tpu.memory_space<semaphore_mem>>) src(%arg6 : memref<32x144xf32, #tpu.memory_space<vmem>>) dst(%dma_wait3A_215 : memref<32x144xf32, #tpu.memory_space<vmem_shared>>)
    %dma_wait3A_216 = arith.constant 0 : i32
    %dma_wait3A_217 = tpu.memref_slice %arg13[%add3A_98, %dma_wait3A_216] : memref<10240x144xf32, #tpu.memory_space<vmem_shared>> -> memref<32x144xf32, #tpu.memory_space<vmem_shared>>
    %dma_wait3A_218 = arith.constant 0 : i32
    %dma_wait3A_219 = tpu.memref_slice %arg13[%add3A_98, %dma_wait3A_218] : memref<10240x144xf32, #tpu.memory_space<vmem_shared>> -> memref<32x144xf32, #tpu.memory_space<vmem_shared>>
    tpu.wait_dma2 semaphore(%arg18 : memref<!tpu.dma_semaphore, #tpu.memory_space<semaphore_mem>>) src(%arg6 : memref<32x144xf32, #tpu.memory_space<vmem>>) dst(%dma_wait3A_219 : memref<32x144xf32, #tpu.memory_space<vmem_shared>>)
    %dma_wait3A_220 = arith.constant 0 : i32
    %dma_wait3A_221 = tpu.memref_slice %arg13[%add3A_106, %dma_wait3A_220] : memref<10240x144xf32, #tpu.memory_space<vmem_shared>> -> memref<32x144xf32, #tpu.memory_space<vmem_shared>>
    %dma_wait3A_222 = arith.constant 0 : i32
    %dma_wait3A_223 = tpu.memref_slice %arg13[%add3A_106, %dma_wait3A_222] : memref<10240x144xf32, #tpu.memory_space<vmem_shared>> -> memref<32x144xf32, #tpu.memory_space<vmem_shared>>
    tpu.wait_dma2 semaphore(%arg18 : memref<!tpu.dma_semaphore, #tpu.memory_space<semaphore_mem>>) src(%arg6 : memref<32x144xf32, #tpu.memory_space<vmem>>) dst(%dma_wait3A_223 : memref<32x144xf32, #tpu.memory_space<vmem_shared>>)
    %dma_wait3A_224 = arith.constant 0 : i32
    %dma_wait3A_225 = tpu.memref_slice %arg13[%add3A_114, %dma_wait3A_224] : memref<10240x144xf32, #tpu.memory_space<vmem_shared>> -> memref<32x144xf32, #tpu.memory_space<vmem_shared>>
    %dma_wait3A_226 = arith.constant 0 : i32
    %dma_wait3A_227 = tpu.memref_slice %arg13[%add3A_114, %dma_wait3A_226] : memref<10240x144xf32, #tpu.memory_space<vmem_shared>> -> memref<32x144xf32, #tpu.memory_space<vmem_shared>>
    tpu.wait_dma2 semaphore(%arg18 : memref<!tpu.dma_semaphore, #tpu.memory_space<semaphore_mem>>) src(%arg6 : memref<32x144xf32, #tpu.memory_space<vmem>>) dst(%dma_wait3A_227 : memref<32x144xf32, #tpu.memory_space<vmem_shared>>)
    %dma_wait3A_228 = arith.constant 0 : i32
    %dma_wait3A_229 = tpu.memref_slice %arg13[%add3A_122, %dma_wait3A_228] : memref<10240x144xf32, #tpu.memory_space<vmem_shared>> -> memref<32x144xf32, #tpu.memory_space<vmem_shared>>
    %dma_wait3A_230 = arith.constant 0 : i32
    %dma_wait3A_231 = tpu.memref_slice %arg13[%add3A_122, %dma_wait3A_230] : memref<10240x144xf32, #tpu.memory_space<vmem_shared>> -> memref<32x144xf32, #tpu.memory_space<vmem_shared>>
    tpu.wait_dma2 semaphore(%arg18 : memref<!tpu.dma_semaphore, #tpu.memory_space<semaphore_mem>>) src(%arg6 : memref<32x144xf32, #tpu.memory_space<vmem>>) dst(%dma_wait3A_231 : memref<32x144xf32, #tpu.memory_space<vmem_shared>>)
    %dma_wait3A_232 = arith.constant 0 : i32
    %dma_wait3A_233 = tpu.memref_slice %arg13[%add3A_130, %dma_wait3A_232] : memref<10240x144xf32, #tpu.memory_space<vmem_shared>> -> memref<32x144xf32, #tpu.memory_space<vmem_shared>>
    %dma_wait3A_234 = arith.constant 0 : i32
    %dma_wait3A_235 = tpu.memref_slice %arg13[%add3A_130, %dma_wait3A_234] : memref<10240x144xf32, #tpu.memory_space<vmem_shared>> -> memref<32x144xf32, #tpu.memory_space<vmem_shared>>
    tpu.wait_dma2 semaphore(%arg18 : memref<!tpu.dma_semaphore, #tpu.memory_space<semaphore_mem>>) src(%arg6 : memref<32x144xf32, #tpu.memory_space<vmem>>) dst(%dma_wait3A_235 : memref<32x144xf32, #tpu.memory_space<vmem_shared>>)
    %dma_wait3A_236 = arith.constant 0 : i32
    %dma_wait3A_237 = tpu.memref_slice %arg13[%add3A_138, %dma_wait3A_236] : memref<10240x144xf32, #tpu.memory_space<vmem_shared>> -> memref<32x144xf32, #tpu.memory_space<vmem_shared>>
    %dma_wait3A_238 = arith.constant 0 : i32
    %dma_wait3A_239 = tpu.memref_slice %arg13[%add3A_138, %dma_wait3A_238] : memref<10240x144xf32, #tpu.memory_space<vmem_shared>> -> memref<32x144xf32, #tpu.memory_space<vmem_shared>>
    tpu.wait_dma2 semaphore(%arg18 : memref<!tpu.dma_semaphore, #tpu.memory_space<semaphore_mem>>) src(%arg6 : memref<32x144xf32, #tpu.memory_space<vmem>>) dst(%dma_wait3A_239 : memref<32x144xf32, #tpu.memory_space<vmem_shared>>)
    %dma_wait3A_240 = arith.constant 0 : i32
    %dma_wait3A_241 = tpu.memref_slice %arg13[%add3A_146, %dma_wait3A_240] : memref<10240x144xf32, #tpu.memory_space<vmem_shared>> -> memref<32x144xf32, #tpu.memory_space<vmem_shared>>
    %dma_wait3A_242 = arith.constant 0 : i32
    %dma_wait3A_243 = tpu.memref_slice %arg13[%add3A_146, %dma_wait3A_242] : memref<10240x144xf32, #tpu.memory_space<vmem_shared>> -> memref<32x144xf32, #tpu.memory_space<vmem_shared>>
    tpu.wait_dma2 semaphore(%arg18 : memref<!tpu.dma_semaphore, #tpu.memory_space<semaphore_mem>>) src(%arg6 : memref<32x144xf32, #tpu.memory_space<vmem>>) dst(%dma_wait3A_243 : memref<32x144xf32, #tpu.memory_space<vmem_shared>>)
    %dma_wait3A_244 = arith.constant 0 : i32
    %dma_wait3A_245 = tpu.memref_slice %arg13[%add3A_154, %dma_wait3A_244] : memref<10240x144xf32, #tpu.memory_space<vmem_shared>> -> memref<32x144xf32, #tpu.memory_space<vmem_shared>>
    %dma_wait3A_246 = arith.constant 0 : i32
    %dma_wait3A_247 = tpu.memref_slice %arg13[%add3A_154, %dma_wait3A_246] : memref<10240x144xf32, #tpu.memory_space<vmem_shared>> -> memref<32x144xf32, #tpu.memory_space<vmem_shared>>
    tpu.wait_dma2 semaphore(%arg18 : memref<!tpu.dma_semaphore, #tpu.memory_space<semaphore_mem>>) src(%arg6 : memref<32x144xf32, #tpu.memory_space<vmem>>) dst(%dma_wait3A_247 : memref<32x144xf32, #tpu.memory_space<vmem_shared>>)
    %dma_wait3A_248 = arith.constant 0 : i32
    %dma_wait3A_249 = tpu.memref_slice %arg13[%add3A_162, %dma_wait3A_248] : memref<10240x144xf32, #tpu.memory_space<vmem_shared>> -> memref<32x144xf32, #tpu.memory_space<vmem_shared>>
    %dma_wait3A_250 = arith.constant 0 : i32
    %dma_wait3A_251 = tpu.memref_slice %arg13[%add3A_162, %dma_wait3A_250] : memref<10240x144xf32, #tpu.memory_space<vmem_shared>> -> memref<32x144xf32, #tpu.memory_space<vmem_shared>>
    tpu.wait_dma2 semaphore(%arg18 : memref<!tpu.dma_semaphore, #tpu.memory_space<semaphore_mem>>) src(%arg6 : memref<32x144xf32, #tpu.memory_space<vmem>>) dst(%dma_wait3A_251 : memref<32x144xf32, #tpu.memory_space<vmem_shared>>)
    %barrier3A = arith.constant 0 : index
    tpu.barrier barrier_id(%barrier3A)
    %dma_start3A_252 = arith.constant 0 : i32
    %dma_start3A_253 = arith.constant 0 : i32
    %dma_start3A_254 = tpu.memref_slice %arg7[%dma_start3A_252, %dma_start3A_253] : memref<250x40xi32, #tpu.memory_space<vmem>> -> memref<1x40xi32, #tpu.memory_space<vmem>>
    %dma_start3A_255 = tpu.memref_squeeze %dma_start3A_254 : memref<1x40xi32, #tpu.memory_space<vmem>> -> memref<40xi32, #tpu.memory_space<vmem>>
    %dma_start3A_256 = arith.constant 0 : i32
    %dma_start3A_257 = arith.constant 0 : i32
    %dma_start3A_258 = tpu.memref_slice %arg2[%dma_start3A_256, %dma_start3A_257] : memref<10000x144xf32, #tpu.memory_space<hbm>> -> memref<10000x144xf32, #tpu.memory_space<hbm>>
    tpu.enqueue_indirect_dma source(%dma_start3A_258 : memref<10000x144xf32, #tpu.memory_space<hbm>>) target(%arg9 : memref<40x144xf32, #tpu.memory_space<vmem>>) offsets(%dma_start3A_255 : memref<40xi32, #tpu.memory_space<vmem>>) semaphore(%arg14 : memref<!tpu.dma_semaphore, #tpu.memory_space<semaphore_mem>>)
    %dma_start3A_259 = arith.constant 0 : i32
    %dma_start3A_260 = arith.constant 0 : i32
    %dma_start3A_261 = tpu.memref_slice %arg8[%dma_start3A_259, %dma_start3A_260] : memref<250x40xi32, #tpu.memory_space<vmem>> -> memref<1x40xi32, #tpu.memory_space<vmem>>
    %dma_start3A_262 = tpu.memref_squeeze %dma_start3A_261 : memref<1x40xi32, #tpu.memory_space<vmem>> -> memref<40xi32, #tpu.memory_space<vmem>>
    %dma_start3A_263 = arith.constant 0 : i32
    %dma_start3A_264 = arith.constant 0 : i32
    %dma_start3A_265 = tpu.memref_slice %arg3[%dma_start3A_263, %dma_start3A_264] : memref<10000x16xf32, #tpu.memory_space<hbm>> -> memref<10000x16xf32, #tpu.memory_space<hbm>>
    tpu.enqueue_indirect_dma source(%dma_start3A_265 : memref<10000x16xf32, #tpu.memory_space<hbm>>) target(%arg11 : memref<40x16xf32, #tpu.memory_space<vmem>>) offsets(%dma_start3A_262 : memref<40xi32, #tpu.memory_space<vmem>>) semaphore(%arg16 : memref<!tpu.dma_semaphore, #tpu.memory_space<semaphore_mem>>)
    %dma_start3A_266 = arith.constant 1 : i32
    %dma_start3A_267 = arith.constant 0 : i32
    %dma_start3A_268 = tpu.memref_slice %arg7[%dma_start3A_266, %dma_start3A_267] : memref<250x40xi32, #tpu.memory_space<vmem>> -> memref<1x40xi32, #tpu.memory_space<vmem>>
    %dma_start3A_269 = tpu.memref_squeeze %dma_start3A_268 : memref<1x40xi32, #tpu.memory_space<vmem>> -> memref<40xi32, #tpu.memory_space<vmem>>
    %dma_start3A_270 = arith.constant 0 : i32
    %dma_start3A_271 = arith.constant 0 : i32
    %dma_start3A_272 = tpu.memref_slice %arg2[%dma_start3A_270, %dma_start3A_271] : memref<10000x144xf32, #tpu.memory_space<hbm>> -> memref<10000x144xf32, #tpu.memory_space<hbm>>
    tpu.enqueue_indirect_dma source(%dma_start3A_272 : memref<10000x144xf32, #tpu.memory_space<hbm>>) target(%arg10 : memref<40x144xf32, #tpu.memory_space<vmem>>) offsets(%dma_start3A_269 : memref<40xi32, #tpu.memory_space<vmem>>) semaphore(%arg15 : memref<!tpu.dma_semaphore, #tpu.memory_space<semaphore_mem>>)
    %dma_start3A_273 = arith.constant 1 : i32
    %dma_start3A_274 = arith.constant 0 : i32
    %dma_start3A_275 = tpu.memref_slice %arg8[%dma_start3A_273, %dma_start3A_274] : memref<250x40xi32, #tpu.memory_space<vmem>> -> memref<1x40xi32, #tpu.memory_space<vmem>>
    %dma_start3A_276 = tpu.memref_squeeze %dma_start3A_275 : memref<1x40xi32, #tpu.memory_space<vmem>> -> memref<40xi32, #tpu.memory_space<vmem>>
    %dma_start3A_277 = arith.constant 0 : i32
    %dma_start3A_278 = arith.constant 0 : i32
    %dma_start3A_279 = tpu.memref_slice %arg3[%dma_start3A_277, %dma_start3A_278] : memref<10000x16xf32, #tpu.memory_space<hbm>> -> memref<10000x16xf32, #tpu.memory_space<hbm>>
    tpu.enqueue_indirect_dma source(%dma_start3A_279 : memref<10000x16xf32, #tpu.memory_space<hbm>>) target(%arg12 : memref<40x16xf32, #tpu.memory_space<vmem>>) offsets(%dma_start3A_276 : memref<40xi32, #tpu.memory_space<vmem>>) semaphore(%arg17 : memref<!tpu.dma_semaphore, #tpu.memory_space<semaphore_mem>>)
    %scan3A_280 = arith.constant 0 : i32
    %scan3A_281 = arith.constant 0 : i32
    %scan3A_282 = arith.constant 125 : i32
    %scan3A_283 = arith.addi %scan3A_281, %scan3A_282 : i32
    %scan3A_284 = arith.constant 1 : i32
    scf.for %scan3A_289 = %scan3A_281 to %scan3A_283 step %scan3A_284  : i32 {
      %mul3A_290 = arith.constant 2 : i32
      %mul3A_291 = arith.muli %mul3A_290, %scan3A_289 : i32
      %dma_wait3A_292 = arith.constant 0 : i32
      %dma_wait3A_293 = arith.constant 0 : i32
      %dma_wait3A_294 = tpu.memref_slice %arg7[%dma_wait3A_292, %dma_wait3A_293] : memref<250x40xi32, #tpu.memory_space<vmem>> -> memref<1x40xi32, #tpu.memory_space<vmem>>
      %dma_wait3A_295 = tpu.memref_squeeze %dma_wait3A_294 : memref<1x40xi32, #tpu.memory_space<vmem>> -> memref<40xi32, #tpu.memory_space<vmem>>
      %dma_wait3A_296 = arith.constant 0 : i32
      %dma_wait3A_297 = arith.constant 0 : i32
      %dma_wait3A_298 = tpu.memref_slice %arg2[%dma_wait3A_296, %dma_wait3A_297] : memref<10000x144xf32, #tpu.memory_space<hbm>> -> memref<10000x144xf32, #tpu.memory_space<hbm>>
      tpu.wait_indirect_dma semaphore(%arg14 : memref<!tpu.dma_semaphore, #tpu.memory_space<semaphore_mem>>) src(%dma_wait3A_298 : memref<10000x144xf32, #tpu.memory_space<hbm>>) dst(%arg9 : memref<40x144xf32, #tpu.memory_space<vmem>>)
      %dma_wait3A_299 = arith.constant 0 : i32
      %dma_wait3A_300 = arith.constant 0 : i32
      %dma_wait3A_301 = tpu.memref_slice %arg8[%dma_wait3A_299, %dma_wait3A_300] : memref<250x40xi32, #tpu.memory_space<vmem>> -> memref<1x40xi32, #tpu.memory_space<vmem>>
      %dma_wait3A_302 = tpu.memref_squeeze %dma_wait3A_301 : memref<1x40xi32, #tpu.memory_space<vmem>> -> memref<40xi32, #tpu.memory_space<vmem>>
      %dma_wait3A_303 = arith.constant 0 : i32
      %dma_wait3A_304 = arith.constant 0 : i32
      %dma_wait3A_305 = tpu.memref_slice %arg3[%dma_wait3A_303, %dma_wait3A_304] : memref<10000x16xf32, #tpu.memory_space<hbm>> -> memref<10000x16xf32, #tpu.memory_space<hbm>>
      tpu.wait_indirect_dma semaphore(%arg16 : memref<!tpu.dma_semaphore, #tpu.memory_space<semaphore_mem>>) src(%dma_wait3A_305 : memref<10000x16xf32, #tpu.memory_space<hbm>>) dst(%arg11 : memref<40x16xf32, #tpu.memory_space<vmem>>)
      "tpu.region"() ({
        %run_scoped3A = tpu.sem_alloc : memref<!tpu.dma_semaphore, #tpu.memory_space<semaphore_mem>>
        %dma_start3A_333 = arith.constant 0 : i32
        %dma_start3A_334 = tpu.memref_slice %arg8[%mul3A_291, %dma_start3A_333] : memref<250x40xi32, #tpu.memory_space<vmem>> -> memref<1x40xi32, #tpu.memory_space<vmem>>
        %dma_start3A_335 = tpu.memref_squeeze %dma_start3A_334 : memref<1x40xi32, #tpu.memory_space<vmem>> -> memref<40xi32, #tpu.memory_space<vmem>>
        %dma_start3A_336 = arith.constant 0 : i32
        %dma_start3A_337 = arith.constant 0 : i32
        %dma_start3A_338 = tpu.memref_slice %arg13[%dma_start3A_336, %dma_start3A_337] : memref<10240x144xf32, #tpu.memory_space<vmem_shared>> -> memref<10240x144xf32, #tpu.memory_space<vmem_shared>>
        tpu.enqueue_indirect_dma source(%arg9 : memref<40x144xf32, #tpu.memory_space<vmem>>) target(%dma_start3A_338 : memref<10240x144xf32, #tpu.memory_space<vmem_shared>>) offsets(%dma_start3A_335 : memref<40xi32, #tpu.memory_space<vmem>>) semaphore(%run_scoped3A : memref<!tpu.dma_semaphore, #tpu.memory_space<semaphore_mem>>) {add = true}
        %dma_wait3A_339 = arith.constant 0 : i32
        %dma_wait3A_340 = tpu.memref_slice %arg8[%mul3A_291, %dma_wait3A_339] : memref<250x40xi32, #tpu.memory_space<vmem>> -> memref<1x40xi32, #tpu.memory_space<vmem>>
        %dma_wait3A_341 = tpu.memref_squeeze %dma_wait3A_340 : memref<1x40xi32, #tpu.memory_space<vmem>> -> memref<40xi32, #tpu.memory_space<vmem>>
        %dma_wait3A_342 = arith.constant 0 : i32
        %dma_wait3A_343 = arith.constant 0 : i32
        %dma_wait3A_344 = tpu.memref_slice %arg13[%dma_wait3A_342, %dma_wait3A_343] : memref<10240x144xf32, #tpu.memory_space<vmem_shared>> -> memref<10240x144xf32, #tpu.memory_space<vmem_shared>>
        tpu.wait_indirect_dma semaphore(%run_scoped3A : memref<!tpu.dma_semaphore, #tpu.memory_space<semaphore_mem>>) src(%arg9 : memref<40x144xf32, #tpu.memory_space<vmem>>) dst(%dma_wait3A_344 : memref<10240x144xf32, #tpu.memory_space<vmem_shared>>)
        tpu.yield
      }) : () -> ()
      %dma_wait3A_306 = arith.constant 0 : i32
      %dma_wait3A_307 = arith.constant 0 : i32
      %dma_wait3A_308 = tpu.memref_slice %arg7[%dma_wait3A_306, %dma_wait3A_307] : memref<250x40xi32, #tpu.memory_space<vmem>> -> memref<1x40xi32, #tpu.memory_space<vmem>>
      %dma_wait3A_309 = tpu.memref_squeeze %dma_wait3A_308 : memref<1x40xi32, #tpu.memory_space<vmem>> -> memref<40xi32, #tpu.memory_space<vmem>>
      %dma_wait3A_310 = arith.constant 0 : i32
      %dma_wait3A_311 = arith.constant 0 : i32
      %dma_wait3A_312 = tpu.memref_slice %arg2[%dma_wait3A_310, %dma_wait3A_311] : memref<10000x144xf32, #tpu.memory_space<hbm>> -> memref<10000x144xf32, #tpu.memory_space<hbm>>
      tpu.wait_indirect_dma semaphore(%arg15 : memref<!tpu.dma_semaphore, #tpu.memory_space<semaphore_mem>>) src(%dma_wait3A_312 : memref<10000x144xf32, #tpu.memory_space<hbm>>) dst(%arg10 : memref<40x144xf32, #tpu.memory_space<vmem>>)
      %dma_wait3A_313 = arith.constant 0 : i32
      %dma_wait3A_314 = arith.constant 0 : i32
      %dma_wait3A_315 = tpu.memref_slice %arg8[%dma_wait3A_313, %dma_wait3A_314] : memref<250x40xi32, #tpu.memory_space<vmem>> -> memref<1x40xi32, #tpu.memory_space<vmem>>
      %dma_wait3A_316 = tpu.memref_squeeze %dma_wait3A_315 : memref<1x40xi32, #tpu.memory_space<vmem>> -> memref<40xi32, #tpu.memory_space<vmem>>
      %dma_wait3A_317 = arith.constant 0 : i32
      %dma_wait3A_318 = arith.constant 0 : i32
      %dma_wait3A_319 = tpu.memref_slice %arg3[%dma_wait3A_317, %dma_wait3A_318] : memref<10000x16xf32, #tpu.memory_space<hbm>> -> memref<10000x16xf32, #tpu.memory_space<hbm>>
      tpu.wait_indirect_dma semaphore(%arg17 : memref<!tpu.dma_semaphore, #tpu.memory_space<semaphore_mem>>) src(%dma_wait3A_319 : memref<10000x16xf32, #tpu.memory_space<hbm>>) dst(%arg12 : memref<40x16xf32, #tpu.memory_space<vmem>>)
      %add3A_320 = arith.constant 2 : i32
      %add3A_321 = arith.addi %mul3A_291, %add3A_320 : i32
      %lt3A = arith.constant 250 : i32
      %lt3A_322 = arith.cmpi slt, %add3A_321, %lt3A : i32
      %convert_element_type3A = arith.extui %lt3A_322 : i1 to i32
      %cond3A = arith.constant 0 : i32
      %cond3A_323 = arith.cmpi ne, %convert_element_type3A, %cond3A : i32
      scf.if %cond3A_323 {
        %add3A_333 = arith.constant 2 : i32
        %add3A_334 = arith.addi %mul3A_291, %add3A_333 : i32
        %dma_start3A_335 = arith.constant 0 : i32
        %dma_start3A_336 = tpu.memref_slice %arg7[%add3A_334, %dma_start3A_335] : memref<250x40xi32, #tpu.memory_space<vmem>> -> memref<1x40xi32, #tpu.memory_space<vmem>>
        %dma_start3A_337 = tpu.memref_squeeze %dma_start3A_336 : memref<1x40xi32, #tpu.memory_space<vmem>> -> memref<40xi32, #tpu.memory_space<vmem>>
        %dma_start3A_338 = arith.constant 0 : i32
        %dma_start3A_339 = arith.constant 0 : i32
        %dma_start3A_340 = tpu.memref_slice %arg2[%dma_start3A_338, %dma_start3A_339] : memref<10000x144xf32, #tpu.memory_space<hbm>> -> memref<10000x144xf32, #tpu.memory_space<hbm>>
        tpu.enqueue_indirect_dma source(%dma_start3A_340 : memref<10000x144xf32, #tpu.memory_space<hbm>>) target(%arg9 : memref<40x144xf32, #tpu.memory_space<vmem>>) offsets(%dma_start3A_337 : memref<40xi32, #tpu.memory_space<vmem>>) semaphore(%arg14 : memref<!tpu.dma_semaphore, #tpu.memory_space<semaphore_mem>>)
        %dma_start3A_341 = arith.constant 0 : i32
        %dma_start3A_342 = tpu.memref_slice %arg8[%add3A_334, %dma_start3A_341] : memref<250x40xi32, #tpu.memory_space<vmem>> -> memref<1x40xi32, #tpu.memory_space<vmem>>
        %dma_start3A_343 = tpu.memref_squeeze %dma_start3A_342 : memref<1x40xi32, #tpu.memory_space<vmem>> -> memref<40xi32, #tpu.memory_space<vmem>>
        %dma_start3A_344 = arith.constant 0 : i32
        %dma_start3A_345 = arith.constant 0 : i32
        %dma_start3A_346 = tpu.memref_slice %arg3[%dma_start3A_344, %dma_start3A_345] : memref<10000x16xf32, #tpu.memory_space<hbm>> -> memref<10000x16xf32, #tpu.memory_space<hbm>>
        tpu.enqueue_indirect_dma source(%dma_start3A_346 : memref<10000x16xf32, #tpu.memory_space<hbm>>) target(%arg11 : memref<40x16xf32, #tpu.memory_space<vmem>>) offsets(%dma_start3A_343 : memref<40xi32, #tpu.memory_space<vmem>>) semaphore(%arg16 : memref<!tpu.dma_semaphore, #tpu.memory_space<semaphore_mem>>)
      } else {
      }
      %add3A_324 = arith.constant 1 : i32
      %add3A_325 = arith.addi %mul3A_291, %add3A_324 : i32
      "tpu.region"() ({
        %run_scoped3A = tpu.sem_alloc : memref<!tpu.dma_semaphore, #tpu.memory_space<semaphore_mem>>
        %dma_start3A_333 = arith.constant 0 : i32
        %dma_start3A_334 = tpu.memref_slice %arg8[%add3A_325, %dma_start3A_333] : memref<250x40xi32, #tpu.memory_space<vmem>> -> memref<1x40xi32, #tpu.memory_space<vmem>>
        %dma_start3A_335 = tpu.memref_squeeze %dma_start3A_334 : memref<1x40xi32, #tpu.memory_space<vmem>> -> memref<40xi32, #tpu.memory_space<vmem>>
        %dma_start3A_336 = arith.constant 0 : i32
        %dma_start3A_337 = arith.constant 0 : i32
        %dma_start3A_338 = tpu.memref_slice %arg13[%dma_start3A_336, %dma_start3A_337] : memref<10240x144xf32, #tpu.memory_space<vmem_shared>> -> memref<10240x144xf32, #tpu.memory_space<vmem_shared>>
        tpu.enqueue_indirect_dma source(%arg10 : memref<40x144xf32, #tpu.memory_space<vmem>>) target(%dma_start3A_338 : memref<10240x144xf32, #tpu.memory_space<vmem_shared>>) offsets(%dma_start3A_335 : memref<40xi32, #tpu.memory_space<vmem>>) semaphore(%run_scoped3A : memref<!tpu.dma_semaphore, #tpu.memory_space<semaphore_mem>>) {add = true}
        %dma_wait3A_339 = arith.constant 0 : i32
        %dma_wait3A_340 = tpu.memref_slice %arg8[%add3A_325, %dma_wait3A_339] : memref<250x40xi32, #tpu.memory_space<vmem>> -> memref<1x40xi32, #tpu.memory_space<vmem>>
        %dma_wait3A_341 = tpu.memref_squeeze %dma_wait3A_340 : memref<1x40xi32, #tpu.memory_space<vmem>> -> memref<40xi32, #tpu.memory_space<vmem>>
        %dma_wait3A_342 = arith.constant 0 : i32
        %dma_wait3A_343 = arith.constant 0 : i32
        %dma_wait3A_344 = tpu.memref_slice %arg13[%dma_wait3A_342, %dma_wait3A_343] : memref<10240x144xf32, #tpu.memory_space<vmem_shared>> -> memref<10240x144xf32, #tpu.memory_space<vmem_shared>>
        tpu.wait_indirect_dma semaphore(%run_scoped3A : memref<!tpu.dma_semaphore, #tpu.memory_space<semaphore_mem>>) src(%arg10 : memref<40x144xf32, #tpu.memory_space<vmem>>) dst(%dma_wait3A_344 : memref<10240x144xf32, #tpu.memory_space<vmem_shared>>)
        tpu.yield
      }) : () -> ()
      %add3A_326 = arith.constant 3 : i32
      %add3A_327 = arith.addi %mul3A_291, %add3A_326 : i32
      %lt3A_328 = arith.constant 250 : i32
      %lt3A_329 = arith.cmpi slt, %add3A_327, %lt3A_328 : i32
      %convert_element_type3A_330 = arith.extui %lt3A_329 : i1 to i32
      %cond3A_331 = arith.constant 0 : i32
      %cond3A_332 = arith.cmpi ne, %convert_element_type3A_330, %cond3A_331 : i32
      scf.if %cond3A_332 {
        %add3A_333 = arith.constant 3 : i32
        %add3A_334 = arith.addi %mul3A_291, %add3A_333 : i32
        %dma_start3A_335 = arith.constant 0 : i32
        %dma_start3A_336 = tpu.memref_slice %arg7[%add3A_334, %dma_start3A_335] : memref<250x40xi32, #tpu.memory_space<vmem>> -> memref<1x40xi32, #tpu.memory_space<vmem>>
        %dma_start3A_337 = tpu.memref_squeeze %dma_start3A_336 : memref<1x40xi32, #tpu.memory_space<vmem>> -> memref<40xi32, #tpu.memory_space<vmem>>
        %dma_start3A_338 = arith.constant 0 : i32
        %dma_start3A_339 = arith.constant 0 : i32
        %dma_start3A_340 = tpu.memref_slice %arg2[%dma_start3A_338, %dma_start3A_339] : memref<10000x144xf32, #tpu.memory_space<hbm>> -> memref<10000x144xf32, #tpu.memory_space<hbm>>
        tpu.enqueue_indirect_dma source(%dma_start3A_340 : memref<10000x144xf32, #tpu.memory_space<hbm>>) target(%arg10 : memref<40x144xf32, #tpu.memory_space<vmem>>) offsets(%dma_start3A_337 : memref<40xi32, #tpu.memory_space<vmem>>) semaphore(%arg15 : memref<!tpu.dma_semaphore, #tpu.memory_space<semaphore_mem>>)
        %dma_start3A_341 = arith.constant 0 : i32
        %dma_start3A_342 = tpu.memref_slice %arg8[%add3A_334, %dma_start3A_341] : memref<250x40xi32, #tpu.memory_space<vmem>> -> memref<1x40xi32, #tpu.memory_space<vmem>>
        %dma_start3A_343 = tpu.memref_squeeze %dma_start3A_342 : memref<1x40xi32, #tpu.memory_space<vmem>> -> memref<40xi32, #tpu.memory_space<vmem>>
        %dma_start3A_344 = arith.constant 0 : i32
        %dma_start3A_345 = arith.constant 0 : i32
        %dma_start3A_346 = tpu.memref_slice %arg3[%dma_start3A_344, %dma_start3A_345] : memref<10000x16xf32, #tpu.memory_space<hbm>> -> memref<10000x16xf32, #tpu.memory_space<hbm>>
        tpu.enqueue_indirect_dma source(%dma_start3A_346 : memref<10000x16xf32, #tpu.memory_space<hbm>>) target(%arg12 : memref<40x16xf32, #tpu.memory_space<vmem>>) offsets(%dma_start3A_343 : memref<40xi32, #tpu.memory_space<vmem>>) semaphore(%arg17 : memref<!tpu.dma_semaphore, #tpu.memory_space<semaphore_mem>>)
      } else {
      }
    }
    %scan3A_285 = arith.constant 125 : i32
    %barrier3A_286 = arith.constant 0 : index
    tpu.barrier barrier_id(%barrier3A_286)
    %mul3A_287 = arith.constant 640 : i32
    %mul3A_288 = arith.muli %arg1, %mul3A_287 : i32
    "tpu.region"() ({
      %run_scoped3A = tpu.sem_alloc : memref<!tpu.dma_semaphore, #tpu.memory_space<semaphore_mem>>
      %dma_start3A_289 = arith.constant 0 : i32
      %dma_start3A_290 = tpu.memref_slice %arg5[%arg0, %mul3A_288, %dma_start3A_289] : memref<2x10240x144xf32, #tpu.memory_space<hbm>> -> memref<1x640x144xf32, #tpu.memory_space<hbm>>
      %dma_start3A_291 = tpu.memref_squeeze %dma_start3A_290 : memref<1x640x144xf32, #tpu.memory_space<hbm>> -> memref<640x144xf32, #tpu.memory_space<hbm>>
      %dma_start3A_292 = arith.constant 0 : i32
      %dma_start3A_293 = tpu.memref_slice %arg13[%mul3A_288, %dma_start3A_292] : memref<10240x144xf32, #tpu.memory_space<vmem_shared>> -> memref<640x144xf32, #tpu.memory_space<vmem_shared>>
      tpu.enqueue_dma source(%dma_start3A_293 : memref<640x144xf32, #tpu.memory_space<vmem_shared>>) target(%dma_start3A_291 : memref<640x144xf32, #tpu.memory_space<hbm>>) target_semaphore(%run_scoped3A : memref<!tpu.dma_semaphore, #tpu.memory_space<semaphore_mem>>)
      %dma_wait3A_294 = arith.constant 0 : i32
      %dma_wait3A_295 = tpu.memref_slice %arg5[%arg0, %mul3A_288, %dma_wait3A_294] : memref<2x10240x144xf32, #tpu.memory_space<hbm>> -> memref<1x640x144xf32, #tpu.memory_space<hbm>>
      %dma_wait3A_296 = tpu.memref_squeeze %dma_wait3A_295 : memref<1x640x144xf32, #tpu.memory_space<hbm>> -> memref<640x144xf32, #tpu.memory_space<hbm>>
      %dma_wait3A_297 = arith.constant 0 : i32
      %dma_wait3A_298 = tpu.memref_slice %arg13[%mul3A_288, %dma_wait3A_297] : memref<10240x144xf32, #tpu.memory_space<vmem_shared>> -> memref<640x144xf32, #tpu.memory_space<vmem_shared>>
      tpu.wait_dma2 semaphore(%run_scoped3A : memref<!tpu.dma_semaphore, #tpu.memory_space<semaphore_mem>>) src(%dma_wait3A_298 : memref<640x144xf32, #tpu.memory_space<vmem_shared>>) dst(%dma_wait3A_296 : memref<640x144xf32, #tpu.memory_space<hbm>>)
      tpu.yield
    }) : () -> ()
    return
  }
}

#map = affine_map<(d0, d1) -> (0, 0)>
#map1 = affine_map<(d0, d1) -> (0, 0, 0)>
module attributes {stable_mosaic.version = 14 : i64} {
  func.func @edge_kernel(%arg0: i32, %arg1: i32, %arg2: memref<10000x80xf32, #tpu.memory_space<hbm>>, %arg3: memref<10000x16xf32, #tpu.memory_space<hbm>>, %arg4: memref<8000x80xi32, #tpu.memory_space<hbm>>, %arg5: memref<2x10240x80xf32, #tpu.memory_space<hbm>>, %arg6: memref<32x80xf32, #tpu.memory_space<vmem>>, %arg7: memref<125x80xi32, #tpu.memory_space<vmem>>, %arg8: memref<125x80xi32, #tpu.memory_space<vmem>>, %arg9: memref<80x80xf32, #tpu.memory_space<vmem>>, %arg10: memref<80x80xf32, #tpu.memory_space<vmem>>, %arg11: memref<80x16xf32, #tpu.memory_space<vmem>>, %arg12: memref<80x16xf32, #tpu.memory_space<vmem>>, %arg13: memref<10240x80xf32, #tpu.memory_space<vmem_shared>>, %arg14: memref<!tpu.dma_semaphore, #tpu.memory_space<semaphore_mem>>, %arg15: memref<!tpu.dma_semaphore, #tpu.memory_space<semaphore_mem>>, %arg16: memref<!tpu.dma_semaphore, #tpu.memory_space<semaphore_mem>>, %arg17: memref<!tpu.dma_semaphore, #tpu.memory_space<semaphore_mem>>, %arg18: memref<!tpu.dma_semaphore, #tpu.memory_space<semaphore_mem>>) attributes {dimension_semantics = [#tpu.dimension_semantics<core_parallel>, #tpu.dimension_semantics<subcore_parallel>], iteration_bounds = array<i64: 2, 16>, scalar_prefetch = 0 : i64, scratch_operands = 13 : i64, tpu.core_type = #tpu.core_type<sc_vector_subcore>, window_params = [{transform_indices = #map}, {transform_indices = #map}, {transform_indices = #map}, {transform_indices = #map1}]} {
    %mul3A = arith.constant 16 : i32
    %mul3A_0 = arith.muli %arg0, %mul3A : i32
    %add3A = arith.addi %mul3A_0, %arg1 : i32
    %mul3A_1 = arith.constant 10000 : i32
    %mul3A_2 = arith.muli %add3A, %mul3A_1 : i32
    %scan3A = arith.constant 0 : i32
    %scan3A_3 = arith.constant 0 : i32
    %scan3A_4 = arith.constant 32 : i32
    %scan3A_5 = arith.addi %scan3A_3, %scan3A_4 : i32
    %scan3A_6 = arith.constant 1 : i32
    scf.for %scan3A_303 = %scan3A_3 to %scan3A_5 step %scan3A_6  : i32 {
      %broadcast_in_dim3A = arith.constant 0.000000e+00 : f32
      %broadcast_in_dim3A_304 = vector.broadcast %broadcast_in_dim3A : f32 to vector<16xf32>
      %swap3A = arith.index_cast %scan3A_303 : i32 to index
      %swap3A_305 = arith.constant 0 : index
      %swap3A_306 = tpu.vector_load %arg6[%swap3A, %swap3A_305] {strides = array<i32>} : memref<32x80xf32, #tpu.memory_space<vmem>>, vector<1x16xf32>,
      %swap3A_307 = vector.shape_cast %swap3A_306 : vector<1x16xf32> to vector<16xf32>
      %swap3A_308 = vector.shape_cast %broadcast_in_dim3A_304 : vector<16xf32> to vector<1x16xf32>
      tpu.vector_store %arg6[%swap3A, %swap3A_305], %swap3A_308 {strides = array<i32>} : memref<32x80xf32, #tpu.memory_space<vmem>>, vector<1x16xf32>,
      %broadcast_in_dim3A_309 = arith.constant 0.000000e+00 : f32
      %broadcast_in_dim3A_310 = vector.broadcast %broadcast_in_dim3A_309 : f32 to vector<16xf32>
      %swap3A_311 = arith.index_cast %scan3A_303 : i32 to index
      %swap3A_312 = arith.constant 16 : index
      %swap3A_313 = tpu.vector_load %arg6[%swap3A_311, %swap3A_312] {strides = array<i32>} : memref<32x80xf32, #tpu.memory_space<vmem>>, vector<1x16xf32>,
      %swap3A_314 = vector.shape_cast %swap3A_313 : vector<1x16xf32> to vector<16xf32>
      %swap3A_315 = vector.shape_cast %broadcast_in_dim3A_310 : vector<16xf32> to vector<1x16xf32>
      tpu.vector_store %arg6[%swap3A_311, %swap3A_312], %swap3A_315 {strides = array<i32>} : memref<32x80xf32, #tpu.memory_space<vmem>>, vector<1x16xf32>,
      %broadcast_in_dim3A_316 = arith.constant 0.000000e+00 : f32
      %broadcast_in_dim3A_317 = vector.broadcast %broadcast_in_dim3A_316 : f32 to vector<16xf32>
      %swap3A_318 = arith.index_cast %scan3A_303 : i32 to index
      %swap3A_319 = arith.constant 32 : index
      %swap3A_320 = tpu.vector_load %arg6[%swap3A_318, %swap3A_319] {strides = array<i32>} : memref<32x80xf32, #tpu.memory_space<vmem>>, vector<1x16xf32>,
      %swap3A_321 = vector.shape_cast %swap3A_320 : vector<1x16xf32> to vector<16xf32>
      %swap3A_322 = vector.shape_cast %broadcast_in_dim3A_317 : vector<16xf32> to vector<1x16xf32>
      tpu.vector_store %arg6[%swap3A_318, %swap3A_319], %swap3A_322 {strides = array<i32>} : memref<32x80xf32, #tpu.memory_space<vmem>>, vector<1x16xf32>,
      %broadcast_in_dim3A_323 = arith.constant 0.000000e+00 : f32
      %broadcast_in_dim3A_324 = vector.broadcast %broadcast_in_dim3A_323 : f32 to vector<16xf32>
      %swap3A_325 = arith.index_cast %scan3A_303 : i32 to index
      %swap3A_326 = arith.constant 48 : index
      %swap3A_327 = tpu.vector_load %arg6[%swap3A_325, %swap3A_326] {strides = array<i32>} : memref<32x80xf32, #tpu.memory_space<vmem>>, vector<1x16xf32>,
      %swap3A_328 = vector.shape_cast %swap3A_327 : vector<1x16xf32> to vector<16xf32>
      %swap3A_329 = vector.shape_cast %broadcast_in_dim3A_324 : vector<16xf32> to vector<1x16xf32>
      tpu.vector_store %arg6[%swap3A_325, %swap3A_326], %swap3A_329 {strides = array<i32>} : memref<32x80xf32, #tpu.memory_space<vmem>>, vector<1x16xf32>,
      %broadcast_in_dim3A_330 = arith.constant 0.000000e+00 : f32
      %broadcast_in_dim3A_331 = vector.broadcast %broadcast_in_dim3A_330 : f32 to vector<16xf32>
      %swap3A_332 = arith.index_cast %scan3A_303 : i32 to index
      %swap3A_333 = arith.constant 64 : index
      %swap3A_334 = tpu.vector_load %arg6[%swap3A_332, %swap3A_333] {strides = array<i32>} : memref<32x80xf32, #tpu.memory_space<vmem>>, vector<1x16xf32>,
      %swap3A_335 = vector.shape_cast %swap3A_334 : vector<1x16xf32> to vector<16xf32>
      %swap3A_336 = vector.shape_cast %broadcast_in_dim3A_331 : vector<16xf32> to vector<1x16xf32>
      tpu.vector_store %arg6[%swap3A_332, %swap3A_333], %swap3A_336 {strides = array<i32>} : memref<32x80xf32, #tpu.memory_space<vmem>>, vector<1x16xf32>,
    }
    %scan3A_7 = arith.constant 32 : i32
    %mul3A_8 = arith.constant 640 : i32
    %mul3A_9 = arith.muli %arg1, %mul3A_8 : i32
    %add3A_10 = arith.constant 0 : i32
    %add3A_11 = arith.addi %mul3A_9, %add3A_10 : i32
    %dma_start3A = arith.constant 0 : i32
    %dma_start3A_12 = tpu.memref_slice %arg13[%add3A_11, %dma_start3A] : memref<10240x80xf32, #tpu.memory_space<vmem_shared>> -> memref<32x80xf32, #tpu.memory_space<vmem_shared>>
    %dma_start3A_13 = arith.constant 0 : i32
    %dma_start3A_14 = tpu.memref_slice %arg13[%add3A_11, %dma_start3A_13] : memref<10240x80xf32, #tpu.memory_space<vmem_shared>> -> memref<32x80xf32, #tpu.memory_space<vmem_shared>>
    tpu.enqueue_dma source(%arg6 : memref<32x80xf32, #tpu.memory_space<vmem>>) target(%dma_start3A_14 : memref<32x80xf32, #tpu.memory_space<vmem_shared>>) target_semaphore(%arg18 : memref<!tpu.dma_semaphore, #tpu.memory_space<semaphore_mem>>)
    %mul3A_15 = arith.constant 640 : i32
    %mul3A_16 = arith.muli %arg1, %mul3A_15 : i32
    %add3A_17 = arith.constant 32 : i32
    %add3A_18 = arith.addi %mul3A_16, %add3A_17 : i32
    %dma_start3A_19 = arith.constant 0 : i32
    %dma_start3A_20 = tpu.memref_slice %arg13[%add3A_18, %dma_start3A_19] : memref<10240x80xf32, #tpu.memory_space<vmem_shared>> -> memref<32x80xf32, #tpu.memory_space<vmem_shared>>
    %dma_start3A_21 = arith.constant 0 : i32
    %dma_start3A_22 = tpu.memref_slice %arg13[%add3A_18, %dma_start3A_21] : memref<10240x80xf32, #tpu.memory_space<vmem_shared>> -> memref<32x80xf32, #tpu.memory_space<vmem_shared>>
    tpu.enqueue_dma source(%arg6 : memref<32x80xf32, #tpu.memory_space<vmem>>) target(%dma_start3A_22 : memref<32x80xf32, #tpu.memory_space<vmem_shared>>) target_semaphore(%arg18 : memref<!tpu.dma_semaphore, #tpu.memory_space<semaphore_mem>>)
    %mul3A_23 = arith.constant 640 : i32
    %mul3A_24 = arith.muli %arg1, %mul3A_23 : i32
    %add3A_25 = arith.constant 64 : i32
    %add3A_26 = arith.addi %mul3A_24, %add3A_25 : i32
    %dma_start3A_27 = arith.constant 0 : i32
    %dma_start3A_28 = tpu.memref_slice %arg13[%add3A_26, %dma_start3A_27] : memref<10240x80xf32, #tpu.memory_space<vmem_shared>> -> memref<32x80xf32, #tpu.memory_space<vmem_shared>>
    %dma_start3A_29 = arith.constant 0 : i32
    %dma_start3A_30 = tpu.memref_slice %arg13[%add3A_26, %dma_start3A_29] : memref<10240x80xf32, #tpu.memory_space<vmem_shared>> -> memref<32x80xf32, #tpu.memory_space<vmem_shared>>
    tpu.enqueue_dma source(%arg6 : memref<32x80xf32, #tpu.memory_space<vmem>>) target(%dma_start3A_30 : memref<32x80xf32, #tpu.memory_space<vmem_shared>>) target_semaphore(%arg18 : memref<!tpu.dma_semaphore, #tpu.memory_space<semaphore_mem>>)
    %mul3A_31 = arith.constant 640 : i32
    %mul3A_32 = arith.muli %arg1, %mul3A_31 : i32
    %add3A_33 = arith.constant 96 : i32
    %add3A_34 = arith.addi %mul3A_32, %add3A_33 : i32
    %dma_start3A_35 = arith.constant 0 : i32
    %dma_start3A_36 = tpu.memref_slice %arg13[%add3A_34, %dma_start3A_35] : memref<10240x80xf32, #tpu.memory_space<vmem_shared>> -> memref<32x80xf32, #tpu.memory_space<vmem_shared>>
    %dma_start3A_37 = arith.constant 0 : i32
    %dma_start3A_38 = tpu.memref_slice %arg13[%add3A_34, %dma_start3A_37] : memref<10240x80xf32, #tpu.memory_space<vmem_shared>> -> memref<32x80xf32, #tpu.memory_space<vmem_shared>>
    tpu.enqueue_dma source(%arg6 : memref<32x80xf32, #tpu.memory_space<vmem>>) target(%dma_start3A_38 : memref<32x80xf32, #tpu.memory_space<vmem_shared>>) target_semaphore(%arg18 : memref<!tpu.dma_semaphore, #tpu.memory_space<semaphore_mem>>)
    %mul3A_39 = arith.constant 640 : i32
    %mul3A_40 = arith.muli %arg1, %mul3A_39 : i32
    %add3A_41 = arith.constant 128 : i32
    %add3A_42 = arith.addi %mul3A_40, %add3A_41 : i32
    %dma_start3A_43 = arith.constant 0 : i32
    %dma_start3A_44 = tpu.memref_slice %arg13[%add3A_42, %dma_start3A_43] : memref<10240x80xf32, #tpu.memory_space<vmem_shared>> -> memref<32x80xf32, #tpu.memory_space<vmem_shared>>
    %dma_start3A_45 = arith.constant 0 : i32
    %dma_start3A_46 = tpu.memref_slice %arg13[%add3A_42, %dma_start3A_45] : memref<10240x80xf32, #tpu.memory_space<vmem_shared>> -> memref<32x80xf32, #tpu.memory_space<vmem_shared>>
    tpu.enqueue_dma source(%arg6 : memref<32x80xf32, #tpu.memory_space<vmem>>) target(%dma_start3A_46 : memref<32x80xf32, #tpu.memory_space<vmem_shared>>) target_semaphore(%arg18 : memref<!tpu.dma_semaphore, #tpu.memory_space<semaphore_mem>>)
    %mul3A_47 = arith.constant 640 : i32
    %mul3A_48 = arith.muli %arg1, %mul3A_47 : i32
    %add3A_49 = arith.constant 160 : i32
    %add3A_50 = arith.addi %mul3A_48, %add3A_49 : i32
    %dma_start3A_51 = arith.constant 0 : i32
    %dma_start3A_52 = tpu.memref_slice %arg13[%add3A_50, %dma_start3A_51] : memref<10240x80xf32, #tpu.memory_space<vmem_shared>> -> memref<32x80xf32, #tpu.memory_space<vmem_shared>>
    %dma_start3A_53 = arith.constant 0 : i32
    %dma_start3A_54 = tpu.memref_slice %arg13[%add3A_50, %dma_start3A_53] : memref<10240x80xf32, #tpu.memory_space<vmem_shared>> -> memref<32x80xf32, #tpu.memory_space<vmem_shared>>
    tpu.enqueue_dma source(%arg6 : memref<32x80xf32, #tpu.memory_space<vmem>>) target(%dma_start3A_54 : memref<32x80xf32, #tpu.memory_space<vmem_shared>>) target_semaphore(%arg18 : memref<!tpu.dma_semaphore, #tpu.memory_space<semaphore_mem>>)
    %mul3A_55 = arith.constant 640 : i32
    %mul3A_56 = arith.muli %arg1, %mul3A_55 : i32
    %add3A_57 = arith.constant 192 : i32
    %add3A_58 = arith.addi %mul3A_56, %add3A_57 : i32
    %dma_start3A_59 = arith.constant 0 : i32
    %dma_start3A_60 = tpu.memref_slice %arg13[%add3A_58, %dma_start3A_59] : memref<10240x80xf32, #tpu.memory_space<vmem_shared>> -> memref<32x80xf32, #tpu.memory_space<vmem_shared>>
    %dma_start3A_61 = arith.constant 0 : i32
    %dma_start3A_62 = tpu.memref_slice %arg13[%add3A_58, %dma_start3A_61] : memref<10240x80xf32, #tpu.memory_space<vmem_shared>> -> memref<32x80xf32, #tpu.memory_space<vmem_shared>>
    tpu.enqueue_dma source(%arg6 : memref<32x80xf32, #tpu.memory_space<vmem>>) target(%dma_start3A_62 : memref<32x80xf32, #tpu.memory_space<vmem_shared>>) target_semaphore(%arg18 : memref<!tpu.dma_semaphore, #tpu.memory_space<semaphore_mem>>)
    %mul3A_63 = arith.constant 640 : i32
    %mul3A_64 = arith.muli %arg1, %mul3A_63 : i32
    %add3A_65 = arith.constant 224 : i32
    %add3A_66 = arith.addi %mul3A_64, %add3A_65 : i32
    %dma_start3A_67 = arith.constant 0 : i32
    %dma_start3A_68 = tpu.memref_slice %arg13[%add3A_66, %dma_start3A_67] : memref<10240x80xf32, #tpu.memory_space<vmem_shared>> -> memref<32x80xf32, #tpu.memory_space<vmem_shared>>
    %dma_start3A_69 = arith.constant 0 : i32
    %dma_start3A_70 = tpu.memref_slice %arg13[%add3A_66, %dma_start3A_69] : memref<10240x80xf32, #tpu.memory_space<vmem_shared>> -> memref<32x80xf32, #tpu.memory_space<vmem_shared>>
    tpu.enqueue_dma source(%arg6 : memref<32x80xf32, #tpu.memory_space<vmem>>) target(%dma_start3A_70 : memref<32x80xf32, #tpu.memory_space<vmem_shared>>) target_semaphore(%arg18 : memref<!tpu.dma_semaphore, #tpu.memory_space<semaphore_mem>>)
    %mul3A_71 = arith.constant 640 : i32
    %mul3A_72 = arith.muli %arg1, %mul3A_71 : i32
    %add3A_73 = arith.constant 256 : i32
    %add3A_74 = arith.addi %mul3A_72, %add3A_73 : i32
    %dma_start3A_75 = arith.constant 0 : i32
    %dma_start3A_76 = tpu.memref_slice %arg13[%add3A_74, %dma_start3A_75] : memref<10240x80xf32, #tpu.memory_space<vmem_shared>> -> memref<32x80xf32, #tpu.memory_space<vmem_shared>>
    %dma_start3A_77 = arith.constant 0 : i32
    %dma_start3A_78 = tpu.memref_slice %arg13[%add3A_74, %dma_start3A_77] : memref<10240x80xf32, #tpu.memory_space<vmem_shared>> -> memref<32x80xf32, #tpu.memory_space<vmem_shared>>
    tpu.enqueue_dma source(%arg6 : memref<32x80xf32, #tpu.memory_space<vmem>>) target(%dma_start3A_78 : memref<32x80xf32, #tpu.memory_space<vmem_shared>>) target_semaphore(%arg18 : memref<!tpu.dma_semaphore, #tpu.memory_space<semaphore_mem>>)
    %mul3A_79 = arith.constant 640 : i32
    %mul3A_80 = arith.muli %arg1, %mul3A_79 : i32
    %add3A_81 = arith.constant 288 : i32
    %add3A_82 = arith.addi %mul3A_80, %add3A_81 : i32
    %dma_start3A_83 = arith.constant 0 : i32
    %dma_start3A_84 = tpu.memref_slice %arg13[%add3A_82, %dma_start3A_83] : memref<10240x80xf32, #tpu.memory_space<vmem_shared>> -> memref<32x80xf32, #tpu.memory_space<vmem_shared>>
    %dma_start3A_85 = arith.constant 0 : i32
    %dma_start3A_86 = tpu.memref_slice %arg13[%add3A_82, %dma_start3A_85] : memref<10240x80xf32, #tpu.memory_space<vmem_shared>> -> memref<32x80xf32, #tpu.memory_space<vmem_shared>>
    tpu.enqueue_dma source(%arg6 : memref<32x80xf32, #tpu.memory_space<vmem>>) target(%dma_start3A_86 : memref<32x80xf32, #tpu.memory_space<vmem_shared>>) target_semaphore(%arg18 : memref<!tpu.dma_semaphore, #tpu.memory_space<semaphore_mem>>)
    %mul3A_87 = arith.constant 640 : i32
    %mul3A_88 = arith.muli %arg1, %mul3A_87 : i32
    %add3A_89 = arith.constant 320 : i32
    %add3A_90 = arith.addi %mul3A_88, %add3A_89 : i32
    %dma_start3A_91 = arith.constant 0 : i32
    %dma_start3A_92 = tpu.memref_slice %arg13[%add3A_90, %dma_start3A_91] : memref<10240x80xf32, #tpu.memory_space<vmem_shared>> -> memref<32x80xf32, #tpu.memory_space<vmem_shared>>
    %dma_start3A_93 = arith.constant 0 : i32
    %dma_start3A_94 = tpu.memref_slice %arg13[%add3A_90, %dma_start3A_93] : memref<10240x80xf32, #tpu.memory_space<vmem_shared>> -> memref<32x80xf32, #tpu.memory_space<vmem_shared>>
    tpu.enqueue_dma source(%arg6 : memref<32x80xf32, #tpu.memory_space<vmem>>) target(%dma_start3A_94 : memref<32x80xf32, #tpu.memory_space<vmem_shared>>) target_semaphore(%arg18 : memref<!tpu.dma_semaphore, #tpu.memory_space<semaphore_mem>>)
    %mul3A_95 = arith.constant 640 : i32
    %mul3A_96 = arith.muli %arg1, %mul3A_95 : i32
    %add3A_97 = arith.constant 352 : i32
    %add3A_98 = arith.addi %mul3A_96, %add3A_97 : i32
    %dma_start3A_99 = arith.constant 0 : i32
    %dma_start3A_100 = tpu.memref_slice %arg13[%add3A_98, %dma_start3A_99] : memref<10240x80xf32, #tpu.memory_space<vmem_shared>> -> memref<32x80xf32, #tpu.memory_space<vmem_shared>>
    %dma_start3A_101 = arith.constant 0 : i32
    %dma_start3A_102 = tpu.memref_slice %arg13[%add3A_98, %dma_start3A_101] : memref<10240x80xf32, #tpu.memory_space<vmem_shared>> -> memref<32x80xf32, #tpu.memory_space<vmem_shared>>
    tpu.enqueue_dma source(%arg6 : memref<32x80xf32, #tpu.memory_space<vmem>>) target(%dma_start3A_102 : memref<32x80xf32, #tpu.memory_space<vmem_shared>>) target_semaphore(%arg18 : memref<!tpu.dma_semaphore, #tpu.memory_space<semaphore_mem>>)
    %mul3A_103 = arith.constant 640 : i32
    %mul3A_104 = arith.muli %arg1, %mul3A_103 : i32
    %add3A_105 = arith.constant 384 : i32
    %add3A_106 = arith.addi %mul3A_104, %add3A_105 : i32
    %dma_start3A_107 = arith.constant 0 : i32
    %dma_start3A_108 = tpu.memref_slice %arg13[%add3A_106, %dma_start3A_107] : memref<10240x80xf32, #tpu.memory_space<vmem_shared>> -> memref<32x80xf32, #tpu.memory_space<vmem_shared>>
    %dma_start3A_109 = arith.constant 0 : i32
    %dma_start3A_110 = tpu.memref_slice %arg13[%add3A_106, %dma_start3A_109] : memref<10240x80xf32, #tpu.memory_space<vmem_shared>> -> memref<32x80xf32, #tpu.memory_space<vmem_shared>>
    tpu.enqueue_dma source(%arg6 : memref<32x80xf32, #tpu.memory_space<vmem>>) target(%dma_start3A_110 : memref<32x80xf32, #tpu.memory_space<vmem_shared>>) target_semaphore(%arg18 : memref<!tpu.dma_semaphore, #tpu.memory_space<semaphore_mem>>)
    %mul3A_111 = arith.constant 640 : i32
    %mul3A_112 = arith.muli %arg1, %mul3A_111 : i32
    %add3A_113 = arith.constant 416 : i32
    %add3A_114 = arith.addi %mul3A_112, %add3A_113 : i32
    %dma_start3A_115 = arith.constant 0 : i32
    %dma_start3A_116 = tpu.memref_slice %arg13[%add3A_114, %dma_start3A_115] : memref<10240x80xf32, #tpu.memory_space<vmem_shared>> -> memref<32x80xf32, #tpu.memory_space<vmem_shared>>
    %dma_start3A_117 = arith.constant 0 : i32
    %dma_start3A_118 = tpu.memref_slice %arg13[%add3A_114, %dma_start3A_117] : memref<10240x80xf32, #tpu.memory_space<vmem_shared>> -> memref<32x80xf32, #tpu.memory_space<vmem_shared>>
    tpu.enqueue_dma source(%arg6 : memref<32x80xf32, #tpu.memory_space<vmem>>) target(%dma_start3A_118 : memref<32x80xf32, #tpu.memory_space<vmem_shared>>) target_semaphore(%arg18 : memref<!tpu.dma_semaphore, #tpu.memory_space<semaphore_mem>>)
    %mul3A_119 = arith.constant 640 : i32
    %mul3A_120 = arith.muli %arg1, %mul3A_119 : i32
    %add3A_121 = arith.constant 448 : i32
    %add3A_122 = arith.addi %mul3A_120, %add3A_121 : i32
    %dma_start3A_123 = arith.constant 0 : i32
    %dma_start3A_124 = tpu.memref_slice %arg13[%add3A_122, %dma_start3A_123] : memref<10240x80xf32, #tpu.memory_space<vmem_shared>> -> memref<32x80xf32, #tpu.memory_space<vmem_shared>>
    %dma_start3A_125 = arith.constant 0 : i32
    %dma_start3A_126 = tpu.memref_slice %arg13[%add3A_122, %dma_start3A_125] : memref<10240x80xf32, #tpu.memory_space<vmem_shared>> -> memref<32x80xf32, #tpu.memory_space<vmem_shared>>
    tpu.enqueue_dma source(%arg6 : memref<32x80xf32, #tpu.memory_space<vmem>>) target(%dma_start3A_126 : memref<32x80xf32, #tpu.memory_space<vmem_shared>>) target_semaphore(%arg18 : memref<!tpu.dma_semaphore, #tpu.memory_space<semaphore_mem>>)
    %mul3A_127 = arith.constant 640 : i32
    %mul3A_128 = arith.muli %arg1, %mul3A_127 : i32
    %add3A_129 = arith.constant 480 : i32
    %add3A_130 = arith.addi %mul3A_128, %add3A_129 : i32
    %dma_start3A_131 = arith.constant 0 : i32
    %dma_start3A_132 = tpu.memref_slice %arg13[%add3A_130, %dma_start3A_131] : memref<10240x80xf32, #tpu.memory_space<vmem_shared>> -> memref<32x80xf32, #tpu.memory_space<vmem_shared>>
    %dma_start3A_133 = arith.constant 0 : i32
    %dma_start3A_134 = tpu.memref_slice %arg13[%add3A_130, %dma_start3A_133] : memref<10240x80xf32, #tpu.memory_space<vmem_shared>> -> memref<32x80xf32, #tpu.memory_space<vmem_shared>>
    tpu.enqueue_dma source(%arg6 : memref<32x80xf32, #tpu.memory_space<vmem>>) target(%dma_start3A_134 : memref<32x80xf32, #tpu.memory_space<vmem_shared>>) target_semaphore(%arg18 : memref<!tpu.dma_semaphore, #tpu.memory_space<semaphore_mem>>)
    %mul3A_135 = arith.constant 640 : i32
    %mul3A_136 = arith.muli %arg1, %mul3A_135 : i32
    %add3A_137 = arith.constant 512 : i32
    %add3A_138 = arith.addi %mul3A_136, %add3A_137 : i32
    %dma_start3A_139 = arith.constant 0 : i32
    %dma_start3A_140 = tpu.memref_slice %arg13[%add3A_138, %dma_start3A_139] : memref<10240x80xf32, #tpu.memory_space<vmem_shared>> -> memref<32x80xf32, #tpu.memory_space<vmem_shared>>
    %dma_start3A_141 = arith.constant 0 : i32
    %dma_start3A_142 = tpu.memref_slice %arg13[%add3A_138, %dma_start3A_141] : memref<10240x80xf32, #tpu.memory_space<vmem_shared>> -> memref<32x80xf32, #tpu.memory_space<vmem_shared>>
    tpu.enqueue_dma source(%arg6 : memref<32x80xf32, #tpu.memory_space<vmem>>) target(%dma_start3A_142 : memref<32x80xf32, #tpu.memory_space<vmem_shared>>) target_semaphore(%arg18 : memref<!tpu.dma_semaphore, #tpu.memory_space<semaphore_mem>>)
    %mul3A_143 = arith.constant 640 : i32
    %mul3A_144 = arith.muli %arg1, %mul3A_143 : i32
    %add3A_145 = arith.constant 544 : i32
    %add3A_146 = arith.addi %mul3A_144, %add3A_145 : i32
    %dma_start3A_147 = arith.constant 0 : i32
    %dma_start3A_148 = tpu.memref_slice %arg13[%add3A_146, %dma_start3A_147] : memref<10240x80xf32, #tpu.memory_space<vmem_shared>> -> memref<32x80xf32, #tpu.memory_space<vmem_shared>>
    %dma_start3A_149 = arith.constant 0 : i32
    %dma_start3A_150 = tpu.memref_slice %arg13[%add3A_146, %dma_start3A_149] : memref<10240x80xf32, #tpu.memory_space<vmem_shared>> -> memref<32x80xf32, #tpu.memory_space<vmem_shared>>
    tpu.enqueue_dma source(%arg6 : memref<32x80xf32, #tpu.memory_space<vmem>>) target(%dma_start3A_150 : memref<32x80xf32, #tpu.memory_space<vmem_shared>>) target_semaphore(%arg18 : memref<!tpu.dma_semaphore, #tpu.memory_space<semaphore_mem>>)
    %mul3A_151 = arith.constant 640 : i32
    %mul3A_152 = arith.muli %arg1, %mul3A_151 : i32
    %add3A_153 = arith.constant 576 : i32
    %add3A_154 = arith.addi %mul3A_152, %add3A_153 : i32
    %dma_start3A_155 = arith.constant 0 : i32
    %dma_start3A_156 = tpu.memref_slice %arg13[%add3A_154, %dma_start3A_155] : memref<10240x80xf32, #tpu.memory_space<vmem_shared>> -> memref<32x80xf32, #tpu.memory_space<vmem_shared>>
    %dma_start3A_157 = arith.constant 0 : i32
    %dma_start3A_158 = tpu.memref_slice %arg13[%add3A_154, %dma_start3A_157] : memref<10240x80xf32, #tpu.memory_space<vmem_shared>> -> memref<32x80xf32, #tpu.memory_space<vmem_shared>>
    tpu.enqueue_dma source(%arg6 : memref<32x80xf32, #tpu.memory_space<vmem>>) target(%dma_start3A_158 : memref<32x80xf32, #tpu.memory_space<vmem_shared>>) target_semaphore(%arg18 : memref<!tpu.dma_semaphore, #tpu.memory_space<semaphore_mem>>)
    %mul3A_159 = arith.constant 640 : i32
    %mul3A_160 = arith.muli %arg1, %mul3A_159 : i32
    %add3A_161 = arith.constant 608 : i32
    %add3A_162 = arith.addi %mul3A_160, %add3A_161 : i32
    %dma_start3A_163 = arith.constant 0 : i32
    %dma_start3A_164 = tpu.memref_slice %arg13[%add3A_162, %dma_start3A_163] : memref<10240x80xf32, #tpu.memory_space<vmem_shared>> -> memref<32x80xf32, #tpu.memory_space<vmem_shared>>
    %dma_start3A_165 = arith.constant 0 : i32
    %dma_start3A_166 = tpu.memref_slice %arg13[%add3A_162, %dma_start3A_165] : memref<10240x80xf32, #tpu.memory_space<vmem_shared>> -> memref<32x80xf32, #tpu.memory_space<vmem_shared>>
    tpu.enqueue_dma source(%arg6 : memref<32x80xf32, #tpu.memory_space<vmem>>) target(%dma_start3A_166 : memref<32x80xf32, #tpu.memory_space<vmem_shared>>) target_semaphore(%arg18 : memref<!tpu.dma_semaphore, #tpu.memory_space<semaphore_mem>>)
    %mul3A_167 = arith.constant 125 : i32
    %mul3A_168 = arith.muli %add3A, %mul3A_167 : i32
    %mul3A_169 = arith.constant 125 : i32
    %mul3A_170 = arith.muli %add3A, %mul3A_169 : i32
    %add3A_171 = arith.constant 4000 : i32
    %add3A_172 = arith.addi %add3A_171, %mul3A_170 : i32
    "tpu.region"() ({
      %run_scoped3A_303 = tpu.sem_alloc : memref<!tpu.dma_semaphore, #tpu.memory_space<semaphore_mem>>
      %dma_start3A_304 = arith.constant 0 : i32
      %dma_start3A_305 = tpu.memref_slice %arg4[%mul3A_168, %dma_start3A_304] : memref<8000x80xi32, #tpu.memory_space<hbm>> -> memref<125x80xi32, #tpu.memory_space<hbm>>
      %dma_start3A_306 = arith.constant 0 : i32
      %dma_start3A_307 = tpu.memref_slice %arg4[%mul3A_168, %dma_start3A_306] : memref<8000x80xi32, #tpu.memory_space<hbm>> -> memref<125x80xi32, #tpu.memory_space<hbm>>
      tpu.enqueue_dma source(%dma_start3A_307 : memref<125x80xi32, #tpu.memory_space<hbm>>) target(%arg7 : memref<125x80xi32, #tpu.memory_space<vmem>>) target_semaphore(%run_scoped3A_303 : memref<!tpu.dma_semaphore, #tpu.memory_space<semaphore_mem>>)
      %dma_wait3A_308 = arith.constant 0 : i32
      %dma_wait3A_309 = tpu.memref_slice %arg4[%mul3A_168, %dma_wait3A_308] : memref<8000x80xi32, #tpu.memory_space<hbm>> -> memref<125x80xi32, #tpu.memory_space<hbm>>
      %dma_wait3A_310 = arith.constant 0 : i32
      %dma_wait3A_311 = tpu.memref_slice %arg4[%mul3A_168, %dma_wait3A_310] : memref<8000x80xi32, #tpu.memory_space<hbm>> -> memref<125x80xi32, #tpu.memory_space<hbm>>
      tpu.wait_dma2 semaphore(%run_scoped3A_303 : memref<!tpu.dma_semaphore, #tpu.memory_space<semaphore_mem>>) src(%dma_wait3A_311 : memref<125x80xi32, #tpu.memory_space<hbm>>) dst(%arg7 : memref<125x80xi32, #tpu.memory_space<vmem>>)
      tpu.yield
    }) : () -> ()
    "tpu.region"() ({
      %run_scoped3A_303 = tpu.sem_alloc : memref<!tpu.dma_semaphore, #tpu.memory_space<semaphore_mem>>
      %dma_start3A_304 = arith.constant 0 : i32
      %dma_start3A_305 = tpu.memref_slice %arg4[%add3A_172, %dma_start3A_304] : memref<8000x80xi32, #tpu.memory_space<hbm>> -> memref<125x80xi32, #tpu.memory_space<hbm>>
      %dma_start3A_306 = arith.constant 0 : i32
      %dma_start3A_307 = tpu.memref_slice %arg4[%add3A_172, %dma_start3A_306] : memref<8000x80xi32, #tpu.memory_space<hbm>> -> memref<125x80xi32, #tpu.memory_space<hbm>>
      tpu.enqueue_dma source(%dma_start3A_307 : memref<125x80xi32, #tpu.memory_space<hbm>>) target(%arg8 : memref<125x80xi32, #tpu.memory_space<vmem>>) target_semaphore(%run_scoped3A_303 : memref<!tpu.dma_semaphore, #tpu.memory_space<semaphore_mem>>)
      %dma_wait3A_308 = arith.constant 0 : i32
      %dma_wait3A_309 = tpu.memref_slice %arg4[%add3A_172, %dma_wait3A_308] : memref<8000x80xi32, #tpu.memory_space<hbm>> -> memref<125x80xi32, #tpu.memory_space<hbm>>
      %dma_wait3A_310 = arith.constant 0 : i32
      %dma_wait3A_311 = tpu.memref_slice %arg4[%add3A_172, %dma_wait3A_310] : memref<8000x80xi32, #tpu.memory_space<hbm>> -> memref<125x80xi32, #tpu.memory_space<hbm>>
      tpu.wait_dma2 semaphore(%run_scoped3A_303 : memref<!tpu.dma_semaphore, #tpu.memory_space<semaphore_mem>>) src(%dma_wait3A_311 : memref<125x80xi32, #tpu.memory_space<hbm>>) dst(%arg8 : memref<125x80xi32, #tpu.memory_space<vmem>>)
      tpu.yield
    }) : () -> ()
    %dma_wait3A = arith.constant 0 : i32
    %dma_wait3A_173 = tpu.memref_slice %arg13[%add3A_11, %dma_wait3A] : memref<10240x80xf32, #tpu.memory_space<vmem_shared>> -> memref<32x80xf32, #tpu.memory_space<vmem_shared>>
    %dma_wait3A_174 = arith.constant 0 : i32
    %dma_wait3A_175 = tpu.memref_slice %arg13[%add3A_11, %dma_wait3A_174] : memref<10240x80xf32, #tpu.memory_space<vmem_shared>> -> memref<32x80xf32, #tpu.memory_space<vmem_shared>>
    tpu.wait_dma2 semaphore(%arg18 : memref<!tpu.dma_semaphore, #tpu.memory_space<semaphore_mem>>) src(%arg6 : memref<32x80xf32, #tpu.memory_space<vmem>>) dst(%dma_wait3A_175 : memref<32x80xf32, #tpu.memory_space<vmem_shared>>)
    %dma_wait3A_176 = arith.constant 0 : i32
    %dma_wait3A_177 = tpu.memref_slice %arg13[%add3A_18, %dma_wait3A_176] : memref<10240x80xf32, #tpu.memory_space<vmem_shared>> -> memref<32x80xf32, #tpu.memory_space<vmem_shared>>
    %dma_wait3A_178 = arith.constant 0 : i32
    %dma_wait3A_179 = tpu.memref_slice %arg13[%add3A_18, %dma_wait3A_178] : memref<10240x80xf32, #tpu.memory_space<vmem_shared>> -> memref<32x80xf32, #tpu.memory_space<vmem_shared>>
    tpu.wait_dma2 semaphore(%arg18 : memref<!tpu.dma_semaphore, #tpu.memory_space<semaphore_mem>>) src(%arg6 : memref<32x80xf32, #tpu.memory_space<vmem>>) dst(%dma_wait3A_179 : memref<32x80xf32, #tpu.memory_space<vmem_shared>>)
    %dma_wait3A_180 = arith.constant 0 : i32
    %dma_wait3A_181 = tpu.memref_slice %arg13[%add3A_26, %dma_wait3A_180] : memref<10240x80xf32, #tpu.memory_space<vmem_shared>> -> memref<32x80xf32, #tpu.memory_space<vmem_shared>>
    %dma_wait3A_182 = arith.constant 0 : i32
    %dma_wait3A_183 = tpu.memref_slice %arg13[%add3A_26, %dma_wait3A_182] : memref<10240x80xf32, #tpu.memory_space<vmem_shared>> -> memref<32x80xf32, #tpu.memory_space<vmem_shared>>
    tpu.wait_dma2 semaphore(%arg18 : memref<!tpu.dma_semaphore, #tpu.memory_space<semaphore_mem>>) src(%arg6 : memref<32x80xf32, #tpu.memory_space<vmem>>) dst(%dma_wait3A_183 : memref<32x80xf32, #tpu.memory_space<vmem_shared>>)
    %dma_wait3A_184 = arith.constant 0 : i32
    %dma_wait3A_185 = tpu.memref_slice %arg13[%add3A_34, %dma_wait3A_184] : memref<10240x80xf32, #tpu.memory_space<vmem_shared>> -> memref<32x80xf32, #tpu.memory_space<vmem_shared>>
    %dma_wait3A_186 = arith.constant 0 : i32
    %dma_wait3A_187 = tpu.memref_slice %arg13[%add3A_34, %dma_wait3A_186] : memref<10240x80xf32, #tpu.memory_space<vmem_shared>> -> memref<32x80xf32, #tpu.memory_space<vmem_shared>>
    tpu.wait_dma2 semaphore(%arg18 : memref<!tpu.dma_semaphore, #tpu.memory_space<semaphore_mem>>) src(%arg6 : memref<32x80xf32, #tpu.memory_space<vmem>>) dst(%dma_wait3A_187 : memref<32x80xf32, #tpu.memory_space<vmem_shared>>)
    %dma_wait3A_188 = arith.constant 0 : i32
    %dma_wait3A_189 = tpu.memref_slice %arg13[%add3A_42, %dma_wait3A_188] : memref<10240x80xf32, #tpu.memory_space<vmem_shared>> -> memref<32x80xf32, #tpu.memory_space<vmem_shared>>
    %dma_wait3A_190 = arith.constant 0 : i32
    %dma_wait3A_191 = tpu.memref_slice %arg13[%add3A_42, %dma_wait3A_190] : memref<10240x80xf32, #tpu.memory_space<vmem_shared>> -> memref<32x80xf32, #tpu.memory_space<vmem_shared>>
    tpu.wait_dma2 semaphore(%arg18 : memref<!tpu.dma_semaphore, #tpu.memory_space<semaphore_mem>>) src(%arg6 : memref<32x80xf32, #tpu.memory_space<vmem>>) dst(%dma_wait3A_191 : memref<32x80xf32, #tpu.memory_space<vmem_shared>>)
    %dma_wait3A_192 = arith.constant 0 : i32
    %dma_wait3A_193 = tpu.memref_slice %arg13[%add3A_50, %dma_wait3A_192] : memref<10240x80xf32, #tpu.memory_space<vmem_shared>> -> memref<32x80xf32, #tpu.memory_space<vmem_shared>>
    %dma_wait3A_194 = arith.constant 0 : i32
    %dma_wait3A_195 = tpu.memref_slice %arg13[%add3A_50, %dma_wait3A_194] : memref<10240x80xf32, #tpu.memory_space<vmem_shared>> -> memref<32x80xf32, #tpu.memory_space<vmem_shared>>
    tpu.wait_dma2 semaphore(%arg18 : memref<!tpu.dma_semaphore, #tpu.memory_space<semaphore_mem>>) src(%arg6 : memref<32x80xf32, #tpu.memory_space<vmem>>) dst(%dma_wait3A_195 : memref<32x80xf32, #tpu.memory_space<vmem_shared>>)
    %dma_wait3A_196 = arith.constant 0 : i32
    %dma_wait3A_197 = tpu.memref_slice %arg13[%add3A_58, %dma_wait3A_196] : memref<10240x80xf32, #tpu.memory_space<vmem_shared>> -> memref<32x80xf32, #tpu.memory_space<vmem_shared>>
    %dma_wait3A_198 = arith.constant 0 : i32
    %dma_wait3A_199 = tpu.memref_slice %arg13[%add3A_58, %dma_wait3A_198] : memref<10240x80xf32, #tpu.memory_space<vmem_shared>> -> memref<32x80xf32, #tpu.memory_space<vmem_shared>>
    tpu.wait_dma2 semaphore(%arg18 : memref<!tpu.dma_semaphore, #tpu.memory_space<semaphore_mem>>) src(%arg6 : memref<32x80xf32, #tpu.memory_space<vmem>>) dst(%dma_wait3A_199 : memref<32x80xf32, #tpu.memory_space<vmem_shared>>)
    %dma_wait3A_200 = arith.constant 0 : i32
    %dma_wait3A_201 = tpu.memref_slice %arg13[%add3A_66, %dma_wait3A_200] : memref<10240x80xf32, #tpu.memory_space<vmem_shared>> -> memref<32x80xf32, #tpu.memory_space<vmem_shared>>
    %dma_wait3A_202 = arith.constant 0 : i32
    %dma_wait3A_203 = tpu.memref_slice %arg13[%add3A_66, %dma_wait3A_202] : memref<10240x80xf32, #tpu.memory_space<vmem_shared>> -> memref<32x80xf32, #tpu.memory_space<vmem_shared>>
    tpu.wait_dma2 semaphore(%arg18 : memref<!tpu.dma_semaphore, #tpu.memory_space<semaphore_mem>>) src(%arg6 : memref<32x80xf32, #tpu.memory_space<vmem>>) dst(%dma_wait3A_203 : memref<32x80xf32, #tpu.memory_space<vmem_shared>>)
    %dma_wait3A_204 = arith.constant 0 : i32
    %dma_wait3A_205 = tpu.memref_slice %arg13[%add3A_74, %dma_wait3A_204] : memref<10240x80xf32, #tpu.memory_space<vmem_shared>> -> memref<32x80xf32, #tpu.memory_space<vmem_shared>>
    %dma_wait3A_206 = arith.constant 0 : i32
    %dma_wait3A_207 = tpu.memref_slice %arg13[%add3A_74, %dma_wait3A_206] : memref<10240x80xf32, #tpu.memory_space<vmem_shared>> -> memref<32x80xf32, #tpu.memory_space<vmem_shared>>
    tpu.wait_dma2 semaphore(%arg18 : memref<!tpu.dma_semaphore, #tpu.memory_space<semaphore_mem>>) src(%arg6 : memref<32x80xf32, #tpu.memory_space<vmem>>) dst(%dma_wait3A_207 : memref<32x80xf32, #tpu.memory_space<vmem_shared>>)
    %dma_wait3A_208 = arith.constant 0 : i32
    %dma_wait3A_209 = tpu.memref_slice %arg13[%add3A_82, %dma_wait3A_208] : memref<10240x80xf32, #tpu.memory_space<vmem_shared>> -> memref<32x80xf32, #tpu.memory_space<vmem_shared>>
    %dma_wait3A_210 = arith.constant 0 : i32
    %dma_wait3A_211 = tpu.memref_slice %arg13[%add3A_82, %dma_wait3A_210] : memref<10240x80xf32, #tpu.memory_space<vmem_shared>> -> memref<32x80xf32, #tpu.memory_space<vmem_shared>>
    tpu.wait_dma2 semaphore(%arg18 : memref<!tpu.dma_semaphore, #tpu.memory_space<semaphore_mem>>) src(%arg6 : memref<32x80xf32, #tpu.memory_space<vmem>>) dst(%dma_wait3A_211 : memref<32x80xf32, #tpu.memory_space<vmem_shared>>)
    %dma_wait3A_212 = arith.constant 0 : i32
    %dma_wait3A_213 = tpu.memref_slice %arg13[%add3A_90, %dma_wait3A_212] : memref<10240x80xf32, #tpu.memory_space<vmem_shared>> -> memref<32x80xf32, #tpu.memory_space<vmem_shared>>
    %dma_wait3A_214 = arith.constant 0 : i32
    %dma_wait3A_215 = tpu.memref_slice %arg13[%add3A_90, %dma_wait3A_214] : memref<10240x80xf32, #tpu.memory_space<vmem_shared>> -> memref<32x80xf32, #tpu.memory_space<vmem_shared>>
    tpu.wait_dma2 semaphore(%arg18 : memref<!tpu.dma_semaphore, #tpu.memory_space<semaphore_mem>>) src(%arg6 : memref<32x80xf32, #tpu.memory_space<vmem>>) dst(%dma_wait3A_215 : memref<32x80xf32, #tpu.memory_space<vmem_shared>>)
    %dma_wait3A_216 = arith.constant 0 : i32
    %dma_wait3A_217 = tpu.memref_slice %arg13[%add3A_98, %dma_wait3A_216] : memref<10240x80xf32, #tpu.memory_space<vmem_shared>> -> memref<32x80xf32, #tpu.memory_space<vmem_shared>>
    %dma_wait3A_218 = arith.constant 0 : i32
    %dma_wait3A_219 = tpu.memref_slice %arg13[%add3A_98, %dma_wait3A_218] : memref<10240x80xf32, #tpu.memory_space<vmem_shared>> -> memref<32x80xf32, #tpu.memory_space<vmem_shared>>
    tpu.wait_dma2 semaphore(%arg18 : memref<!tpu.dma_semaphore, #tpu.memory_space<semaphore_mem>>) src(%arg6 : memref<32x80xf32, #tpu.memory_space<vmem>>) dst(%dma_wait3A_219 : memref<32x80xf32, #tpu.memory_space<vmem_shared>>)
    %dma_wait3A_220 = arith.constant 0 : i32
    %dma_wait3A_221 = tpu.memref_slice %arg13[%add3A_106, %dma_wait3A_220] : memref<10240x80xf32, #tpu.memory_space<vmem_shared>> -> memref<32x80xf32, #tpu.memory_space<vmem_shared>>
    %dma_wait3A_222 = arith.constant 0 : i32
    %dma_wait3A_223 = tpu.memref_slice %arg13[%add3A_106, %dma_wait3A_222] : memref<10240x80xf32, #tpu.memory_space<vmem_shared>> -> memref<32x80xf32, #tpu.memory_space<vmem_shared>>
    tpu.wait_dma2 semaphore(%arg18 : memref<!tpu.dma_semaphore, #tpu.memory_space<semaphore_mem>>) src(%arg6 : memref<32x80xf32, #tpu.memory_space<vmem>>) dst(%dma_wait3A_223 : memref<32x80xf32, #tpu.memory_space<vmem_shared>>)
    %dma_wait3A_224 = arith.constant 0 : i32
    %dma_wait3A_225 = tpu.memref_slice %arg13[%add3A_114, %dma_wait3A_224] : memref<10240x80xf32, #tpu.memory_space<vmem_shared>> -> memref<32x80xf32, #tpu.memory_space<vmem_shared>>
    %dma_wait3A_226 = arith.constant 0 : i32
    %dma_wait3A_227 = tpu.memref_slice %arg13[%add3A_114, %dma_wait3A_226] : memref<10240x80xf32, #tpu.memory_space<vmem_shared>> -> memref<32x80xf32, #tpu.memory_space<vmem_shared>>
    tpu.wait_dma2 semaphore(%arg18 : memref<!tpu.dma_semaphore, #tpu.memory_space<semaphore_mem>>) src(%arg6 : memref<32x80xf32, #tpu.memory_space<vmem>>) dst(%dma_wait3A_227 : memref<32x80xf32, #tpu.memory_space<vmem_shared>>)
    %dma_wait3A_228 = arith.constant 0 : i32
    %dma_wait3A_229 = tpu.memref_slice %arg13[%add3A_122, %dma_wait3A_228] : memref<10240x80xf32, #tpu.memory_space<vmem_shared>> -> memref<32x80xf32, #tpu.memory_space<vmem_shared>>
    %dma_wait3A_230 = arith.constant 0 : i32
    %dma_wait3A_231 = tpu.memref_slice %arg13[%add3A_122, %dma_wait3A_230] : memref<10240x80xf32, #tpu.memory_space<vmem_shared>> -> memref<32x80xf32, #tpu.memory_space<vmem_shared>>
    tpu.wait_dma2 semaphore(%arg18 : memref<!tpu.dma_semaphore, #tpu.memory_space<semaphore_mem>>) src(%arg6 : memref<32x80xf32, #tpu.memory_space<vmem>>) dst(%dma_wait3A_231 : memref<32x80xf32, #tpu.memory_space<vmem_shared>>)
    %dma_wait3A_232 = arith.constant 0 : i32
    %dma_wait3A_233 = tpu.memref_slice %arg13[%add3A_130, %dma_wait3A_232] : memref<10240x80xf32, #tpu.memory_space<vmem_shared>> -> memref<32x80xf32, #tpu.memory_space<vmem_shared>>
    %dma_wait3A_234 = arith.constant 0 : i32
    %dma_wait3A_235 = tpu.memref_slice %arg13[%add3A_130, %dma_wait3A_234] : memref<10240x80xf32, #tpu.memory_space<vmem_shared>> -> memref<32x80xf32, #tpu.memory_space<vmem_shared>>
    tpu.wait_dma2 semaphore(%arg18 : memref<!tpu.dma_semaphore, #tpu.memory_space<semaphore_mem>>) src(%arg6 : memref<32x80xf32, #tpu.memory_space<vmem>>) dst(%dma_wait3A_235 : memref<32x80xf32, #tpu.memory_space<vmem_shared>>)
    %dma_wait3A_236 = arith.constant 0 : i32
    %dma_wait3A_237 = tpu.memref_slice %arg13[%add3A_138, %dma_wait3A_236] : memref<10240x80xf32, #tpu.memory_space<vmem_shared>> -> memref<32x80xf32, #tpu.memory_space<vmem_shared>>
    %dma_wait3A_238 = arith.constant 0 : i32
    %dma_wait3A_239 = tpu.memref_slice %arg13[%add3A_138, %dma_wait3A_238] : memref<10240x80xf32, #tpu.memory_space<vmem_shared>> -> memref<32x80xf32, #tpu.memory_space<vmem_shared>>
    tpu.wait_dma2 semaphore(%arg18 : memref<!tpu.dma_semaphore, #tpu.memory_space<semaphore_mem>>) src(%arg6 : memref<32x80xf32, #tpu.memory_space<vmem>>) dst(%dma_wait3A_239 : memref<32x80xf32, #tpu.memory_space<vmem_shared>>)
    %dma_wait3A_240 = arith.constant 0 : i32
    %dma_wait3A_241 = tpu.memref_slice %arg13[%add3A_146, %dma_wait3A_240] : memref<10240x80xf32, #tpu.memory_space<vmem_shared>> -> memref<32x80xf32, #tpu.memory_space<vmem_shared>>
    %dma_wait3A_242 = arith.constant 0 : i32
    %dma_wait3A_243 = tpu.memref_slice %arg13[%add3A_146, %dma_wait3A_242] : memref<10240x80xf32, #tpu.memory_space<vmem_shared>> -> memref<32x80xf32, #tpu.memory_space<vmem_shared>>
    tpu.wait_dma2 semaphore(%arg18 : memref<!tpu.dma_semaphore, #tpu.memory_space<semaphore_mem>>) src(%arg6 : memref<32x80xf32, #tpu.memory_space<vmem>>) dst(%dma_wait3A_243 : memref<32x80xf32, #tpu.memory_space<vmem_shared>>)
    %dma_wait3A_244 = arith.constant 0 : i32
    %dma_wait3A_245 = tpu.memref_slice %arg13[%add3A_154, %dma_wait3A_244] : memref<10240x80xf32, #tpu.memory_space<vmem_shared>> -> memref<32x80xf32, #tpu.memory_space<vmem_shared>>
    %dma_wait3A_246 = arith.constant 0 : i32
    %dma_wait3A_247 = tpu.memref_slice %arg13[%add3A_154, %dma_wait3A_246] : memref<10240x80xf32, #tpu.memory_space<vmem_shared>> -> memref<32x80xf32, #tpu.memory_space<vmem_shared>>
    tpu.wait_dma2 semaphore(%arg18 : memref<!tpu.dma_semaphore, #tpu.memory_space<semaphore_mem>>) src(%arg6 : memref<32x80xf32, #tpu.memory_space<vmem>>) dst(%dma_wait3A_247 : memref<32x80xf32, #tpu.memory_space<vmem_shared>>)
    %dma_wait3A_248 = arith.constant 0 : i32
    %dma_wait3A_249 = tpu.memref_slice %arg13[%add3A_162, %dma_wait3A_248] : memref<10240x80xf32, #tpu.memory_space<vmem_shared>> -> memref<32x80xf32, #tpu.memory_space<vmem_shared>>
    %dma_wait3A_250 = arith.constant 0 : i32
    %dma_wait3A_251 = tpu.memref_slice %arg13[%add3A_162, %dma_wait3A_250] : memref<10240x80xf32, #tpu.memory_space<vmem_shared>> -> memref<32x80xf32, #tpu.memory_space<vmem_shared>>
    tpu.wait_dma2 semaphore(%arg18 : memref<!tpu.dma_semaphore, #tpu.memory_space<semaphore_mem>>) src(%arg6 : memref<32x80xf32, #tpu.memory_space<vmem>>) dst(%dma_wait3A_251 : memref<32x80xf32, #tpu.memory_space<vmem_shared>>)
    %barrier3A = arith.constant 0 : index
    tpu.barrier barrier_id(%barrier3A)
    %dma_start3A_252 = arith.constant 0 : i32
    %dma_start3A_253 = arith.constant 0 : i32
    %dma_start3A_254 = tpu.memref_slice %arg7[%dma_start3A_252, %dma_start3A_253] : memref<125x80xi32, #tpu.memory_space<vmem>> -> memref<1x80xi32, #tpu.memory_space<vmem>>
    %dma_start3A_255 = tpu.memref_squeeze %dma_start3A_254 : memref<1x80xi32, #tpu.memory_space<vmem>> -> memref<80xi32, #tpu.memory_space<vmem>>
    %dma_start3A_256 = arith.constant 0 : i32
    %dma_start3A_257 = arith.constant 0 : i32
    %dma_start3A_258 = tpu.memref_slice %arg2[%dma_start3A_256, %dma_start3A_257] : memref<10000x80xf32, #tpu.memory_space<hbm>> -> memref<10000x80xf32, #tpu.memory_space<hbm>>
    tpu.enqueue_indirect_dma source(%dma_start3A_258 : memref<10000x80xf32, #tpu.memory_space<hbm>>) target(%arg9 : memref<80x80xf32, #tpu.memory_space<vmem>>) offsets(%dma_start3A_255 : memref<80xi32, #tpu.memory_space<vmem>>) semaphore(%arg14 : memref<!tpu.dma_semaphore, #tpu.memory_space<semaphore_mem>>)
    %dma_start3A_259 = arith.constant 0 : i32
    %dma_start3A_260 = arith.constant 0 : i32
    %dma_start3A_261 = tpu.memref_slice %arg8[%dma_start3A_259, %dma_start3A_260] : memref<125x80xi32, #tpu.memory_space<vmem>> -> memref<1x80xi32, #tpu.memory_space<vmem>>
    %dma_start3A_262 = tpu.memref_squeeze %dma_start3A_261 : memref<1x80xi32, #tpu.memory_space<vmem>> -> memref<80xi32, #tpu.memory_space<vmem>>
    %dma_start3A_263 = arith.constant 0 : i32
    %dma_start3A_264 = arith.constant 0 : i32
    %dma_start3A_265 = tpu.memref_slice %arg3[%dma_start3A_263, %dma_start3A_264] : memref<10000x16xf32, #tpu.memory_space<hbm>> -> memref<10000x16xf32, #tpu.memory_space<hbm>>
    tpu.enqueue_indirect_dma source(%dma_start3A_265 : memref<10000x16xf32, #tpu.memory_space<hbm>>) target(%arg11 : memref<80x16xf32, #tpu.memory_space<vmem>>) offsets(%dma_start3A_262 : memref<80xi32, #tpu.memory_space<vmem>>) semaphore(%arg16 : memref<!tpu.dma_semaphore, #tpu.memory_space<semaphore_mem>>)
    %dma_start3A_266 = arith.constant 1 : i32
    %dma_start3A_267 = arith.constant 0 : i32
    %dma_start3A_268 = tpu.memref_slice %arg7[%dma_start3A_266, %dma_start3A_267] : memref<125x80xi32, #tpu.memory_space<vmem>> -> memref<1x80xi32, #tpu.memory_space<vmem>>
    %dma_start3A_269 = tpu.memref_squeeze %dma_start3A_268 : memref<1x80xi32, #tpu.memory_space<vmem>> -> memref<80xi32, #tpu.memory_space<vmem>>
    %dma_start3A_270 = arith.constant 0 : i32
    %dma_start3A_271 = arith.constant 0 : i32
    %dma_start3A_272 = tpu.memref_slice %arg2[%dma_start3A_270, %dma_start3A_271] : memref<10000x80xf32, #tpu.memory_space<hbm>> -> memref<10000x80xf32, #tpu.memory_space<hbm>>
    tpu.enqueue_indirect_dma source(%dma_start3A_272 : memref<10000x80xf32, #tpu.memory_space<hbm>>) target(%arg10 : memref<80x80xf32, #tpu.memory_space<vmem>>) offsets(%dma_start3A_269 : memref<80xi32, #tpu.memory_space<vmem>>) semaphore(%arg15 : memref<!tpu.dma_semaphore, #tpu.memory_space<semaphore_mem>>)
    %dma_start3A_273 = arith.constant 1 : i32
    %dma_start3A_274 = arith.constant 0 : i32
    %dma_start3A_275 = tpu.memref_slice %arg8[%dma_start3A_273, %dma_start3A_274] : memref<125x80xi32, #tpu.memory_space<vmem>> -> memref<1x80xi32, #tpu.memory_space<vmem>>
    %dma_start3A_276 = tpu.memref_squeeze %dma_start3A_275 : memref<1x80xi32, #tpu.memory_space<vmem>> -> memref<80xi32, #tpu.memory_space<vmem>>
    %dma_start3A_277 = arith.constant 0 : i32
    %dma_start3A_278 = arith.constant 0 : i32
    %dma_start3A_279 = tpu.memref_slice %arg3[%dma_start3A_277, %dma_start3A_278] : memref<10000x16xf32, #tpu.memory_space<hbm>> -> memref<10000x16xf32, #tpu.memory_space<hbm>>
    tpu.enqueue_indirect_dma source(%dma_start3A_279 : memref<10000x16xf32, #tpu.memory_space<hbm>>) target(%arg12 : memref<80x16xf32, #tpu.memory_space<vmem>>) offsets(%dma_start3A_276 : memref<80xi32, #tpu.memory_space<vmem>>) semaphore(%arg17 : memref<!tpu.dma_semaphore, #tpu.memory_space<semaphore_mem>>)
    %scan3A_280 = arith.constant 0 : i32
    %scan3A_281 = arith.constant 0 : i32
    %scan3A_282 = arith.constant 62 : i32
    %scan3A_283 = arith.addi %scan3A_281, %scan3A_282 : i32
    %scan3A_284 = arith.constant 1 : i32
    scf.for %scan3A_303 = %scan3A_281 to %scan3A_283 step %scan3A_284  : i32 {
      %mul3A_304 = arith.constant 2 : i32
      %mul3A_305 = arith.muli %mul3A_304, %scan3A_303 : i32
      %dma_wait3A_306 = arith.constant 0 : i32
      %dma_wait3A_307 = arith.constant 0 : i32
      %dma_wait3A_308 = tpu.memref_slice %arg7[%dma_wait3A_306, %dma_wait3A_307] : memref<125x80xi32, #tpu.memory_space<vmem>> -> memref<1x80xi32, #tpu.memory_space<vmem>>
      %dma_wait3A_309 = tpu.memref_squeeze %dma_wait3A_308 : memref<1x80xi32, #tpu.memory_space<vmem>> -> memref<80xi32, #tpu.memory_space<vmem>>
      %dma_wait3A_310 = arith.constant 0 : i32
      %dma_wait3A_311 = arith.constant 0 : i32
      %dma_wait3A_312 = tpu.memref_slice %arg2[%dma_wait3A_310, %dma_wait3A_311] : memref<10000x80xf32, #tpu.memory_space<hbm>> -> memref<10000x80xf32, #tpu.memory_space<hbm>>
      tpu.wait_indirect_dma semaphore(%arg14 : memref<!tpu.dma_semaphore, #tpu.memory_space<semaphore_mem>>) src(%dma_wait3A_312 : memref<10000x80xf32, #tpu.memory_space<hbm>>) dst(%arg9 : memref<80x80xf32, #tpu.memory_space<vmem>>)
      %dma_wait3A_313 = arith.constant 0 : i32
      %dma_wait3A_314 = arith.constant 0 : i32
      %dma_wait3A_315 = tpu.memref_slice %arg8[%dma_wait3A_313, %dma_wait3A_314] : memref<125x80xi32, #tpu.memory_space<vmem>> -> memref<1x80xi32, #tpu.memory_space<vmem>>
      %dma_wait3A_316 = tpu.memref_squeeze %dma_wait3A_315 : memref<1x80xi32, #tpu.memory_space<vmem>> -> memref<80xi32, #tpu.memory_space<vmem>>
      %dma_wait3A_317 = arith.constant 0 : i32
      %dma_wait3A_318 = arith.constant 0 : i32
      %dma_wait3A_319 = tpu.memref_slice %arg3[%dma_wait3A_317, %dma_wait3A_318] : memref<10000x16xf32, #tpu.memory_space<hbm>> -> memref<10000x16xf32, #tpu.memory_space<hbm>>
      tpu.wait_indirect_dma semaphore(%arg16 : memref<!tpu.dma_semaphore, #tpu.memory_space<semaphore_mem>>) src(%dma_wait3A_319 : memref<10000x16xf32, #tpu.memory_space<hbm>>) dst(%arg11 : memref<80x16xf32, #tpu.memory_space<vmem>>)
      "tpu.region"() ({
        %run_scoped3A_347 = tpu.sem_alloc : memref<!tpu.dma_semaphore, #tpu.memory_space<semaphore_mem>>
        %dma_start3A_348 = arith.constant 0 : i32
        %dma_start3A_349 = tpu.memref_slice %arg8[%mul3A_305, %dma_start3A_348] : memref<125x80xi32, #tpu.memory_space<vmem>> -> memref<1x80xi32, #tpu.memory_space<vmem>>
        %dma_start3A_350 = tpu.memref_squeeze %dma_start3A_349 : memref<1x80xi32, #tpu.memory_space<vmem>> -> memref<80xi32, #tpu.memory_space<vmem>>
        %dma_start3A_351 = arith.constant 0 : i32
        %dma_start3A_352 = arith.constant 0 : i32
        %dma_start3A_353 = tpu.memref_slice %arg13[%dma_start3A_351, %dma_start3A_352] : memref<10240x80xf32, #tpu.memory_space<vmem_shared>> -> memref<10240x80xf32, #tpu.memory_space<vmem_shared>>
        tpu.enqueue_indirect_dma source(%arg9 : memref<80x80xf32, #tpu.memory_space<vmem>>) target(%dma_start3A_353 : memref<10240x80xf32, #tpu.memory_space<vmem_shared>>) offsets(%dma_start3A_350 : memref<80xi32, #tpu.memory_space<vmem>>) semaphore(%run_scoped3A_347 : memref<!tpu.dma_semaphore, #tpu.memory_space<semaphore_mem>>) {add = true}
        %dma_wait3A_354 = arith.constant 0 : i32
        %dma_wait3A_355 = tpu.memref_slice %arg8[%mul3A_305, %dma_wait3A_354] : memref<125x80xi32, #tpu.memory_space<vmem>> -> memref<1x80xi32, #tpu.memory_space<vmem>>
        %dma_wait3A_356 = tpu.memref_squeeze %dma_wait3A_355 : memref<1x80xi32, #tpu.memory_space<vmem>> -> memref<80xi32, #tpu.memory_space<vmem>>
        %dma_wait3A_357 = arith.constant 0 : i32
        %dma_wait3A_358 = arith.constant 0 : i32
        %dma_wait3A_359 = tpu.memref_slice %arg13[%dma_wait3A_357, %dma_wait3A_358] : memref<10240x80xf32, #tpu.memory_space<vmem_shared>> -> memref<10240x80xf32, #tpu.memory_space<vmem_shared>>
        tpu.wait_indirect_dma semaphore(%run_scoped3A_347 : memref<!tpu.dma_semaphore, #tpu.memory_space<semaphore_mem>>) src(%arg9 : memref<80x80xf32, #tpu.memory_space<vmem>>) dst(%dma_wait3A_359 : memref<10240x80xf32, #tpu.memory_space<vmem_shared>>)
        tpu.yield
      }) : () -> ()
      %dma_wait3A_320 = arith.constant 0 : i32
      %dma_wait3A_321 = arith.constant 0 : i32
      %dma_wait3A_322 = tpu.memref_slice %arg7[%dma_wait3A_320, %dma_wait3A_321] : memref<125x80xi32, #tpu.memory_space<vmem>> -> memref<1x80xi32, #tpu.memory_space<vmem>>
      %dma_wait3A_323 = tpu.memref_squeeze %dma_wait3A_322 : memref<1x80xi32, #tpu.memory_space<vmem>> -> memref<80xi32, #tpu.memory_space<vmem>>
      %dma_wait3A_324 = arith.constant 0 : i32
      %dma_wait3A_325 = arith.constant 0 : i32
      %dma_wait3A_326 = tpu.memref_slice %arg2[%dma_wait3A_324, %dma_wait3A_325] : memref<10000x80xf32, #tpu.memory_space<hbm>> -> memref<10000x80xf32, #tpu.memory_space<hbm>>
      tpu.wait_indirect_dma semaphore(%arg15 : memref<!tpu.dma_semaphore, #tpu.memory_space<semaphore_mem>>) src(%dma_wait3A_326 : memref<10000x80xf32, #tpu.memory_space<hbm>>) dst(%arg10 : memref<80x80xf32, #tpu.memory_space<vmem>>)
      %dma_wait3A_327 = arith.constant 0 : i32
      %dma_wait3A_328 = arith.constant 0 : i32
      %dma_wait3A_329 = tpu.memref_slice %arg8[%dma_wait3A_327, %dma_wait3A_328] : memref<125x80xi32, #tpu.memory_space<vmem>> -> memref<1x80xi32, #tpu.memory_space<vmem>>
      %dma_wait3A_330 = tpu.memref_squeeze %dma_wait3A_329 : memref<1x80xi32, #tpu.memory_space<vmem>> -> memref<80xi32, #tpu.memory_space<vmem>>
      %dma_wait3A_331 = arith.constant 0 : i32
      %dma_wait3A_332 = arith.constant 0 : i32
      %dma_wait3A_333 = tpu.memref_slice %arg3[%dma_wait3A_331, %dma_wait3A_332] : memref<10000x16xf32, #tpu.memory_space<hbm>> -> memref<10000x16xf32, #tpu.memory_space<hbm>>
      tpu.wait_indirect_dma semaphore(%arg17 : memref<!tpu.dma_semaphore, #tpu.memory_space<semaphore_mem>>) src(%dma_wait3A_333 : memref<10000x16xf32, #tpu.memory_space<hbm>>) dst(%arg12 : memref<80x16xf32, #tpu.memory_space<vmem>>)
      %add3A_334 = arith.constant 2 : i32
      %add3A_335 = arith.addi %mul3A_305, %add3A_334 : i32
      %lt3A = arith.constant 125 : i32
      %lt3A_336 = arith.cmpi slt, %add3A_335, %lt3A : i32
      %convert_element_type3A = arith.extui %lt3A_336 : i1 to i32
      %cond3A = arith.constant 0 : i32
      %cond3A_337 = arith.cmpi ne, %convert_element_type3A, %cond3A : i32
      scf.if %cond3A_337 {
        %add3A_347 = arith.constant 2 : i32
        %add3A_348 = arith.addi %mul3A_305, %add3A_347 : i32
        %dma_start3A_349 = arith.constant 0 : i32
        %dma_start3A_350 = tpu.memref_slice %arg7[%add3A_348, %dma_start3A_349] : memref<125x80xi32, #tpu.memory_space<vmem>> -> memref<1x80xi32, #tpu.memory_space<vmem>>
        %dma_start3A_351 = tpu.memref_squeeze %dma_start3A_350 : memref<1x80xi32, #tpu.memory_space<vmem>> -> memref<80xi32, #tpu.memory_space<vmem>>
        %dma_start3A_352 = arith.constant 0 : i32
        %dma_start3A_353 = arith.constant 0 : i32
        %dma_start3A_354 = tpu.memref_slice %arg2[%dma_start3A_352, %dma_start3A_353] : memref<10000x80xf32, #tpu.memory_space<hbm>> -> memref<10000x80xf32, #tpu.memory_space<hbm>>
        tpu.enqueue_indirect_dma source(%dma_start3A_354 : memref<10000x80xf32, #tpu.memory_space<hbm>>) target(%arg9 : memref<80x80xf32, #tpu.memory_space<vmem>>) offsets(%dma_start3A_351 : memref<80xi32, #tpu.memory_space<vmem>>) semaphore(%arg14 : memref<!tpu.dma_semaphore, #tpu.memory_space<semaphore_mem>>)
        %dma_start3A_355 = arith.constant 0 : i32
        %dma_start3A_356 = tpu.memref_slice %arg8[%add3A_348, %dma_start3A_355] : memref<125x80xi32, #tpu.memory_space<vmem>> -> memref<1x80xi32, #tpu.memory_space<vmem>>
        %dma_start3A_357 = tpu.memref_squeeze %dma_start3A_356 : memref<1x80xi32, #tpu.memory_space<vmem>> -> memref<80xi32, #tpu.memory_space<vmem>>
        %dma_start3A_358 = arith.constant 0 : i32
        %dma_start3A_359 = arith.constant 0 : i32
        %dma_start3A_360 = tpu.memref_slice %arg3[%dma_start3A_358, %dma_start3A_359] : memref<10000x16xf32, #tpu.memory_space<hbm>> -> memref<10000x16xf32, #tpu.memory_space<hbm>>
        tpu.enqueue_indirect_dma source(%dma_start3A_360 : memref<10000x16xf32, #tpu.memory_space<hbm>>) target(%arg11 : memref<80x16xf32, #tpu.memory_space<vmem>>) offsets(%dma_start3A_357 : memref<80xi32, #tpu.memory_space<vmem>>) semaphore(%arg16 : memref<!tpu.dma_semaphore, #tpu.memory_space<semaphore_mem>>)
      } else {
      }
      %add3A_338 = arith.constant 1 : i32
      %add3A_339 = arith.addi %mul3A_305, %add3A_338 : i32
      "tpu.region"() ({
        %run_scoped3A_347 = tpu.sem_alloc : memref<!tpu.dma_semaphore, #tpu.memory_space<semaphore_mem>>
        %dma_start3A_348 = arith.constant 0 : i32
        %dma_start3A_349 = tpu.memref_slice %arg8[%add3A_339, %dma_start3A_348] : memref<125x80xi32, #tpu.memory_space<vmem>> -> memref<1x80xi32, #tpu.memory_space<vmem>>
        %dma_start3A_350 = tpu.memref_squeeze %dma_start3A_349 : memref<1x80xi32, #tpu.memory_space<vmem>> -> memref<80xi32, #tpu.memory_space<vmem>>
        %dma_start3A_351 = arith.constant 0 : i32
        %dma_start3A_352 = arith.constant 0 : i32
        %dma_start3A_353 = tpu.memref_slice %arg13[%dma_start3A_351, %dma_start3A_352] : memref<10240x80xf32, #tpu.memory_space<vmem_shared>> -> memref<10240x80xf32, #tpu.memory_space<vmem_shared>>
        tpu.enqueue_indirect_dma source(%arg10 : memref<80x80xf32, #tpu.memory_space<vmem>>) target(%dma_start3A_353 : memref<10240x80xf32, #tpu.memory_space<vmem_shared>>) offsets(%dma_start3A_350 : memref<80xi32, #tpu.memory_space<vmem>>) semaphore(%run_scoped3A_347 : memref<!tpu.dma_semaphore, #tpu.memory_space<semaphore_mem>>) {add = true}
        %dma_wait3A_354 = arith.constant 0 : i32
        %dma_wait3A_355 = tpu.memref_slice %arg8[%add3A_339, %dma_wait3A_354] : memref<125x80xi32, #tpu.memory_space<vmem>> -> memref<1x80xi32, #tpu.memory_space<vmem>>
        %dma_wait3A_356 = tpu.memref_squeeze %dma_wait3A_355 : memref<1x80xi32, #tpu.memory_space<vmem>> -> memref<80xi32, #tpu.memory_space<vmem>>
        %dma_wait3A_357 = arith.constant 0 : i32
        %dma_wait3A_358 = arith.constant 0 : i32
        %dma_wait3A_359 = tpu.memref_slice %arg13[%dma_wait3A_357, %dma_wait3A_358] : memref<10240x80xf32, #tpu.memory_space<vmem_shared>> -> memref<10240x80xf32, #tpu.memory_space<vmem_shared>>
        tpu.wait_indirect_dma semaphore(%run_scoped3A_347 : memref<!tpu.dma_semaphore, #tpu.memory_space<semaphore_mem>>) src(%arg10 : memref<80x80xf32, #tpu.memory_space<vmem>>) dst(%dma_wait3A_359 : memref<10240x80xf32, #tpu.memory_space<vmem_shared>>)
        tpu.yield
      }) : () -> ()
      %add3A_340 = arith.constant 3 : i32
      %add3A_341 = arith.addi %mul3A_305, %add3A_340 : i32
      %lt3A_342 = arith.constant 125 : i32
      %lt3A_343 = arith.cmpi slt, %add3A_341, %lt3A_342 : i32
      %convert_element_type3A_344 = arith.extui %lt3A_343 : i1 to i32
      %cond3A_345 = arith.constant 0 : i32
      %cond3A_346 = arith.cmpi ne, %convert_element_type3A_344, %cond3A_345 : i32
      scf.if %cond3A_346 {
        %add3A_347 = arith.constant 3 : i32
        %add3A_348 = arith.addi %mul3A_305, %add3A_347 : i32
        %dma_start3A_349 = arith.constant 0 : i32
        %dma_start3A_350 = tpu.memref_slice %arg7[%add3A_348, %dma_start3A_349] : memref<125x80xi32, #tpu.memory_space<vmem>> -> memref<1x80xi32, #tpu.memory_space<vmem>>
        %dma_start3A_351 = tpu.memref_squeeze %dma_start3A_350 : memref<1x80xi32, #tpu.memory_space<vmem>> -> memref<80xi32, #tpu.memory_space<vmem>>
        %dma_start3A_352 = arith.constant 0 : i32
        %dma_start3A_353 = arith.constant 0 : i32
        %dma_start3A_354 = tpu.memref_slice %arg2[%dma_start3A_352, %dma_start3A_353] : memref<10000x80xf32, #tpu.memory_space<hbm>> -> memref<10000x80xf32, #tpu.memory_space<hbm>>
        tpu.enqueue_indirect_dma source(%dma_start3A_354 : memref<10000x80xf32, #tpu.memory_space<hbm>>) target(%arg10 : memref<80x80xf32, #tpu.memory_space<vmem>>) offsets(%dma_start3A_351 : memref<80xi32, #tpu.memory_space<vmem>>) semaphore(%arg15 : memref<!tpu.dma_semaphore, #tpu.memory_space<semaphore_mem>>)
        %dma_start3A_355 = arith.constant 0 : i32
        %dma_start3A_356 = tpu.memref_slice %arg8[%add3A_348, %dma_start3A_355] : memref<125x80xi32, #tpu.memory_space<vmem>> -> memref<1x80xi32, #tpu.memory_space<vmem>>
        %dma_start3A_357 = tpu.memref_squeeze %dma_start3A_356 : memref<1x80xi32, #tpu.memory_space<vmem>> -> memref<80xi32, #tpu.memory_space<vmem>>
        %dma_start3A_358 = arith.constant 0 : i32
        %dma_start3A_359 = arith.constant 0 : i32
        %dma_start3A_360 = tpu.memref_slice %arg3[%dma_start3A_358, %dma_start3A_359] : memref<10000x16xf32, #tpu.memory_space<hbm>> -> memref<10000x16xf32, #tpu.memory_space<hbm>>
        tpu.enqueue_indirect_dma source(%dma_start3A_360 : memref<10000x16xf32, #tpu.memory_space<hbm>>) target(%arg12 : memref<80x16xf32, #tpu.memory_space<vmem>>) offsets(%dma_start3A_357 : memref<80xi32, #tpu.memory_space<vmem>>) semaphore(%arg17 : memref<!tpu.dma_semaphore, #tpu.memory_space<semaphore_mem>>)
      } else {
      }
    }
    %scan3A_285 = arith.constant 62 : i32
    %dma_wait3A_286 = arith.constant 0 : i32
    %dma_wait3A_287 = arith.constant 0 : i32
    %dma_wait3A_288 = tpu.memref_slice %arg7[%dma_wait3A_286, %dma_wait3A_287] : memref<125x80xi32, #tpu.memory_space<vmem>> -> memref<1x80xi32, #tpu.memory_space<vmem>>
    %dma_wait3A_289 = tpu.memref_squeeze %dma_wait3A_288 : memref<1x80xi32, #tpu.memory_space<vmem>> -> memref<80xi32, #tpu.memory_space<vmem>>
    %dma_wait3A_290 = arith.constant 0 : i32
    %dma_wait3A_291 = arith.constant 0 : i32
    %dma_wait3A_292 = tpu.memref_slice %arg2[%dma_wait3A_290, %dma_wait3A_291] : memref<10000x80xf32, #tpu.memory_space<hbm>> -> memref<10000x80xf32, #tpu.memory_space<hbm>>
    tpu.wait_indirect_dma semaphore(%arg14 : memref<!tpu.dma_semaphore, #tpu.memory_space<semaphore_mem>>) src(%dma_wait3A_292 : memref<10000x80xf32, #tpu.memory_space<hbm>>) dst(%arg9 : memref<80x80xf32, #tpu.memory_space<vmem>>)
    %dma_wait3A_293 = arith.constant 0 : i32
    %dma_wait3A_294 = arith.constant 0 : i32
    %dma_wait3A_295 = tpu.memref_slice %arg8[%dma_wait3A_293, %dma_wait3A_294] : memref<125x80xi32, #tpu.memory_space<vmem>> -> memref<1x80xi32, #tpu.memory_space<vmem>>
    %dma_wait3A_296 = tpu.memref_squeeze %dma_wait3A_295 : memref<1x80xi32, #tpu.memory_space<vmem>> -> memref<80xi32, #tpu.memory_space<vmem>>
    %dma_wait3A_297 = arith.constant 0 : i32
    %dma_wait3A_298 = arith.constant 0 : i32
    %dma_wait3A_299 = tpu.memref_slice %arg3[%dma_wait3A_297, %dma_wait3A_298] : memref<10000x16xf32, #tpu.memory_space<hbm>> -> memref<10000x16xf32, #tpu.memory_space<hbm>>
    tpu.wait_indirect_dma semaphore(%arg16 : memref<!tpu.dma_semaphore, #tpu.memory_space<semaphore_mem>>) src(%dma_wait3A_299 : memref<10000x16xf32, #tpu.memory_space<hbm>>) dst(%arg11 : memref<80x16xf32, #tpu.memory_space<vmem>>)
    %run_scoped3A = arith.constant 124 : i32
    "tpu.region"() ({
      %run_scoped3A_303 = tpu.sem_alloc : memref<!tpu.dma_semaphore, #tpu.memory_space<semaphore_mem>>
      %dma_start3A_304 = arith.constant 0 : i32
      %dma_start3A_305 = tpu.memref_slice %arg8[%run_scoped3A, %dma_start3A_304] : memref<125x80xi32, #tpu.memory_space<vmem>> -> memref<1x80xi32, #tpu.memory_space<vmem>>
      %dma_start3A_306 = tpu.memref_squeeze %dma_start3A_305 : memref<1x80xi32, #tpu.memory_space<vmem>> -> memref<80xi32, #tpu.memory_space<vmem>>
      %dma_start3A_307 = arith.constant 0 : i32
      %dma_start3A_308 = arith.constant 0 : i32
      %dma_start3A_309 = tpu.memref_slice %arg13[%dma_start3A_307, %dma_start3A_308] : memref<10240x80xf32, #tpu.memory_space<vmem_shared>> -> memref<10240x80xf32, #tpu.memory_space<vmem_shared>>
      tpu.enqueue_indirect_dma source(%arg9 : memref<80x80xf32, #tpu.memory_space<vmem>>) target(%dma_start3A_309 : memref<10240x80xf32, #tpu.memory_space<vmem_shared>>) offsets(%dma_start3A_306 : memref<80xi32, #tpu.memory_space<vmem>>) semaphore(%run_scoped3A_303 : memref<!tpu.dma_semaphore, #tpu.memory_space<semaphore_mem>>) {add = true}
      %dma_wait3A_310 = arith.constant 0 : i32
      %dma_wait3A_311 = tpu.memref_slice %arg8[%run_scoped3A, %dma_wait3A_310] : memref<125x80xi32, #tpu.memory_space<vmem>> -> memref<1x80xi32, #tpu.memory_space<vmem>>
      %dma_wait3A_312 = tpu.memref_squeeze %dma_wait3A_311 : memref<1x80xi32, #tpu.memory_space<vmem>> -> memref<80xi32, #tpu.memory_space<vmem>>
      %dma_wait3A_313 = arith.constant 0 : i32
      %dma_wait3A_314 = arith.constant 0 : i32
      %dma_wait3A_315 = tpu.memref_slice %arg13[%dma_wait3A_313, %dma_wait3A_314] : memref<10240x80xf32, #tpu.memory_space<vmem_shared>> -> memref<10240x80xf32, #tpu.memory_space<vmem_shared>>
      tpu.wait_indirect_dma semaphore(%run_scoped3A_303 : memref<!tpu.dma_semaphore, #tpu.memory_space<semaphore_mem>>) src(%arg9 : memref<80x80xf32, #tpu.memory_space<vmem>>) dst(%dma_wait3A_315 : memref<10240x80xf32, #tpu.memory_space<vmem_shared>>)
      tpu.yield
    }) : () -> ()
    %barrier3A_300 = arith.constant 0 : index
    tpu.barrier barrier_id(%barrier3A_300)
    %mul3A_301 = arith.constant 640 : i32
    %mul3A_302 = arith.muli %arg1, %mul3A_301 : i32
    "tpu.region"() ({
      %run_scoped3A_303 = tpu.sem_alloc : memref<!tpu.dma_semaphore, #tpu.memory_space<semaphore_mem>>
      %dma_start3A_304 = arith.constant 0 : i32
      %dma_start3A_305 = tpu.memref_slice %arg5[%arg0, %mul3A_302, %dma_start3A_304] : memref<2x10240x80xf32, #tpu.memory_space<hbm>> -> memref<1x640x80xf32, #tpu.memory_space<hbm>>
      %dma_start3A_306 = tpu.memref_squeeze %dma_start3A_305 : memref<1x640x80xf32, #tpu.memory_space<hbm>> -> memref<640x80xf32, #tpu.memory_space<hbm>>
      %dma_start3A_307 = arith.constant 0 : i32
      %dma_start3A_308 = tpu.memref_slice %arg13[%mul3A_302, %dma_start3A_307] : memref<10240x80xf32, #tpu.memory_space<vmem_shared>> -> memref<640x80xf32, #tpu.memory_space<vmem_shared>>
      tpu.enqueue_dma source(%dma_start3A_308 : memref<640x80xf32, #tpu.memory_space<vmem_shared>>) target(%dma_start3A_306 : memref<640x80xf32, #tpu.memory_space<hbm>>) target_semaphore(%run_scoped3A_303 : memref<!tpu.dma_semaphore, #tpu.memory_space<semaphore_mem>>)
      %dma_wait3A_309 = arith.constant 0 : i32
      %dma_wait3A_310 = tpu.memref_slice %arg5[%arg0, %mul3A_302, %dma_wait3A_309] : memref<2x10240x80xf32, #tpu.memory_space<hbm>> -> memref<1x640x80xf32, #tpu.memory_space<hbm>>
      %dma_wait3A_311 = tpu.memref_squeeze %dma_wait3A_310 : memref<1x640x80xf32, #tpu.memory_space<hbm>> -> memref<640x80xf32, #tpu.memory_space<hbm>>
      %dma_wait3A_312 = arith.constant 0 : i32
      %dma_wait3A_313 = tpu.memref_slice %arg13[%mul3A_302, %dma_wait3A_312] : memref<10240x80xf32, #tpu.memory_space<vmem_shared>> -> memref<640x80xf32, #tpu.memory_space<vmem_shared>>
      tpu.wait_dma2 semaphore(%run_scoped3A_303 : memref<!tpu.dma_semaphore, #tpu.memory_space<semaphore_mem>>) src(%dma_wait3A_313 : memref<640x80xf32, #tpu.memory_space<vmem_shared>>) dst(%dma_wait3A_311 : memref<640x80xf32, #tpu.memory_space<hbm>>)
      tpu.yield
    }) : () -> ()
    return
  }
}

module attributes {stable_mosaic.version = 14 : i64} {
  func.func @_matmul2_body(%arg0: i32, %arg1: memref<1000x128xf32, #tpu.memory_space<vmem>>, %arg2: memref<128x144xf32, #tpu.memory_space<vmem>>, %arg3: memref<128x16xf32, #tpu.memory_space<vmem>>, %arg4: memref<1000x144xf32, #tpu.memory_space<vmem>>, %arg5: memref<1000x16xf32, #tpu.memory_space<vmem>>) attributes {dimension_semantics = [#tpu.dimension_semantics<arbitrary>], iteration_bounds = array<i64: 10>, scalar_prefetch = 0 : i64, scratch_operands = 0 : i64, tpu.core_type = #tpu.core_type<tc>, window_params = [{transform_indices = @transform_0, window_bounds = array<i64: 1000, 128>}, {pipeline_mode = #tpu.pipeline_mode<synchronous>, transform_indices = @transform_1, window_bounds = array<i64: 128, 144>}, {pipeline_mode = #tpu.pipeline_mode<synchronous>, transform_indices = @transform_2, window_bounds = array<i64: 128, 16>}, {transform_indices = @transform_3, window_bounds = array<i64: 1000, 144>}, {transform_indices = @transform_4, window_bounds = array<i64: 1000, 16>}]} {
    %get3A = arith.constant 0 : index
    %get3A_0 = arith.constant 0 : index
    %get3A_1 = vector.load %arg1[%get3A, %get3A_0] : memref<1000x128xf32, #tpu.memory_space<vmem>>, vector<1000x128xf32>
    %get3A_2 = arith.constant 0 : index
    %get3A_3 = arith.constant 0 : index
    %get3A_4 = vector.load %arg2[%get3A_2, %get3A_3] : memref<128x144xf32, #tpu.memory_space<vmem>>, vector<128x144xf32>
    %dot_general3A = arith.constant dense<0.000000e+00> : vector<1000x144xf32>
    %dot_general3A_5 = tpu.matmul %get3A_1, %get3A_4, %dot_general3A {dimension_numbers = #tpu.dot_dimension_numbers<[1], [0], [0], [1], [0, 0, 1, 1], [], []>, transpose_lhs_hint = false} : vector<1000x128xf32>, vector<128x144xf32>, vector<1000x144xf32> -> vector<1000x144xf32>
    %swap3A = arith.constant 0 : index
    %swap3A_6 = arith.constant 0 : index
    %swap3A_7 = vector.load %arg4[%swap3A, %swap3A_6] : memref<1000x144xf32, #tpu.memory_space<vmem>>, vector<1000x144xf32>
    tpu.vector_store %arg4[%swap3A, %swap3A_6], %dot_general3A_5 {strides = array<i32>} : memref<1000x144xf32, #tpu.memory_space<vmem>>, vector<1000x144xf32>,
    %get3A_8 = arith.constant 0 : index
    %get3A_9 = arith.constant 0 : index
    %get3A_10 = vector.load %arg3[%get3A_8, %get3A_9] : memref<128x16xf32, #tpu.memory_space<vmem>>, vector<128x16xf32>
    %dot_general3A_11 = arith.constant dense<0.000000e+00> : vector<1000x16xf32>
    %dot_general3A_12 = tpu.matmul %get3A_1, %get3A_10, %dot_general3A_11 {dimension_numbers = #tpu.dot_dimension_numbers<[1], [0], [0], [1], [0, 0, 1, 1], [], []>, transpose_lhs_hint = false} : vector<1000x128xf32>, vector<128x16xf32>, vector<1000x16xf32> -> vector<1000x16xf32>
    %swap3A_13 = arith.constant 0 : index
    %swap3A_14 = arith.constant 0 : index
    %swap3A_15 = vector.load %arg5[%swap3A_13, %swap3A_14] : memref<1000x16xf32, #tpu.memory_space<vmem>>, vector<1000x16xf32>
    tpu.vector_store %arg5[%swap3A_13, %swap3A_14], %dot_general3A_12 {strides = array<i32>} : memref<1000x16xf32, #tpu.memory_space<vmem>>, vector<1000x16xf32>,
    return
  }
  func.func @transform_0(%arg0: i32) -> (i32, i32) {
    %c0_i32 = arith.constant 0 : i32
    %c0_i32_0 = arith.constant 0 : i32
    return %arg0, %c0_i32 : i32, i32
  }
  func.func @transform_1(%arg0: i32) -> (i32, i32) {
    %c0_i32 = arith.constant 0 : i32
    %c0_i32_0 = arith.constant 0 : i32
    %c0_i32_1 = arith.constant 0 : i32
    return %c0_i32, %c0_i32_0 : i32, i32
  }
  func.func @transform_2(%arg0: i32) -> (i32, i32) {
    %c0_i32 = arith.constant 0 : i32
    %c0_i32_0 = arith.constant 0 : i32
    %c0_i32_1 = arith.constant 0 : i32
    return %c0_i32, %c0_i32_0 : i32, i32
  }
  func.func @transform_3(%arg0: i32) -> (i32, i32) {
    %c0_i32 = arith.constant 0 : i32
    %c0_i32_0 = arith.constant 0 : i32
    return %arg0, %c0_i32 : i32, i32
  }
  func.func @transform_4(%arg0: i32) -> (i32, i32) {
    %c0_i32 = arith.constant 0 : i32
    %c0_i32_0 = arith.constant 0 : i32
    return %arg0, %c0_i32 : i32, i32
  }
}

module attributes {stable_mosaic.version = 14 : i64} {
  func.func @_finalize1_body(%arg0: i32, %arg1: memref<2x1000x144xf32, #tpu.memory_space<vmem>>, %arg2: memref<128x128xf32, #tpu.memory_space<vmem>>, %arg3: memref<8x128xf32, #tpu.memory_space<vmem>>, %arg4: memref<128xf32, #tpu.memory_space<vmem>>, %arg5: memref<128x80xf32, #tpu.memory_space<vmem>>, %arg6: memref<128x16xf32, #tpu.memory_space<vmem>>, %arg7: memref<1000x80xf32, #tpu.memory_space<vmem>>, %arg8: memref<1000x16xf32, #tpu.memory_space<vmem>>) attributes {dimension_semantics = [#tpu.dimension_semantics<arbitrary>], iteration_bounds = array<i64: 10>, scalar_prefetch = 0 : i64, scratch_operands = 0 : i64, tpu.core_type = #tpu.core_type<tc>, window_params = [{transform_indices = @transform_0, window_bounds = array<i64: 2, 1000, 144>}, {pipeline_mode = #tpu.pipeline_mode<synchronous>, transform_indices = @transform_1, window_bounds = array<i64: 128, 128>}, {pipeline_mode = #tpu.pipeline_mode<synchronous>, transform_indices = @transform_2, window_bounds = array<i64: 8, 128>}, {pipeline_mode = #tpu.pipeline_mode<synchronous>, transform_indices = @transform_3, window_bounds = array<i64: 128>}, {pipeline_mode = #tpu.pipeline_mode<synchronous>, transform_indices = @transform_4, window_bounds = array<i64: 128, 80>}, {pipeline_mode = #tpu.pipeline_mode<synchronous>, transform_indices = @transform_5, window_bounds = array<i64: 128, 16>}, {transform_indices = @transform_6, window_bounds = array<i64: 1000, 80>}, {transform_indices = @transform_7, window_bounds = array<i64: 1000, 16>}]} {
    %get3A = arith.constant 0 : index
    %get3A_0 = arith.constant 0 : index
    %get3A_1 = arith.constant 0 : index
    %get3A_2 = vector.load %arg1[%get3A, %get3A_0, %get3A_1] : memref<2x1000x144xf32, #tpu.memory_space<vmem>>, vector<1x1000x144xf32>
    %get3A_3 = vector.shape_cast %get3A_2 : vector<1x1000x144xf32> to vector<1000x144xf32>
    %get3A_4 = arith.constant 1 : index
    %get3A_5 = arith.constant 0 : index
    %get3A_6 = arith.constant 0 : index
    %get3A_7 = vector.load %arg1[%get3A_4, %get3A_5, %get3A_6] : memref<2x1000x144xf32, #tpu.memory_space<vmem>>, vector<1x1000x144xf32>
    %get3A_8 = vector.shape_cast %get3A_7 : vector<1x1000x144xf32> to vector<1000x144xf32>
    %add3A = arith.addf %get3A_3, %get3A_8 : vector<1000x144xf32>
    %slice3A = vector.extract_strided_slice %add3A {offsets = [0, 0], sizes = [1000, 128], strides = [1, 1]} : vector<1000x144xf32> to vector<1000x128xf32>
    %slice3A_9 = vector.extract_strided_slice %add3A {offsets = [0, 128], sizes = [1000, 8], strides = [1, 1]} : vector<1000x144xf32> to vector<1000x8xf32>
    %add3A_10 = arith.constant 1.000000e-16 : f32
    %add3A_11 = vector.broadcast %add3A_10 : f32 to vector<1000x8xf32>
    %add3A_12 = arith.addf %slice3A_9, %add3A_11 : vector<1000x8xf32>
    %div3A = arith.constant 1.000000e+00 : f32
    %div3A_13 = vector.broadcast %div3A : f32 to vector<1000x8xf32>
    %div3A_14 = arith.divf %div3A_13, %add3A_12 : vector<1000x8xf32>
    %get3A_15 = arith.constant 0 : index
    %get3A_16 = arith.constant 0 : index
    %get3A_17 = vector.load %arg2[%get3A_15, %get3A_16] : memref<128x128xf32, #tpu.memory_space<vmem>>, vector<128x128xf32>
    %dot_general3A = arith.constant dense<0.000000e+00> : vector<1000x128xf32>
    %dot_general3A_18 = tpu.matmul %slice3A, %get3A_17, %dot_general3A {dimension_numbers = #tpu.dot_dimension_numbers<[1], [0], [0], [1], [0, 0, 1, 1], [], []>, transpose_lhs_hint = false} : vector<1000x128xf32>, vector<128x128xf32>, vector<1000x128xf32> -> vector<1000x128xf32>
    %get3A_19 = arith.constant 0 : index
    %get3A_20 = arith.constant 0 : index
    %get3A_21 = vector.load %arg3[%get3A_19, %get3A_20] : memref<8x128xf32, #tpu.memory_space<vmem>>, vector<8x128xf32>
    %dot_general3A_22 = arith.constant dense<0.000000e+00> : vector<1000x128xf32>
    %dot_general3A_23 = tpu.matmul %div3A_14, %get3A_21, %dot_general3A_22 {dimension_numbers = #tpu.dot_dimension_numbers<[1], [0], [0], [1], [0, 0, 1, 1], [], []>, transpose_lhs_hint = false} : vector<1000x8xf32>, vector<8x128xf32>, vector<1000x128xf32> -> vector<1000x128xf32>
    %mul3A = arith.mulf %dot_general3A_18, %dot_general3A_23 : vector<1000x128xf32>
    %get3A_24 = arith.constant 0 : index
    %get3A_25 = vector.load %arg4[%get3A_24] : memref<128xf32, #tpu.memory_space<vmem>>, vector<128xf32>
    %broadcast_in_dim3A = vector.shape_cast %get3A_25 : vector<128xf32> to vector<1x128xf32>
    %add3A_26 = vector.broadcast %broadcast_in_dim3A : vector<1x128xf32> to vector<1000x128xf32>
    %add3A_27 = arith.addf %mul3A, %add3A_26 : vector<1000x128xf32>
    %gt3A = arith.constant 0.000000e+00 : f32
    %gt3A_28 = vector.broadcast %gt3A : f32 to vector<1000x128xf32>
    %gt3A_29 = arith.cmpf ogt, %add3A_27, %gt3A_28 : vector<1000x128xf32>
    %min3A = arith.constant 0.000000e+00 : f32
    %min3A_30 = vector.broadcast %min3A : f32 to vector<1000x128xf32>
    %min3A_31 = arith.minimumf %add3A_27, %min3A_30 : vector<1000x128xf32>
    %exp3A = math.exp %min3A_31 : vector<1000x128xf32>
    %sub3A = arith.constant 1.000000e+00 : f32
    %sub3A_32 = vector.broadcast %sub3A : f32 to vector<1000x128xf32>
    %sub3A_33 = arith.subf %exp3A, %sub3A_32 : vector<1000x128xf32>
    %select_n3A = arith.select %gt3A_29, %add3A_27, %sub3A_33 : vector<1000x128xi1>, vector<1000x128xf32>
    %get3A_34 = arith.constant 0 : index
    %get3A_35 = arith.constant 0 : index
    %get3A_36 = vector.load %arg5[%get3A_34, %get3A_35] : memref<128x80xf32, #tpu.memory_space<vmem>>, vector<128x80xf32>
    %dot_general3A_37 = arith.constant dense<0.000000e+00> : vector<1000x80xf32>
    %dot_general3A_38 = tpu.matmul %select_n3A, %get3A_36, %dot_general3A_37 {dimension_numbers = #tpu.dot_dimension_numbers<[1], [0], [0], [1], [0, 0, 1, 1], [], []>, transpose_lhs_hint = false} : vector<1000x128xf32>, vector<128x80xf32>, vector<1000x80xf32> -> vector<1000x80xf32>
    %swap3A = arith.constant 0 : index
    %swap3A_39 = arith.constant 0 : index
    %swap3A_40 = vector.load %arg7[%swap3A, %swap3A_39] : memref<1000x80xf32, #tpu.memory_space<vmem>>, vector<1000x80xf32>
    tpu.vector_store %arg7[%swap3A, %swap3A_39], %dot_general3A_38 {strides = array<i32>} : memref<1000x80xf32, #tpu.memory_space<vmem>>, vector<1000x80xf32>,
    %get3A_41 = arith.constant 0 : index
    %get3A_42 = arith.constant 0 : index
    %get3A_43 = vector.load %arg6[%get3A_41, %get3A_42] : memref<128x16xf32, #tpu.memory_space<vmem>>, vector<128x16xf32>
    %dot_general3A_44 = arith.constant dense<0.000000e+00> : vector<1000x16xf32>
    %dot_general3A_45 = tpu.matmul %select_n3A, %get3A_43, %dot_general3A_44 {dimension_numbers = #tpu.dot_dimension_numbers<[1], [0], [0], [1], [0, 0, 1, 1], [], []>, transpose_lhs_hint = false} : vector<1000x128xf32>, vector<128x16xf32>, vector<1000x16xf32> -> vector<1000x16xf32>
    %swap3A_46 = arith.constant 0 : index
    %swap3A_47 = arith.constant 0 : index
    %swap3A_48 = vector.load %arg8[%swap3A_46, %swap3A_47] : memref<1000x16xf32, #tpu.memory_space<vmem>>, vector<1000x16xf32>
    tpu.vector_store %arg8[%swap3A_46, %swap3A_47], %dot_general3A_45 {strides = array<i32>} : memref<1000x16xf32, #tpu.memory_space<vmem>>, vector<1000x16xf32>,
    return
  }
  func.func @transform_0(%arg0: i32) -> (i32, i32, i32) {
    %c0_i32 = arith.constant 0 : i32
    %c0_i32_0 = arith.constant 0 : i32
    %c0_i32_1 = arith.constant 0 : i32
    return %c0_i32, %arg0, %c0_i32_0 : i32, i32, i32
  }
  func.func @transform_1(%arg0: i32) -> (i32, i32) {
    %c0_i32 = arith.constant 0 : i32
    %c0_i32_0 = arith.constant 0 : i32
    %c0_i32_1 = arith.constant 0 : i32
    return %c0_i32, %c0_i32_0 : i32, i32
  }
  func.func @transform_2(%arg0: i32) -> (i32, i32) {
    %c0_i32 = arith.constant 0 : i32
    %c0_i32_0 = arith.constant 0 : i32
    %c0_i32_1 = arith.constant 0 : i32
    return %c0_i32, %c0_i32_0 : i32, i32
  }
  func.func @transform_3(%arg0: i32) -> i32 {
    %c0_i32 = arith.constant 0 : i32
    %c0_i32_0 = arith.constant 0 : i32
    return %c0_i32 : i32
  }
  func.func @transform_4(%arg0: i32) -> (i32, i32) {
    %c0_i32 = arith.constant 0 : i32
    %c0_i32_0 = arith.constant 0 : i32
    %c0_i32_1 = arith.constant 0 : i32
    return %c0_i32, %c0_i32_0 : i32, i32
  }
  func.func @transform_5(%arg0: i32) -> (i32, i32) {
    %c0_i32 = arith.constant 0 : i32
    %c0_i32_0 = arith.constant 0 : i32
    %c0_i32_1 = arith.constant 0 : i32
    return %c0_i32, %c0_i32_0 : i32, i32
  }
  func.func @transform_6(%arg0: i32) -> (i32, i32) {
    %c0_i32 = arith.constant 0 : i32
    %c0_i32_0 = arith.constant 0 : i32
    return %arg0, %c0_i32 : i32, i32
  }
  func.func @transform_7(%arg0: i32) -> (i32, i32) {
    %c0_i32 = arith.constant 0 : i32
    %c0_i32_0 = arith.constant 0 : i32
    return %arg0, %c0_i32 : i32, i32
  }
}

module attributes {stable_mosaic.version = 14 : i64} {
  func.func @_finalize2_body(%arg0: i32, %arg1: memref<2x1000x80xf32, #tpu.memory_space<vmem>>, %arg2: memref<64xf32, #tpu.memory_space<vmem>>, %arg3: memref<1000x64xf32, #tpu.memory_space<vmem>>) attributes {dimension_semantics = [#tpu.dimension_semantics<arbitrary>], iteration_bounds = array<i64: 10>, scalar_prefetch = 0 : i64, scratch_operands = 0 : i64, tpu.core_type = #tpu.core_type<tc>, window_params = [{transform_indices = @transform_0, window_bounds = array<i64: 2, 1000, 80>}, {pipeline_mode = #tpu.pipeline_mode<synchronous>, transform_indices = @transform_1, window_bounds = array<i64: 64>}, {transform_indices = @transform_2, window_bounds = array<i64: 1000, 64>}]} {
    %get3A = arith.constant 0 : index
    %get3A_0 = arith.constant 0 : index
    %get3A_1 = arith.constant 0 : index
    %get3A_2 = vector.load %arg1[%get3A, %get3A_0, %get3A_1] : memref<2x1000x80xf32, #tpu.memory_space<vmem>>, vector<1x1000x80xf32>
    %get3A_3 = vector.shape_cast %get3A_2 : vector<1x1000x80xf32> to vector<1000x80xf32>
    %get3A_4 = arith.constant 1 : index
    %get3A_5 = arith.constant 0 : index
    %get3A_6 = arith.constant 0 : index
    %get3A_7 = vector.load %arg1[%get3A_4, %get3A_5, %get3A_6] : memref<2x1000x80xf32, #tpu.memory_space<vmem>>, vector<1x1000x80xf32>
    %get3A_8 = vector.shape_cast %get3A_7 : vector<1x1000x80xf32> to vector<1000x80xf32>
    %add3A = arith.addf %get3A_3, %get3A_8 : vector<1000x80xf32>
    %slice3A = vector.extract_strided_slice %add3A {offsets = [0, 0], sizes = [1000, 64], strides = [1, 1]} : vector<1000x80xf32> to vector<1000x64xf32>
    %slice3A_9 = vector.extract_strided_slice %add3A {offsets = [0, 64], sizes = [1000, 1], strides = [1, 1]} : vector<1000x80xf32> to vector<1000x1xf32>
    %add3A_10 = arith.constant 1.000000e-16 : f32
    %add3A_11 = vector.broadcast %add3A_10 : f32 to vector<1000x1xf32>
    %add3A_12 = arith.addf %slice3A_9, %add3A_11 : vector<1000x1xf32>
    %div3A = arith.constant 1.000000e+00 : f32
    %div3A_13 = vector.broadcast %div3A : f32 to vector<1000x1xf32>
    %div3A_14 = arith.divf %div3A_13, %add3A_12 : vector<1000x1xf32>
    %mul3A = vector.broadcast %div3A_14 : vector<1000x1xf32> to vector<1000x64xf32>
    %mul3A_15 = arith.mulf %slice3A, %mul3A : vector<1000x64xf32>
    %get3A_16 = arith.constant 0 : index
    %get3A_17 = vector.load %arg2[%get3A_16] : memref<64xf32, #tpu.memory_space<vmem>>, vector<64xf32>
    %broadcast_in_dim3A = vector.shape_cast %get3A_17 : vector<64xf32> to vector<1x64xf32>
    %add3A_18 = vector.broadcast %broadcast_in_dim3A : vector<1x64xf32> to vector<1000x64xf32>
    %add3A_19 = arith.addf %mul3A_15, %add3A_18 : vector<1000x64xf32>
    %swap3A = arith.constant 0 : index
    %swap3A_20 = arith.constant 0 : index
    %swap3A_21 = vector.load %arg3[%swap3A, %swap3A_20] : memref<1000x64xf32, #tpu.memory_space<vmem>>, vector<1000x64xf32>
    tpu.vector_store %arg3[%swap3A, %swap3A_20], %add3A_19 {strides = array<i32>} : memref<1000x64xf32, #tpu.memory_space<vmem>>, vector<1000x64xf32>,
    return
  }
  func.func @transform_0(%arg0: i32) -> (i32, i32, i32) {
    %c0_i32 = arith.constant 0 : i32
    %c0_i32_0 = arith.constant 0 : i32
    %c0_i32_1 = arith.constant 0 : i32
    return %c0_i32, %arg0, %c0_i32_0 : i32, i32, i32
  }
  func.func @transform_1(%arg0: i32) -> i32 {
    %c0_i32 = arith.constant 0 : i32
    %c0_i32_0 = arith.constant 0 : i32
    return %c0_i32 : i32
  }
  func.func @transform_2(%arg0: i32) -> (i32, i32) {
    %c0_i32 = arith.constant 0 : i32
    %c0_i32_0 = arith.constant 0 : i32
    return %arg0, %c0_i32 : i32, i32
  }
}

</mosaic_0001>

<sc_bundles>
// kernel: kernel.10.cloned.1.call-start
scs
__scs_entry_jumppad:
0x0: {  	(pc) =	sbr.rel $0x88, $3  }
0x1: {  	(tag) =	ssettag $0x0;
	lr =	simm.s32 $0x1  }
0x2: {  	[smem:$0x3F97] =	sst lr;
	_ =	strace $0xD0000000  }
0x3: {  	_ = 	snop  }
0x4: {  	_ = 	snop  }
0x5: {  	_ = 	snop  }
0x6: {  	_ = 	snop  }
0x7: {  	_ = 	snop  }
__scs_overlays_trampoline_lowered:
0x8: {  	[smem:$0x3FA6] =	sst s0  }
0x9: {  	[smem:$0x3FA7] =	sst s1  }
0xa: {  	[smem:$0x3FA8] =	sst s2  }
0xb: {  	[smem:$0x3FA9] =	sst s3  }
0xc: {  	[smem:$0x3FAA] =	sst s4  }
0xd: {  	[smem:$0x3FAB] =	sst s5  }
0xe: {  	[smem:$0x3FAC] =	sst s6  }
0xf: {  	[smem:$0x3FAD] =	sst s7  }
0x10: {  	[smem:$0x3FAE] =	sst s8  }
0x11: {  	[smem:$0x3FAF] =	sst s9;
	s0 =	simm.s32 @!p0 $0x0  }
0x12: {  	s1 =	sld [smem:$0x3F95];
	s0 =	simm.s32 @p0 $0x1  }
0x13: {  	[smem:$0x3FB0] =	sst s0;
	s0 =	simm.s32 @!p1 $0x0  }
0x14: {  	s2 =	sld [smem:$0x3F94];
	s0 =	simm.s32 @p1 $0x1  }
0x15: {  	[smem:$0x3FB1] =	sst s0;
	s0 =	simm.s32 @!p2 $0x0  }
0x16: {  	s3 =	sld [smem:$0x3FDB];
	s0 =	simm.s32 @p2 $0x1  }
0x17: {  	s4 =	simm.s32 $0x1BF5;
	[smem:$0x3FB3] =	sst s0  }
0x18: {  	s0 =	sld [smem:$0x3F96];
	_ =	swait.ge [sflag:s4], $0x0  }
0x19: {  	s7 =	sld [smem:$0x3F97]  }
0x1a: {  	s8 =	sadd.s32 $0xFFFFE003, lr  }
0x1b: {  	s9 =	sadd.s32 $0xFFFFFEF7, lr;
	s5 =	simm.s32 $0xFFFFFFFF;
	p2 =	slt.u32 s8, $0xFFFFF086  }
0x1c: {  	p1 =	slt.u32 s9, $0xF7A;
	s5 =	simm.s32 @!p2 $0x0  }
0x1d: {  	s5 =	simm.s32 @p1 $0x1;
	p0 =	seq.s32 s7, s2  }
0x1e: {  	s7 =	smul.u32 @!p0 $0xF7A, s2;
	p2 =	seq.s32 @!p0 s5, $0x0  }
0x1f: {  	s9 =	smul.u32 $0xF7A, s1;
	s8 =	simm.s32 @!p0 $0x1BF5;
	p2 =	por !p2, p0  }
0x20: {  	[sflag:s8] =	ssyncset.s32 @!p0 $0xFFFFF086;
	s6 =	sadd.s32 @!p0 s3, s7;
	s7 =	simm.s32 @!p0 $0x108  }
0x21: {  	s3 =	sadd.s32 s3, s9;
	s6 =	sadd.s32 @!p0 $0x88, s6;
	s7 =	simm.s32 @p2 $0x1082  }
0x22: {  	[simem:s7], [sflag:s8] =	dma.local @!p0 [hbm:s6], $0xF7A  }
0x23: {  	s9 =	sor.u32 $0xD0000000, s2;
	s6 =	simm.s32 $0x108;
	_ =	swait.ge @!p0 [sflag:s8], $0x0  }
0x24: {  	s3 =	sadd.s32 $0x88, s3;
	s6 =	simm.s32 @!p1 $0x1082;
	[sflag:s4] =	ssyncset.s32 $0xFFFFF086  }
0x25: {  	[simem:s6], [sflag:s4] =	dma.local [hbm:s3], $0xF7A  }
0x26: {  	[smem:$0x3F97] =	sst s1;
	(tag) =	ssettag s2;
	_ =	strace s9  }
0x27: {  	s1 =	sld [smem:$0x3FA7]  }
0x28: {  	s2 =	sld [smem:$0x3FA8]  }
0x29: {  	s4 =	sld [smem:$0x3FAA]  }
0x2a: {  	p0 =	seq.s32 s5, $0x0;
	s5 =	sld [smem:$0x3FAB]  }
0x2b: {  	s6 =	sld [smem:$0x3FAC]  }
0x2c: {  	s7 =	sld [smem:$0x3FAD]  }
0x2d: {  	s3 =	simm.s32 $0x108;
	s8 =	sld [smem:$0x3FAE]  }
0x2e: {  	s3 =	simm.s32 @!p0 $0x1082;
	s9 =	sld [smem:$0x3FAF]  }
0x2f: {  	lr =	sadd.s32 s0, s3;
	s0 =	sld [smem:$0x3FA6]  }
0x30: {  	s3 =	sld [smem:$0x3FA9]  }
0x31: {  	[smem:$0x3FB2] =	sst s10  }
0x32: {  	s10 =	sld [smem:$0x3FB0];
	_ =	sdelay $0x3  }
0x33: {  	p0 =	seq.s32 s10, $0x1;
	s10 =	sld [smem:$0x3FB2];
	_ =	sdelay $0x3  }
0x34: {  	[smem:$0x3FB2] =	sst s10  }
0x35: {  	s10 =	sld [smem:$0x3FB1];
	_ =	sdelay $0x3  }
0x36: {  	p1 =	seq.s32 s10, $0x1;
	s10 =	sld [smem:$0x3FB2];
	_ =	sdelay $0x3  }
0x37: {  	[smem:$0x3FB2] =	sst s10  }
0x38: {  	s10 =	sld [smem:$0x3FB3]  }
0x39: {  	_ = 	snop;
	(pc) =	sbr.ind lr, $3  }
0x3a: {  	_ = 	snop  }
0x3b: {  	_ = 	snop  }
0x3c: {  	p2 =	seq.s32 s10, $0x1;
	s10 =	sld [smem:$0x3FB2]  }
0x3d: {  	_ =	shalt  }
0x3e: {  	_ =	shalt  }
0x3f: {  	_ =	shalt  }
0x40: {  	_ =	shalt  }
0x41: {  	_ =	shalt  }
0x42: {  	_ =	shalt  }
0x43: {  	_ =	shalt  }
0x44: {  	_ =	shalt  }
0x45: {  	_ =	shalt  }
0x46: {  	_ =	shalt  }
0x47: {  	_ =	shalt  }
0x48: {  	_ =	shalt  }
0x49: {  	_ =	shalt  }
0x4a: {  	_ =	shalt  }
0x4b: {  	_ =	shalt  }
0x4c: {  	_ =	shalt  }
0x4d: {  	_ =	shalt  }
0x4e: {  	_ =	shalt  }
0x4f: {  	_ =	shalt  }
0x50: {  	_ =	shalt  }
0x51: {  	_ =	shalt  }
0x52: {  	_ =	shalt  }
0x53: {  	_ =	shalt  }
0x54: {  	_ =	shalt  }
0x55: {  	_ =	shalt  }
0x56: {  	_ =	shalt  }
0x57: {  	_ =	shalt  }
0x58: {  	_ =	shalt  }
0x59: {  	_ =	shalt  }
0x5a: {  	_ =	shalt  }
0x5b: {  	_ =	shalt  }
0x5c: {  	_ =	shalt  }
0x5d: {  	_ =	shalt  }
0x5e: {  	_ =	shalt  }
0x5f: {  	_ =	shalt  }
0x60: {  	_ =	shalt  }
0x61: {  	_ =	shalt  }
0x62: {  	_ =	shalt  }
0x63: {  	_ =	shalt  }
0x64: {  	_ =	shalt  }
0x65: {  	_ =	shalt  }
0x66: {  	_ =	shalt  }
0x67: {  	_ =	shalt  }
0x68: {  	_ =	shalt  }
0x69: {  	_ =	shalt  }
0x6a: {  	_ =	shalt  }
0x6b: {  	_ =	shalt  }
0x6c: {  	_ =	shalt  }
0x6d: {  	_ =	shalt  }
0x6e: {  	_ =	shalt  }
0x6f: {  	_ =	shalt  }
0x70: {  	_ =	shalt  }
0x71: {  	_ =	shalt  }
0x72: {  	_ =	shalt  }
0x73: {  	_ =	shalt  }
0x74: {  	_ =	shalt  }
0x75: {  	_ =	shalt  }
0x76: {  	_ =	shalt  }
0x77: {  	_ =	shalt  }
0x78: {  	_ =	shalt  }
0x79: {  	_ =	shalt  }
0x7a: {  	_ =	shalt  }
0x7b: {  	_ =	shalt  }
0x7c: {  	_ =	shalt  }
0x7d: {  	_ =	shalt  }
0x7e: {  	_ =	shalt  }
0x7f: {  	_ =	shalt  }
0x80: {  	_ =	shalt  }
0x81: {  	_ =	shalt  }
0x82: {  	_ =	shalt  }
0x83: {  	_ =	shalt  }
0x84: {  	_ =	shalt  }
0x85: {  	_ =	shalt  }
0x86: {  	_ =	shalt  }
0x87: {  	_ =	shalt  }
.Lfunc_end0:
.L_simem_size_0:
called_computation.1_lowered:
.L_overlay_start_0:
0x88: {  	s2 =	sld [smem:$0x3FD9]  }
0x89: {  	s3 =	sld [smem:$0x3FFE];
	_ =	sdelay $0x1  }
0x8a: {  	s1 =	srdreg.scid  }
0x8b: {  	s0 =	sand.u32 $0x1, s1  }
0x8c: {  	s17 =	sshll.u32 s0, $0xA;
	s2 =	sadd.s32 s3, s2  }
0x8d: {  	s2 =	sadd.s32 s2, s17  }
0x8e: {  	[smem:$0x3FBE] =	sst s2  }
0x8f: {  	_ = 	snop  }
0x90: {  	s2 =	sld [smem:$0x3FD0];
	(tm) =	ssettm $0x1  }
0x91: {  	s18 =	sld [smem:$0x3FFB];
	_ =	sdelay $0x3  }
0x92: {  	_ =	strace s18  }
0x93: {  	s3 =	sld [smem:$0x3FFC];
	_ =	sdelay $0x3  }
0x94: {  	_ =	strace s3  }
0x95: {  	s3 =	sld [smem:$0x3FFD];
	_ =	sdelay $0x3  }
0x96: {  	_ =	strace s3  }
0x97: {  	_ =	strace $0x8FFFFFFF  }
0x98: {  	s19 =	sld [smem:$0x3FDB];
	_ =	sdelay $0x1  }
0x99: {  	s4 =	simm.s32 $_scs_section_size  }
0x9a: {  	s5 =	simm.s32 $_size__tile_overlayer_lowered;
	s6 =	simm.s32 $_tile_overlayer_lowered  }
0x9b: {  	s22 =	simm.s32 $0x1BFF;
	s21 =	sshll.u32 s6, $0x1;
	s3 =	sadd.s32 s4, s19  }
0x9c: {  	s7 =	simm.s32 $0x0;
	s20 =	sshll.u32 s5, $0x1;
	s5 =	sadd.s32 s21, s3  }
0x9d: {  	[timem:s7], [sflag:s22] =	dma.local [hbm:s5], s20  }
0x9e: {  	_ =	swait.ge [sflag:s22], s20  }
0x9f: {  	s4 =	ssub.s32 $0x0, s20;
	[sflag:s22] =	ssyncset.done $0x0  }
0xa0: {  	[sflag:s22] =	ssyncadd.s32 s4;
	_ =	sdelay $0x1  }
0xa1: {  	s23 =	simm.s32 $0x1B8B  }
0xa2: {  	_ =	swait.ge [sflag:s23], $0x1  }
0xa3: {  	[sflag:s23] =	ssyncset.done $0x0  }
0xa4: {  	s25 =	simm.s32 $0x1B8E;
	s24 =	sld [smem:$0x3FFE];
	[sflag:s23] =	ssyncadd.s32 $0xFFFFFFFF  }
0xa5: {  	s26 =	simm.s32 $execute0_lowered;
	[smem:$0x3FD2] =	sst s25  }
0xa6: {  	s5 =	sshll.u32 s26, $0x1;
	_ =	strace $0x80000049;
	[dreg:$0x1] =	wrdreg $0xFFFFFFFF  }
0xa7: {  	s28 =	simm.s32 $_size_execute0_lowered;
	s3 =	sadd.s32 s3, s5;
	[dreg:$0x0] =	wrdreg $0x0  }
0xa8: {  	s5 =	sshll.u32 s28, $0x1;
	[dreg:$0x2] =	wrdreg s3  }
0xa9: {  	[dreg:$0x3] =	wrdreg s5  }
0xaa: {  	[dreg:$0x4] =	wrdreg $0xC0  }
0xab: {  	_ =	task [dreg:s7], $0x5FFFF  }
0xac: {  	[dreg:$0x1] =	wrdreg $0xFFFFFFFF  }
0xad: {  	[dreg:$0x0] =	wrdreg $0x60  }
0xae: {  	[dreg:$0x2] =	wrdreg s24  }
0xaf: {  	[dreg:$0x3] =	wrdreg s2  }
0xb0: {  	[dreg:$0x4] =	wrdreg $0x94200  }
0xb1: {  	[dreg:$0x5] =	wrdreg $0x9  }
0xb2: {  	_ =	task.clear_ibuf [dreg:s7], $0x6FFFF;
	_ =	strace $0x90000049  }
0xb3: {  	s29 =	simm.s32 $0x9;
	_ =	strace $0x8000004B  }
0xb4: {  	_ =	swait.ge [sflag:s29], $0x1  }
0xb5: {  	[sflag:s29] =	ssyncadd.s32 $0xFFFFFFFF  }
0xb6: {  	_ =	strace $0x9000004B  }
0xb7: {  	_ =	sfence  }
0xb8: {  	s30 =	sld [smem:$0x0];
	_ =	sdelay $0x2  }
0xb9: {  	s31 =	sshll.u32 s1, $0xD;
	s1 =	sshrl.u32 s1, $0x2  }
0xba: {  	s3 =	sand.u32 $0x4000, s31;
	s1 =	sadd.s32 s1, s30  }
0xbb: {  	s0 =	sor.u32 s3, s0;
	s1 =	sshll.u32 s1, $0x11  }
0xbc: {  	s0 =	sor.u32 s1, s0  }
0xbd: {  	s0 =	sadd.s32 $0x8F2B, s0  }
0xbe: {  	[sflag:s0] =	ssyncadd.remote.s32 $0x1  }
0xbf: {  	_ =	sfence.sel $0xFFFF  }
0xc0: {  	[dreg:$0x0] =	wrdreg $0xFFFFFFFF;
	(pc) =	sbr.abs _section_cstart, $3  }
0xc1: {  	[dreg:$0x1] =	wrdreg $0xFFFFFFFF  }
0xc2: {  	_ =	task.clear_ibuf [dreg:s7], $0x2FFFF;
	_ =	strace $0x9FFFFFFF  }
0xc3: {  	(tm) =	ssettm $0x7FFFFFFF  }
tec
execute0_lowered:
.L_overlay_start_1:
0x0: {  	(tag) =	ssettag $0x1  }
0x1: {  	s0 =	rddreg [dreg:$0x0]  }
0x2: {  	s1 =	rddreg [dreg:$0x1];
	s11 =	stileid.u32  }
0x3: {  	s2 =	rddreg [dreg:$0x2];
	s9 =	smul.u32 $0x32000, s11  }
0x4: {  	s4 =	srdreg.scid;
	s3 =	simm.s32 $0x0;
	s31 =	simm.s32 $0xA00  }
0x5: {  	s6 =	sand.u32 $0x1, s4;
	s7 =	smul.u32 $0xC800, s11;
	s9 =	sshrl.u32 s9, $0x2  }
0x6: {  	[smem:$0x7FF] =	sst s3;
	s4 =	sadd.s32 $0x1C00, s0;
	s9 =	sadd.s32 s9, s2  }
0x7: {  	s5 =	smul.u32 $0xC8000, s6;
	_ =	strace $0x8000004A;
	s13 =	sadd.s32 $0xA00, s9  }
0x8: {  	s10 =	ssub.s32 $0x2, s6;
	s14 =	sadd.s32 $0x1400, s9;
	[dreg:$0x4] =	wrdreg s13  }
0x9: {  	s6 =	sshll.u32 s6, $0x4;
	s15 =	sadd.s32 $0x1E00, s9;
	[dreg:$0x5] =	wrdreg s14  }
0xa: {  	s26 =	sshrl.u32 s10, $0x1;
	s16 =	sadd.s32 $0x2800, s9;
	[dreg:$0x6] =	wrdreg s15  }
0xb: {  	s12 =	sor.u32 s11, s6;
	s17 =	sadd.s32 $0x3200, s9;
	[dreg:$0x7] =	wrdreg s16  }
0xc: {  	s6 =	sadd.s32 s7, s2;
	s18 =	sadd.s32 $0x3C00, s9;
	[dreg:$0x8] =	wrdreg s17  }
0xd: {  	s11 =	simm.s32 $0x7120;
	s19 =	sadd.s32 $0x4600, s9;
	[dreg:$0x9] =	wrdreg s18  }
0xe: {  	s8 =	sadd.s32 s7, s5;
	s20 =	sadd.s32 $0x5000, s9;
	[dreg:$0xa] =	wrdreg s19  }
0xf: {  	s5 =	sadd.s32 $0x1A400, s0;
	s21 =	sadd.s32 $0x5A00, s9;
	[dreg:$0xb] =	wrdreg s20  }
0x10: {  	s22 =	smul.u32 $0x2710, s12;
	s23 =	sadd.s32 $0x6400, s9;
	[dreg:$0xc] =	wrdreg s21  }
0x11: {  	s8 =	sshrl.u32 s8, $0x3;
	s24 =	sadd.s32 $0x6E00, s9;
	[dreg:$0xd] =	wrdreg s23  }
0x12: {  	s25 =	sadd.s32 $0x7800, s9;
	s0 =	sadd.s32 s8, s0;
	[dreg:$0xe] =	wrdreg s24  }
0x13: {  	s8 =	ssub.s32 s10, s26;
	s10 =	smul.u32 $0x4E2, s12;
	[dreg:$0xf] =	wrdreg s25  }
0x14: {  	s26 =	sadd.s32 $0x8200, s9;
	s7 =	sshrl.u32 s22, $0x3;
	s21 =	sadd.s32 $0x8C00, s9  }
0x15: {  	s22 =	sadd.s32 $0x9600, s9;
	s23 =	sadd.s32 $0xA000, s9;
	s24 =	sadd.s32 $0xAA00, s9  }
0x16: {  	s25 =	sadd.s32 $0xB400, s9;
	s12 =	simm.s32 $0x8F20;
	s13 =	simm.s32 $0x1  }
0x17: {  	s14 =	simm.s32 $0x3;
	s15 =	simm.s32 $0x2;
	s16 =	simm.s32 $0x4  }
0x18: {  	s17 =	simm.s32 $0x57D0;
	[dreg:$0x10] =	wrdreg s26;
	s26 =	sadd.s32 $0xBE00, s9  }
0x19: {  	s29 =	sadd.s32 $0x1F400, s0;
	s30 =	smax.u32 s8, $0x1;
	s0 =	simm.s32 $0x6  }
0x1a: {  	s8 =	simm.s32 $0x50;
	s9 =	simm.s32 $0x5820;
	s10 =	sadd.s32 s1, s10  }
0x1b: {  	s1 =	sadd.s32 s1, s7;
	s7 =	simm.s32 $0x5;
	[dreg:$0x11] =	wrdreg s10  }
0x1c: {  	v0 =	vimm.f32 $0.0e+00;
	s28 =	sadd.s32 $0x9C40, s1;
	s1 =	simm.s32 $0x3110;
	s10 =	simm.s32 $0x8A20  }
.LBB2_1:
0x1d: {  	s19 =	simm.s32 $0x140;
	s18 =	simm.s32 $0x0  }
.LBB2_2:
0x1e: {  	p0 =	sne.s32 s19, $0x26C0;
	[tilespmem:s18+$0x40] =	vst v0;
	s20 =	smov.u32 s19;
	s19 =	sadd.s32 $0x140, s19  }
.Ltmp0:
0x1f: {  	[tilespmem:s18+$0x30] =	vst v0;
	(pc) =	sbr.rel @p0 .LBB2_2-.Ltmp0, $4  }
0x20: {  	[tilespmem:s18+$0x20] =	vst v0  }
0x21: {  	[tilespmem:s18+$0x0] =	vst v0  }
0x22: {  	[tilespmem:s18+$0x10] =	vst v0  }
0x23: {  	s18 =	sshra.s32 s20, $0x2  }
0x24: {  	[tilespmem:s18+$0x40] =	vst v0  }
0x25: {  	[tilespmem:s18+$0x30] =	vst v0  }
0x26: {  	[tilespmem:s18+$0x20] =	vst v0  }
0x27: {  	[tilespmem:s18+$0x0] =	vst v0  }
0x28: {  	[tilespmem:s18+$0x10] =	vst v0;
	s18 =	simm.s32 $0x0  }
0x29: {  	[spmem:s6] =	stream.linear.scatter [tilespmem:s18], [sflag:$0x5], $0xA00, $0x38;
	[tilespmem:$0x15C20] =	vst v63  }
0x2a: {  	s19 =	rddreg [dreg:$0x4]  }
0x2b: {  	[spmem:s19] =	stream.linear.scatter [tilespmem:s18], [sflag:$0x5], $0xA00, $0x38;
	[tilespmem:$0x15C20] =	vst v63  }
0x2c: {  	s20 =	rddreg [dreg:$0x5]  }
0x2d: {  	[spmem:s20] =	stream.linear.scatter [tilespmem:s18], [sflag:$0x5], $0xA00, $0x38;
	[tilespmem:$0x15C20] =	vst v63  }
0x2e: {  	s20 =	rddreg [dreg:$0x6]  }
0x2f: {  	[spmem:s20] =	stream.linear.scatter [tilespmem:s18], [sflag:$0x5], $0xA00, $0x38;
	[tilespmem:$0x15C20] =	vst v63  }
0x30: {  	s20 =	rddreg [dreg:$0x7]  }
0x31: {  	[spmem:s20] =	stream.linear.scatter [tilespmem:s18], [sflag:$0x5], $0xA00, $0x38;
	[tilespmem:$0x15C20] =	vst v63  }
0x32: {  	s20 =	rddreg [dreg:$0x8]  }
0x33: {  	[spmem:s20] =	stream.linear.scatter [tilespmem:s18], [sflag:$0x5], $0xA00, $0x38;
	[tilespmem:$0x15C20] =	vst v63  }
0x34: {  	s20 =	rddreg [dreg:$0x9]  }
0x35: {  	[spmem:s20] =	stream.linear.scatter [tilespmem:s18], [sflag:$0x5], $0xA00, $0x38;
	[tilespmem:$0x15C20] =	vst v63  }
0x36: {  	s20 =	rddreg [dreg:$0xa]  }
0x37: {  	[spmem:s20] =	stream.linear.scatter [tilespmem:s18], [sflag:$0x5], $0xA00, $0x38;
	[tilespmem:$0x15C20] =	vst v63  }
0x38: {  	s20 =	rddreg [dreg:$0xb]  }
0x39: {  	[spmem:s20] =	stream.linear.scatter [tilespmem:s18], [sflag:$0x5], $0xA00, $0x38;
	[tilespmem:$0x15C20] =	vst v63  }
0x3a: {  	s20 =	rddreg [dreg:$0xc]  }
0x3b: {  	[spmem:s20] =	stream.linear.scatter [tilespmem:s18], [sflag:$0x5], $0xA00, $0x38;
	[tilespmem:$0x15C20] =	vst v63  }
0x3c: {  	s20 =	rddreg [dreg:$0xd]  }
0x3d: {  	[spmem:s20] =	stream.linear.scatter [tilespmem:s18], [sflag:$0x5], $0xA00, $0x38;
	[tilespmem:$0x15C20] =	vst v63  }
0x3e: {  	s20 =	rddreg [dreg:$0xe]  }
0x3f: {  	[spmem:s20] =	stream.linear.scatter [tilespmem:s18], [sflag:$0x5], $0xA00, $0x38;
	[tilespmem:$0x15C20] =	vst v63  }
0x40: {  	s20 =	rddreg [dreg:$0xf]  }
0x41: {  	[spmem:s20] =	stream.linear.scatter [tilespmem:s18], [sflag:$0x5], $0xA00, $0x38;
	[tilespmem:$0x15C20] =	vst v63  }
0x42: {  	s20 =	rddreg [dreg:$0x10]  }
0x43: {  	[spmem:s20] =	stream.linear.scatter [tilespmem:s18], [sflag:$0x5], $0xA00, $0x38;
	[tilespmem:$0x15C20] =	vst v63  }
0x44: {  	_ = 	snop  }
0x45: {  	[spmem:s21] =	stream.linear.scatter [tilespmem:s18], [sflag:$0x5], $0xA00, $0x38;
	[tilespmem:$0x15C20] =	vst v63  }
0x46: {  	_ = 	snop  }
0x47: {  	[spmem:s22] =	stream.linear.scatter [tilespmem:s18], [sflag:$0x5], $0xA00, $0x38;
	[tilespmem:$0x15C20] =	vst v63  }
0x48: {  	_ = 	snop  }
0x49: {  	[spmem:s23] =	stream.linear.scatter [tilespmem:s18], [sflag:$0x5], $0xA00, $0x38;
	[tilespmem:$0x15C20] =	vst v63  }
0x4a: {  	_ = 	snop  }
0x4b: {  	[spmem:s24] =	stream.linear.scatter [tilespmem:s18], [sflag:$0x5], $0xA00, $0x38;
	[tilespmem:$0x15C20] =	vst v63  }
0x4c: {  	_ = 	snop  }
0x4d: {  	[spmem:s25] =	stream.linear.scatter [tilespmem:s18], [sflag:$0x5], $0xA00, $0x38;
	[tilespmem:$0x15C20] =	vst v63  }
0x4e: {  	_ = 	snop  }
0x4f: {  	[spmem:s26] =	stream.linear.scatter [tilespmem:s18], [sflag:$0x5], $0xA00, $0x38;
	[tilespmem:$0x15C20] =	vst v63  }
0x50: {  	s20 =	rddreg [dreg:$0x11]  }
0x51: {  	[tilespmem:s31], [sflag:$0x6] =	stream.linear.gather [hbm4b:s20+s18], $0x2710, $0x38;
	[tilespmem:$0x15C20] =	vst v63  }
0x52: {  	_ =	swait.ge [sflag:s0], $0x2710  }
0x53: {  	[sflag:s0] =	ssyncset.done $0x0  }
0x54: {  	[sflag:s0] =	ssyncadd.s32 $0xFFFFD8F0  }
0x55: {  	[tilespmem:s1], [sflag:$0x6] =	stream.linear.gather [hbm4b:s28+s18], $0x2710, $0x38;
	[tilespmem:$0x15C20] =	vst v63  }
0x56: {  	_ =	swait.ge [sflag:s0], $0x2710  }
0x57: {  	[sflag:s0] =	ssyncset.done $0x0  }
0x58: {  	[sflag:s0] =	ssyncadd.s32 $0xFFFFD8F0  }
0x59: {  	_ =	swait.ge [sflag:s7], $0xA00  }
0x5a: {  	[sflag:s7] =	ssyncset.done $0x0  }
0x5b: {  	[sflag:s7] =	ssyncadd.s32 $0xFFFFF600  }
0x5c: {  	_ =	swait.ge [sflag:s7], $0xA00  }
0x5d: {  	[sflag:s7] =	ssyncset.done $0x0  }
0x5e: {  	[sflag:s7] =	ssyncadd.s32 $0xFFFFF600  }
0x5f: {  	_ =	swait.ge [sflag:s7], $0xA00  }
0x60: {  	[sflag:s7] =	ssyncset.done $0x0  }
0x61: {  	[sflag:s7] =	ssyncadd.s32 $0xFFFFF600  }
0x62: {  	_ =	swait.ge [sflag:s7], $0xA00  }
0x63: {  	[sflag:s7] =	ssyncset.done $0x0  }
0x64: {  	[sflag:s7] =	ssyncadd.s32 $0xFFFFF600  }
0x65: {  	_ =	swait.ge [sflag:s7], $0xA00  }
0x66: {  	[sflag:s7] =	ssyncset.done $0x0  }
0x67: {  	[sflag:s7] =	ssyncadd.s32 $0xFFFFF600  }
0x68: {  	_ =	swait.ge [sflag:s7], $0xA00  }
0x69: {  	[sflag:s7] =	ssyncset.done $0x0  }
0x6a: {  	[sflag:s7] =	ssyncadd.s32 $0xFFFFF600  }
0x6b: {  	_ =	swait.ge [sflag:s7], $0xA00  }
0x6c: {  	[sflag:s7] =	ssyncset.done $0x0  }
0x6d: {  	[sflag:s7] =	ssyncadd.s32 $0xFFFFF600  }
0x6e: {  	_ =	swait.ge [sflag:s7], $0xA00  }
0x6f: {  	[sflag:s7] =	ssyncset.done $0x0  }
0x70: {  	[sflag:s7] =	ssyncadd.s32 $0xFFFFF600  }
0x71: {  	_ =	swait.ge [sflag:s7], $0xA00  }
0x72: {  	[sflag:s7] =	ssyncset.done $0x0  }
0x73: {  	[sflag:s7] =	ssyncadd.s32 $0xFFFFF600  }
0x74: {  	_ =	swait.ge [sflag:s7], $0xA00  }
0x75: {  	[sflag:s7] =	ssyncset.done $0x0  }
0x76: {  	[sflag:s7] =	ssyncadd.s32 $0xFFFFF600  }
0x77: {  	_ =	swait.ge [sflag:s7], $0xA00  }
0x78: {  	[sflag:s7] =	ssyncset.done $0x0  }
0x79: {  	[sflag:s7] =	ssyncadd.s32 $0xFFFFF600  }
0x7a: {  	_ =	swait.ge [sflag:s7], $0xA00  }
0x7b: {  	[sflag:s7] =	ssyncset.done $0x0  }
0x7c: {  	[sflag:s7] =	ssyncadd.s32 $0xFFFFF600  }
0x7d: {  	_ =	swait.ge [sflag:s7], $0xA00  }
0x7e: {  	[sflag:s7] =	ssyncset.done $0x0  }
0x7f: {  	[sflag:s7] =	ssyncadd.s32 $0xFFFFF600  }
0x80: {  	_ =	swait.ge [sflag:s7], $0xA00  }
0x81: {  	[sflag:s7] =	ssyncset.done $0x0  }
0x82: {  	[sflag:s7] =	ssyncadd.s32 $0xFFFFF600  }
0x83: {  	_ =	swait.ge [sflag:s7], $0xA00  }
0x84: {  	[sflag:s7] =	ssyncset.done $0x0  }
0x85: {  	[sflag:s7] =	ssyncadd.s32 $0xFFFFF600  }
0x86: {  	_ =	swait.ge [sflag:s7], $0xA00  }
0x87: {  	[sflag:s7] =	ssyncset.done $0x0  }
0x88: {  	[sflag:s7] =	ssyncadd.s32 $0xFFFFF600  }
0x89: {  	_ =	swait.ge [sflag:s7], $0xA00  }
0x8a: {  	[sflag:s7] =	ssyncset.done $0x0  }
0x8b: {  	[sflag:s7] =	ssyncadd.s32 $0xFFFFF600  }
0x8c: {  	_ =	swait.ge [sflag:s7], $0xA00  }
0x8d: {  	[sflag:s7] =	ssyncset.done $0x0  }
0x8e: {  	[sflag:s7] =	ssyncadd.s32 $0xFFFFF600  }
0x8f: {  	_ =	swait.ge [sflag:s7], $0xA00  }
0x90: {  	[sflag:s7] =	ssyncset.done $0x0  }
0x91: {  	[sflag:s7] =	ssyncadd.s32 $0xFFFFF600  }
0x92: {  	_ =	swait.ge [sflag:s7], $0xA00  }
0x93: {  	[sflag:s7] =	ssyncset.done $0x0  }
0x94: {  	[sflag:s7] =	ssyncadd.s32 $0xFFFFF600  }
0x95: {  	[bflag:$0x0] =	sbarrier.arrive $0xFFFF  }
0x96: {  	[tilespmem:s9], [sflag:$0x1] =	stream.indirect.gather [hbm4b:s4+s8], $0x50, s31, s8, $0xb8;
	[tilespmem:$0x15C20] =	vst v63  }
0x97: {  	_ = 	snop  }
0x98: {  	[tilespmem:s10], [sflag:$0x3] =	stream.indirect.gather [hbm4b:s5+s8], $0x10, s1, s8, $0xb8;
	[tilespmem:$0x15C20] =	vst v63  }
0x99: {  	s20 =	simm.s32 $0xA50  }
0x9a: {  	[tilespmem:s11], [sflag:$0x2] =	stream.indirect.gather [hbm4b:s4+s8], $0x50, s20, s8, $0xb8;
	[tilespmem:$0x15C20] =	vst v63  }
0x9b: {  	s19 =	simm.s32 $0x3160  }
0x9c: {  	[tilespmem:s12], [sflag:$0x4] =	stream.indirect.gather [hbm4b:s5+s8], $0x10, s19, s8, $0xb8;
	[tilespmem:$0x15C20] =	vst v63  }
0x9d: {  	_ =	swait.ge [sflag:s13], $0x1900  }
0x9e: {  	[sflag:s13] =	ssyncset.done $0x0  }
0x9f: {  	[sflag:s13] =	ssyncadd.s32 $0xFFFFE700  }
0xa0: {  	_ =	swait.ge [sflag:s14], $0x500  }
0xa1: {  	[sflag:s14] =	ssyncset.done $0x0  }
0xa2: {  	s20 =	simm.s32 $0x3110;
	[sflag:s14] =	ssyncadd.s32 $0xFFFFFB00  }
0xa3: {  	[spmem:s2] =	stream.indirect.scatter.add.f32 [tilespmem:s9], [sflag:$0x6], $0x50, s20, s8, $0xb8;
	[tilespmem:$0x15C20] =	vst v63  }
0xa4: {  	_ =	swait.ge [sflag:s0], $0x1900  }
0xa5: {  	[sflag:s0] =	ssyncset.done $0x0  }
0xa6: {  	[sflag:s0] =	ssyncadd.s32 $0xFFFFE700  }
0xa7: {  	_ =	swait.ge [sflag:s15], $0x1900  }
0xa8: {  	[sflag:s15] =	ssyncset.done $0x0  }
0xa9: {  	[sflag:s15] =	ssyncadd.s32 $0xFFFFE700  }
0xaa: {  	_ =	swait.ge [sflag:s16], $0x500  }
0xab: {  	[sflag:s16] =	ssyncset.done $0x0  }
0xac: {  	s19 =	simm.s32 $0xAA0;
	[sflag:s16] =	ssyncadd.s32 $0xFFFFFB00  }
0xad: {  	[tilespmem:s9], [sflag:$0x1] =	stream.indirect.gather [hbm4b:s4+s8], $0x50, s19, s8, $0xb8;
	[tilespmem:$0x15C20] =	vst v63  }
0xae: {  	s20 =	simm.s32 $0x31B0  }
0xaf: {  	[tilespmem:s10], [sflag:$0x3] =	stream.indirect.gather [hbm4b:s5+s8], $0x10, s20, s8, $0xb8;
	[tilespmem:$0x15C20] =	vst v63  }
0xb0: {  	s19 =	simm.s32 $0x3160  }
0xb1: {  	[spmem:s2] =	stream.indirect.scatter.add.f32 [tilespmem:s11], [sflag:$0x6], $0x50, s19, s8, $0xb8;
	[tilespmem:$0x15C20] =	vst v63  }
0xb2: {  	_ =	swait.ge [sflag:s0], $0x1900  }
0xb3: {  	s18 =	simm.s32 $0x280;
	[sflag:s0] =	ssyncset.done $0x0  }
0xb4: {  	s20 =	simm.s32 $0xAF0;
	s19 =	simm.s32 $0x3200;
	[sflag:s0] =	ssyncadd.s32 $0xFFFFE700  }
0xb5: {  	[tilespmem:s11], [sflag:$0x2] =	stream.indirect.gather [hbm4b:s4+s8], $0x50, s20, s8, $0xb8;
	[tilespmem:$0x15C20] =	vst v63  }
.LBB2_4:
0xb6: {  	[tilespmem:s12], [sflag:$0x4] =	stream.indirect.gather [hbm4b:s5+s8], $0x10, s19, s8, $0xb8;
	[tilespmem:$0x15C20] =	vst v63  }
0xb7: {  	s19 =	smov.u32 s18  }
0xb8: {  	p0 =	sne.s32 s18, $0x9600;
	s18 =	sadd.s32 $0x280, s18;
	_ =	swait.ge [sflag:s13], $0x1900  }
0xb9: {  	[sflag:s13] =	ssyncset.done $0x0  }
0xba: {  	[sflag:s13] =	ssyncadd.s32 $0xFFFFE700  }
0xbb: {  	_ =	swait.ge [sflag:s14], $0x500  }
0xbc: {  	s19 =	sshra.s32 s19, $0x2;
	[sflag:s14] =	ssyncset.done $0x0  }
0xbd: {  	s20 =	sadd.s32 $0x3110, s19;
	[sflag:s14] =	ssyncadd.s32 $0xFFFFFB00  }
0xbe: {  	[spmem:s2] =	stream.indirect.scatter.add.f32 [tilespmem:s9], [sflag:$0x6], $0x50, s20, s8, $0xb8;
	[tilespmem:$0x15C20] =	vst v63  }
0xbf: {  	_ =	swait.ge [sflag:s0], $0x1900  }
0xc0: {  	[sflag:s0] =	ssyncset.done $0x0  }
0xc1: {  	[sflag:s0] =	ssyncadd.s32 $0xFFFFE700  }
0xc2: {  	_ =	swait.ge [sflag:s15], $0x1900  }
0xc3: {  	[sflag:s15] =	ssyncset.done $0x0  }
0xc4: {  	[sflag:s15] =	ssyncadd.s32 $0xFFFFE700  }
0xc5: {  	_ =	swait.ge [sflag:s16], $0x500  }
0xc6: {  	[sflag:s16] =	ssyncset.done $0x0  }
0xc7: {  	s20 =	sadd.s32 $0xAA0, s19;
	[sflag:s16] =	ssyncadd.s32 $0xFFFFFB00  }
0xc8: {  	[tilespmem:s9], [sflag:$0x1] =	stream.indirect.gather [hbm4b:s4+s8], $0x50, s20, s8, $0xb8;
	[tilespmem:$0x15C20] =	vst v63  }
0xc9: {  	s20 =	sadd.s32 $0x31B0, s19  }
0xca: {  	[tilespmem:s10], [sflag:$0x3] =	stream.indirect.gather [hbm4b:s5+s8], $0x10, s20, s8, $0xb8;
	[tilespmem:$0x15C20] =	vst v63  }
0xcb: {  	s20 =	sadd.s32 $0x3160, s19  }
0xcc: {  	[spmem:s2] =	stream.indirect.scatter.add.f32 [tilespmem:s11], [sflag:$0x6], $0x50, s20, s8, $0xb8;
	[tilespmem:$0x15C20] =	vst v63  }
.Ltmp1:
0xcd: {  	_ =	swait.ge [sflag:s0], $0x1900;
	(pc) =	sbr.rel @p0 .LBB2_4-.Ltmp1, $4  }
0xce: {  	[sflag:s0] =	ssyncset.done $0x0  }
0xcf: {  	s20 =	sadd.s32 $0xAF0, s19;
	[sflag:s0] =	ssyncadd.s32 $0xFFFFE700  }
0xd0: {  	[tilespmem:s11], [sflag:$0x2] =	stream.indirect.gather [hbm4b:s4+s8], $0x50, s20, s8, $0xb8;
	[tilespmem:$0x15C20] =	vst v63  }
0xd1: {  	s19 =	sadd.s32 $0x3200, s19  }
0xd2: {  	[tilespmem:s12], [sflag:$0x4] =	stream.indirect.gather [hbm4b:s5+s8], $0x10, s19, s8, $0xb8;
	[tilespmem:$0x15C20] =	vst v63  }
0xd3: {  	_ =	swait.ge [sflag:s13], $0x1900  }
0xd4: {  	[sflag:s13] =	ssyncset.done $0x0  }
0xd5: {  	[sflag:s13] =	ssyncadd.s32 $0xFFFFE700  }
0xd6: {  	_ =	swait.ge [sflag:s14], $0x500  }
0xd7: {  	[sflag:s14] =	ssyncset.done $0x0  }
0xd8: {  	s18 =	simm.s32 $0x5730;
	[sflag:s14] =	ssyncadd.s32 $0xFFFFFB00  }
0xd9: {  	[spmem:s2] =	stream.indirect.scatter.add.f32 [tilespmem:s9], [sflag:$0x6], $0x50, s18, s8, $0xb8;
	[tilespmem:$0x15C20] =	vst v63  }
0xda: {  	_ =	swait.ge [sflag:s0], $0x1900  }
0xdb: {  	[sflag:s0] =	ssyncset.done $0x0  }
0xdc: {  	[sflag:s0] =	ssyncadd.s32 $0xFFFFE700  }
0xdd: {  	_ =	swait.ge [sflag:s15], $0x1900  }
0xde: {  	[sflag:s15] =	ssyncset.done $0x0  }
0xdf: {  	[sflag:s15] =	ssyncadd.s32 $0xFFFFE700  }
0xe0: {  	_ =	swait.ge [sflag:s16], $0x500  }
0xe1: {  	[sflag:s16] =	ssyncset.done $0x0  }
0xe2: {  	s19 =	simm.s32 $0x30C0;
	[sflag:s16] =	ssyncadd.s32 $0xFFFFFB00  }
0xe3: {  	[tilespmem:s9], [sflag:$0x1] =	stream.indirect.gather [hbm4b:s4+s8], $0x50, s19, s8, $0xb8;
	[tilespmem:$0x15C20] =	vst v63  }
0xe4: {  	_ = 	snop  }
0xe5: {  	[tilespmem:s10], [sflag:$0x3] =	stream.indirect.gather [hbm4b:s5+s8], $0x10, s17, s8, $0xb8;
	[tilespmem:$0x15C20] =	vst v63  }
0xe6: {  	s20 =	simm.s32 $0x5780  }
0xe7: {  	[spmem:s2] =	stream.indirect.scatter.add.f32 [tilespmem:s11], [sflag:$0x6], $0x50, s20, s8, $0xb8;
	[tilespmem:$0x15C20] =	vst v63  }
0xe8: {  	_ =	swait.ge [sflag:s0], $0x1900  }
0xe9: {  	[sflag:s0] =	ssyncset.done $0x0  }
0xea: {  	[sflag:s0] =	ssyncadd.s32 $0xFFFFE700  }
0xeb: {  	_ =	swait.ge [sflag:s13], $0x1900  }
0xec: {  	[sflag:s13] =	ssyncset.done $0x0  }
0xed: {  	[sflag:s13] =	ssyncadd.s32 $0xFFFFE700  }
0xee: {  	_ =	swait.ge [sflag:s14], $0x500  }
0xef: {  	[sflag:s14] =	ssyncset.done $0x0  }
0xf0: {  	[sflag:s14] =	ssyncadd.s32 $0xFFFFFB00  }
0xf1: {  	[spmem:s2] =	stream.indirect.scatter.add.f32 [tilespmem:s9], [sflag:$0x6], $0x50, s17, s8, $0xb8;
	[tilespmem:$0x15C20] =	vst v63  }
0xf2: {  	s19 =	stileid.u32;
	_ =	swait.ge [sflag:s0], $0x1900  }
0xf3: {  	s3 =	sadd.s32 $0x1, s3;
	s18 =	sshll.u32 s19, $0x6;
	[sflag:s0] =	ssyncset.done $0x0  }
0xf4: {  	p0 =	sne.s32 s3, s30;
	s18 =	sor.u32 $0x1C06, s18;
	[sflag:s0] =	ssyncadd.s32 $0xFFFFE700  }
.Ltmp2:
0xf5: {  	s20 =	sshrl.u32 s6, $0x3;
	[bflag:$0x0] =	sbarrier.arrive $0xFFFF;
	(pc) =	sbr.rel @p0 .LBB2_1-.Ltmp2, $4  }
0xf6: {  	[hbm:s29], [sflag:s18] =	dma.local [spmem:s20], $0x1900  }
0xf7: {  	_ =	swait.ge [sflag:s0], $0x1900  }
0xf8: {  	[sflag:s0] =	ssyncset.done $0x0  }
0xf9: {  	[sflag:s0] =	ssyncadd.s32 $0xFFFFE700  }
0xfa: {  	_ =	sfence.sel $0x180000  }
0xfb: {  	[bflag:$0x0] =	sbarrier.arrive $0xFFFF  }
0xfc: {  	_ =	strace $0x9000004A  }
0xfd: {  	s0 =	stileid.u32;
	[bflag:$0x2] =	sbarrier.arrive $0xFFFF  }
0xfe: {  	p0 =	sne.s32 s0, $0x0;
	s0 =	rddreg [dreg:$0x3]  }
0xff: {  	s0 =	sadd.s32 @!p0 $0x100000, s0  }
0x100: {  	[sflag:s0] =	ssyncadd.tile.s32 @!p0 $0x1;
	_ =	shalt  }
.Lfunc_end2:
_tile_overlayer_lowered:
.L_overlay_start_2:
0x101: {  	(tag) =	ssettag $0x2  }
0x102: {  	s0 =	rddreg [dreg:$0x0];
	s2 =	stileid.u32  }
0x103: {  	s1 =	rddreg [dreg:$0x1];
	p0 =	sne.s32 s2, $0x0  }
0x104: {  	s3 =	rddreg [dreg:$0x2];
	[bflag:$0x3] =	sbarrier.arrive $0xFFFF;
	s2 =	simm.s32 @!p0 $0x1C06  }
0x105: {  	[timem:s3], [sflag:s2] =	dma.local @!p0 [hbm:s0], s1  }
0x106: {  	s0 =	simm.s32 @!p0 $0x6  }
0x107: {  	_ =	swait.ge @!p0 [sflag:s0], s1  }
0x108: {  	s1 =	ssub.s32 @!p0 $0x0, s1;
	[sflag:s0] =	ssyncset.done @!p0 $0x0  }
0x109: {  	[sflag:s0] =	ssyncadd.s32 @!p0 s1  }
0x10a: {  	[bflag:$0x3] =	sbarrier.arrive $0xFFFF  }
0x10b: {  	_ =	shalt  }

// kernel: kernel.7.cloned.1.call-start
scs
__scs_entry_jumppad:
0x0: {  	(pc) =	sbr.rel $0x88, $3  }
0x1: {  	(tag) =	ssettag $0x0;
	lr =	simm.s32 $0x1  }
0x2: {  	[smem:$0x3F97] =	sst lr;
	_ =	strace $0xD0000000  }
0x3: {  	_ = 	snop  }
0x4: {  	_ = 	snop  }
0x5: {  	_ = 	snop  }
0x6: {  	_ = 	snop  }
0x7: {  	_ = 	snop  }
__scs_overlays_trampoline_lowered:
0x8: {  	[smem:$0x3FA6] =	sst s0  }
0x9: {  	[smem:$0x3FA7] =	sst s1  }
0xa: {  	[smem:$0x3FA8] =	sst s2  }
0xb: {  	[smem:$0x3FA9] =	sst s3  }
0xc: {  	[smem:$0x3FAA] =	sst s4  }
0xd: {  	[smem:$0x3FAB] =	sst s5  }
0xe: {  	[smem:$0x3FAC] =	sst s6  }
0xf: {  	[smem:$0x3FAD] =	sst s7  }
0x10: {  	[smem:$0x3FAE] =	sst s8  }
0x11: {  	[smem:$0x3FAF] =	sst s9;
	s0 =	simm.s32 @!p0 $0x0  }
0x12: {  	s1 =	sld [smem:$0x3F95];
	s0 =	simm.s32 @p0 $0x1  }
0x13: {  	[smem:$0x3FB0] =	sst s0;
	s0 =	simm.s32 @!p1 $0x0  }
0x14: {  	s2 =	sld [smem:$0x3F94];
	s0 =	simm.s32 @p1 $0x1  }
0x15: {  	[smem:$0x3FB1] =	sst s0;
	s0 =	simm.s32 @!p2 $0x0  }
0x16: {  	s3 =	sld [smem:$0x3FDB];
	s0 =	simm.s32 @p2 $0x1  }
0x17: {  	s4 =	simm.s32 $0x1BF5;
	[smem:$0x3FB3] =	sst s0  }
0x18: {  	s0 =	sld [smem:$0x3F96];
	_ =	swait.ge [sflag:s4], $0x0  }
0x19: {  	s7 =	sld [smem:$0x3F97]  }
0x1a: {  	s8 =	sadd.s32 $0xFFFFE003, lr  }
0x1b: {  	s9 =	sadd.s32 $0xFFFFFEF7, lr;
	s5 =	simm.s32 $0xFFFFFFFF;
	p2 =	slt.u32 s8, $0xFFFFF086  }
0x1c: {  	p1 =	slt.u32 s9, $0xF7A;
	s5 =	simm.s32 @!p2 $0x0  }
0x1d: {  	s5 =	simm.s32 @p1 $0x1;
	p0 =	seq.s32 s7, s2  }
0x1e: {  	s7 =	smul.u32 @!p0 $0xF7A, s2;
	p2 =	seq.s32 @!p0 s5, $0x0  }
0x1f: {  	s9 =	smul.u32 $0xF7A, s1;
	s8 =	simm.s32 @!p0 $0x1BF5;
	p2 =	por !p2, p0  }
0x20: {  	[sflag:s8] =	ssyncset.s32 @!p0 $0xFFFFF086;
	s6 =	sadd.s32 @!p0 s3, s7;
	s7 =	simm.s32 @!p0 $0x108  }
0x21: {  	s3 =	sadd.s32 s3, s9;
	s6 =	sadd.s32 @!p0 $0x88, s6;
	s7 =	simm.s32 @p2 $0x1082  }
0x22: {  	[simem:s7], [sflag:s8] =	dma.local @!p0 [hbm:s6], $0xF7A  }
0x23: {  	s9 =	sor.u32 $0xD0000000, s2;
	s6 =	simm.s32 $0x108;
	_ =	swait.ge @!p0 [sflag:s8], $0x0  }
0x24: {  	s3 =	sadd.s32 $0x88, s3;
	s6 =	simm.s32 @!p1 $0x1082;
	[sflag:s4] =	ssyncset.s32 $0xFFFFF086  }
0x25: {  	[simem:s6], [sflag:s4] =	dma.local [hbm:s3], $0xF7A  }
0x26: {  	[smem:$0x3F97] =	sst s1;
	(tag) =	ssettag s2;
	_ =	strace s9  }
0x27: {  	s1 =	sld [smem:$0x3FA7]  }
0x28: {  	s2 =	sld [smem:$0x3FA8]  }
0x29: {  	s4 =	sld [smem:$0x3FAA]  }
0x2a: {  	p0 =	seq.s32 s5, $0x0;
	s5 =	sld [smem:$0x3FAB]  }
0x2b: {  	s6 =	sld [smem:$0x3FAC]  }
0x2c: {  	s7 =	sld [smem:$0x3FAD]  }
0x2d: {  	s3 =	simm.s32 $0x108;
	s8 =	sld [smem:$0x3FAE]  }
0x2e: {  	s3 =	simm.s32 @!p0 $0x1082;
	s9 =	sld [smem:$0x3FAF]  }
0x2f: {  	lr =	sadd.s32 s0, s3;
	s0 =	sld [smem:$0x3FA6]  }
0x30: {  	s3 =	sld [smem:$0x3FA9]  }
0x31: {  	[smem:$0x3FB2] =	sst s10  }
0x32: {  	s10 =	sld [smem:$0x3FB0];
	_ =	sdelay $0x3  }
0x33: {  	p0 =	seq.s32 s10, $0x1;
	s10 =	sld [smem:$0x3FB2];
	_ =	sdelay $0x3  }
0x34: {  	[smem:$0x3FB2] =	sst s10  }
0x35: {  	s10 =	sld [smem:$0x3FB1];
	_ =	sdelay $0x3  }
0x36: {  	p1 =	seq.s32 s10, $0x1;
	s10 =	sld [smem:$0x3FB2];
	_ =	sdelay $0x3  }
0x37: {  	[smem:$0x3FB2] =	sst s10  }
0x38: {  	s10 =	sld [smem:$0x3FB3]  }
0x39: {  	_ = 	snop;
	(pc) =	sbr.ind lr, $3  }
0x3a: {  	_ = 	snop  }
0x3b: {  	_ = 	snop  }
0x3c: {  	p2 =	seq.s32 s10, $0x1;
	s10 =	sld [smem:$0x3FB2]  }
0x3d: {  	_ =	shalt  }
0x3e: {  	_ =	shalt  }
0x3f: {  	_ =	shalt  }
0x40: {  	_ =	shalt  }
0x41: {  	_ =	shalt  }
0x42: {  	_ =	shalt  }
0x43: {  	_ =	shalt  }
0x44: {  	_ =	shalt  }
0x45: {  	_ =	shalt  }
0x46: {  	_ =	shalt  }
0x47: {  	_ =	shalt  }
0x48: {  	_ =	shalt  }
0x49: {  	_ =	shalt  }
0x4a: {  	_ =	shalt  }
0x4b: {  	_ =	shalt  }
0x4c: {  	_ =	shalt  }
0x4d: {  	_ =	shalt  }
0x4e: {  	_ =	shalt  }
0x4f: {  	_ =	shalt  }
0x50: {  	_ =	shalt  }
0x51: {  	_ =	shalt  }
0x52: {  	_ =	shalt  }
0x53: {  	_ =	shalt  }
0x54: {  	_ =	shalt  }
0x55: {  	_ =	shalt  }
0x56: {  	_ =	shalt  }
0x57: {  	_ =	shalt  }
0x58: {  	_ =	shalt  }
0x59: {  	_ =	shalt  }
0x5a: {  	_ =	shalt  }
0x5b: {  	_ =	shalt  }
0x5c: {  	_ =	shalt  }
0x5d: {  	_ =	shalt  }
0x5e: {  	_ =	shalt  }
0x5f: {  	_ =	shalt  }
0x60: {  	_ =	shalt  }
0x61: {  	_ =	shalt  }
0x62: {  	_ =	shalt  }
0x63: {  	_ =	shalt  }
0x64: {  	_ =	shalt  }
0x65: {  	_ =	shalt  }
0x66: {  	_ =	shalt  }
0x67: {  	_ =	shalt  }
0x68: {  	_ =	shalt  }
0x69: {  	_ =	shalt  }
0x6a: {  	_ =	shalt  }
0x6b: {  	_ =	shalt  }
0x6c: {  	_ =	shalt  }
0x6d: {  	_ =	shalt  }
0x6e: {  	_ =	shalt  }
0x6f: {  	_ =	shalt  }
0x70: {  	_ =	shalt  }
0x71: {  	_ =	shalt  }
0x72: {  	_ =	shalt  }
0x73: {  	_ =	shalt  }
0x74: {  	_ =	shalt  }
0x75: {  	_ =	shalt  }
0x76: {  	_ =	shalt  }
0x77: {  	_ =	shalt  }
0x78: {  	_ =	shalt  }
0x79: {  	_ =	shalt  }
0x7a: {  	_ =	shalt  }
0x7b: {  	_ =	shalt  }
0x7c: {  	_ =	shalt  }
0x7d: {  	_ =	shalt  }
0x7e: {  	_ =	shalt  }
0x7f: {  	_ =	shalt  }
0x80: {  	_ =	shalt  }
0x81: {  	_ =	shalt  }
0x82: {  	_ =	shalt  }
0x83: {  	_ =	shalt  }
0x84: {  	_ =	shalt  }
0x85: {  	_ =	shalt  }
0x86: {  	_ =	shalt  }
0x87: {  	_ =	shalt  }
.Lfunc_end0:
.L_simem_size_0:
called_computation_lowered:
.L_overlay_start_0:
0x88: {  	s2 =	sld [smem:$0x3FD9]  }
0x89: {  	s3 =	sld [smem:$0x3FFE];
	_ =	sdelay $0x1  }
0x8a: {  	s1 =	srdreg.scid  }
0x8b: {  	s0 =	sand.u32 $0x1, s1  }
0x8c: {  	s17 =	sshll.u32 s0, $0xA;
	s2 =	sadd.s32 s3, s2  }
0x8d: {  	s2 =	sadd.s32 s2, s17  }
0x8e: {  	[smem:$0x3FBE] =	sst s2  }
0x8f: {  	_ = 	snop  }
0x90: {  	s2 =	sld [smem:$0x3FD0];
	(tm) =	ssettm $0x1  }
0x91: {  	s18 =	sld [smem:$0x3FFB];
	_ =	sdelay $0x3  }
0x92: {  	_ =	strace s18  }
0x93: {  	s3 =	sld [smem:$0x3FFC];
	_ =	sdelay $0x3  }
0x94: {  	_ =	strace s3  }
0x95: {  	s3 =	sld [smem:$0x3FFD];
	_ =	sdelay $0x3  }
0x96: {  	_ =	strace s3  }
0x97: {  	_ =	strace $0x8FFFFFFF  }
0x98: {  	s19 =	sld [smem:$0x3FDB];
	_ =	sdelay $0x1  }
0x99: {  	s4 =	simm.s32 $_scs_section_size  }
0x9a: {  	s5 =	simm.s32 $_size__tile_overlayer_lowered;
	s6 =	simm.s32 $_tile_overlayer_lowered  }
0x9b: {  	s22 =	simm.s32 $0x1BFF;
	s21 =	sshll.u32 s6, $0x1;
	s3 =	sadd.s32 s4, s19  }
0x9c: {  	s7 =	simm.s32 $0x0;
	s20 =	sshll.u32 s5, $0x1;
	s5 =	sadd.s32 s21, s3  }
0x9d: {  	[timem:s7], [sflag:s22] =	dma.local [hbm:s5], s20  }
0x9e: {  	_ =	swait.ge [sflag:s22], s20  }
0x9f: {  	s4 =	ssub.s32 $0x0, s20;
	[sflag:s22] =	ssyncset.done $0x0  }
0xa0: {  	[sflag:s22] =	ssyncadd.s32 s4;
	_ =	sdelay $0x1  }
0xa1: {  	s23 =	simm.s32 $0x1B8B  }
0xa2: {  	_ =	swait.ge [sflag:s23], $0x1  }
0xa3: {  	[sflag:s23] =	ssyncset.done $0x0  }
0xa4: {  	s25 =	simm.s32 $0x1B8E;
	s24 =	sld [smem:$0x3FFE];
	[sflag:s23] =	ssyncadd.s32 $0xFFFFFFFF  }
0xa5: {  	s26 =	simm.s32 $execute0_lowered;
	[smem:$0x3FD2] =	sst s25  }
0xa6: {  	s5 =	sshll.u32 s26, $0x1;
	_ =	strace $0x80000046;
	[dreg:$0x1] =	wrdreg $0xFFFFFFFF  }
0xa7: {  	s28 =	simm.s32 $_size_execute0_lowered;
	s3 =	sadd.s32 s3, s5;
	[dreg:$0x0] =	wrdreg $0x0  }
0xa8: {  	s5 =	sshll.u32 s28, $0x1;
	[dreg:$0x2] =	wrdreg s3  }
0xa9: {  	[dreg:$0x3] =	wrdreg s5  }
0xaa: {  	[dreg:$0x4] =	wrdreg $0xC0  }
0xab: {  	_ =	task [dreg:s7], $0x5FFFF  }
0xac: {  	[dreg:$0x1] =	wrdreg $0xFFFFFFFF  }
0xad: {  	[dreg:$0x0] =	wrdreg $0x60  }
0xae: {  	[dreg:$0x2] =	wrdreg s24  }
0xaf: {  	[dreg:$0x3] =	wrdreg s2  }
0xb0: {  	[dreg:$0x4] =	wrdreg $0x92200  }
0xb1: {  	[dreg:$0x5] =	wrdreg $0x9  }
0xb2: {  	_ =	task.clear_ibuf [dreg:s7], $0x6FFFF;
	_ =	strace $0x90000046  }
0xb3: {  	s29 =	simm.s32 $0x9;
	_ =	strace $0x80000048  }
0xb4: {  	_ =	swait.ge [sflag:s29], $0x1  }
0xb5: {  	[sflag:s29] =	ssyncadd.s32 $0xFFFFFFFF  }
0xb6: {  	_ =	strace $0x90000048  }
0xb7: {  	_ =	sfence  }
0xb8: {  	s30 =	sld [smem:$0x0];
	_ =	sdelay $0x2  }
0xb9: {  	s31 =	sshll.u32 s1, $0xD;
	s1 =	sshrl.u32 s1, $0x2  }
0xba: {  	s3 =	sand.u32 $0x4000, s31;
	s1 =	sadd.s32 s1, s30  }
0xbb: {  	s0 =	sor.u32 s3, s0;
	s1 =	sshll.u32 s1, $0x11  }
0xbc: {  	s0 =	sor.u32 s1, s0  }
0xbd: {  	s0 =	sadd.s32 $0x8F2B, s0  }
0xbe: {  	[sflag:s0] =	ssyncadd.remote.s32 $0x1  }
0xbf: {  	_ =	sfence.sel $0xFFFF  }
0xc0: {  	[dreg:$0x0] =	wrdreg $0xFFFFFFFF;
	(pc) =	sbr.abs _section_cstart, $3  }
0xc1: {  	[dreg:$0x1] =	wrdreg $0xFFFFFFFF  }
0xc2: {  	_ =	task.clear_ibuf [dreg:s7], $0x2FFFF;
	_ =	strace $0x9FFFFFFF  }
0xc3: {  	(tm) =	ssettm $0x7FFFFFFF  }
tec
execute0_lowered:
.L_overlay_start_1:
0x0: {  	(tag) =	ssettag $0x1  }
0x1: {  	s0 =	rddreg [dreg:$0x0]  }
0x2: {  	s1 =	rddreg [dreg:$0x1]  }
0x3: {  	s3 =	srdreg.scid;
	s11 =	stileid.u32  }
0x4: {  	s2 =	rddreg [dreg:$0x2];
	s9 =	smul.u32 $0x5A000, s11  }
0x5: {  	s31 =	simm.s32 $0x1200;
	s6 =	sand.u32 $0x1, s3;
	s7 =	smul.u32 $0x16800, s11  }
0x6: {  	s3 =	simm.s32 $0x0;
	s4 =	smul.u32 $0x168000, s6;
	s9 =	sshrl.u32 s9, $0x2  }
0x7: {  	[smem:$0x7FF] =	sst s3;
	s25 =	ssub.s32 $0x2, s6;
	s9 =	sadd.s32 s9, s2  }
0x8: {  	s6 =	sshll.u32 s6, $0x4;
	_ =	strace $0x80000047;
	s12 =	sadd.s32 $0x1200, s9  }
0x9: {  	s10 =	sshrl.u32 s25, $0x1;
	s13 =	sadd.s32 $0x2400, s9;
	[dreg:$0x4] =	wrdreg s12  }
0xa: {  	s26 =	sor.u32 s11, s6;
	s14 =	sadd.s32 $0x3600, s9;
	[dreg:$0x5] =	wrdreg s13  }
0xb: {  	s6 =	sadd.s32 s7, s2;
	s15 =	sadd.s32 $0x4800, s9;
	[dreg:$0x6] =	wrdreg s14  }
0xc: {  	s11 =	simm.s32 $0x76A0;
	s16 =	sadd.s32 $0x5A00, s9;
	[dreg:$0x7] =	wrdreg s15  }
0xd: {  	s5 =	sadd.s32 s7, s4;
	s17 =	sadd.s32 $0x6C00, s9;
	[dreg:$0x8] =	wrdreg s16  }
0xe: {  	s4 =	sadd.s32 $0x1C00, s0;
	s18 =	sadd.s32 $0x7E00, s9;
	[dreg:$0x9] =	wrdreg s17  }
0xf: {  	s19 =	smul.u32 $0x4E2, s26;
	s20 =	sadd.s32 $0x9000, s9;
	[dreg:$0xa] =	wrdreg s18  }
0x10: {  	s7 =	simm.s32 $0x5;
	s21 =	sadd.s32 $0xA200, s9;
	[dreg:$0xb] =	wrdreg s20  }
0x11: {  	s8 =	sshrl.u32 s5, $0x3;
	s22 =	sadd.s32 $0xB400, s9;
	[dreg:$0xc] =	wrdreg s21  }
0x12: {  	s5 =	sadd.s32 $0x2DC00, s0;
	s23 =	sadd.s32 $0xC600, s9;
	[dreg:$0xd] =	wrdreg s22  }
0x13: {  	s24 =	sadd.s32 $0xD800, s9;
	s0 =	sadd.s32 s8, s0;
	[dreg:$0xe] =	wrdreg s23  }
0x14: {  	s8 =	ssub.s32 s25, s10;
	s10 =	smul.u32 $0x2710, s26;
	[dreg:$0xf] =	wrdreg s24  }
0x15: {  	s25 =	sadd.s32 $0xEA00, s9;
	s20 =	sadd.s32 s1, s19;
	s21 =	sadd.s32 $0xFC00, s9  }
0x16: {  	s22 =	sadd.s32 $0x10E00, s9;
	s23 =	sadd.s32 $0x12000, s9;
	s24 =	sadd.s32 $0x13200, s9  }
0x17: {  	s12 =	simm.s32 $0x8FA0;
	s13 =	simm.s32 $0x1;
	s14 =	simm.s32 $0x3  }
0x18: {  	s15 =	simm.s32 $0x2;
	s16 =	simm.s32 $0x4;
	[dreg:$0x10] =	wrdreg s25  }
0x19: {  	s25 =	sadd.s32 $0x14400, s9;
	s29 =	sadd.s32 $0x32C00, s0;
	s30 =	smax.u32 s8, $0x1  }
0x1a: {  	s0 =	simm.s32 $0x3910;
	s8 =	simm.s32 $0x28;
	s26 =	sshrl.u32 s10, $0x3  }
0x1b: {  	s10 =	simm.s32 $0x8D20;
	s1 =	sadd.s32 s1, s26;
	s26 =	sadd.s32 $0x15600, s9  }
0x1c: {  	v0 =	vimm.f32 $0.0e+00;
	s9 =	simm.s32 $0x6020;
	s28 =	sadd.s32 $0x9C40, s1;
	s1 =	simm.s32 $0x6  }
.LBB2_1:
0x1d: {  	s17 =	simm.s32 $0x0;
	s18 =	simm.s32 $0x240  }
.LBB2_2:
0x1e: {  	p0 =	sne.s32 s18, $0x45C0;
	[tilespmem:s17+$0x80] =	vst v0  }
0x1f: {  	[tilespmem:s17+$0x0] =	vst v0  }
0x20: {  	[tilespmem:s17+$0x10] =	vst v0  }
0x21: {  	[tilespmem:s17+$0x20] =	vst v0  }
.Ltmp0:
0x22: {  	[tilespmem:s17+$0x30] =	vst v0;
	(pc) =	sbr.rel @p0 .LBB2_2-.Ltmp0, $4  }
0x23: {  	[tilespmem:s17+$0x40] =	vst v0  }
0x24: {  	[tilespmem:s17+$0x50] =	vst v0  }
0x25: {  	[tilespmem:s17+$0x60] =	vst v0  }
0x26: {  	[tilespmem:s17+$0x70] =	vst v0;
	s17 =	sshra.s32 s18, $0x2;
	s18 =	sadd.s32 $0x240, s18  }
0x27: {  	[tilespmem:s17+$0x80] =	vst v0  }
0x28: {  	[tilespmem:s17+$0x0] =	vst v0  }
0x29: {  	[tilespmem:s17+$0x10] =	vst v0  }
0x2a: {  	[tilespmem:s17+$0x20] =	vst v0  }
0x2b: {  	[tilespmem:s17+$0x30] =	vst v0  }
0x2c: {  	[tilespmem:s17+$0x40] =	vst v0  }
0x2d: {  	[tilespmem:s17+$0x50] =	vst v0  }
0x2e: {  	[tilespmem:s17+$0x60] =	vst v0  }
0x2f: {  	[tilespmem:s17+$0x70] =	vst v0;
	s17 =	simm.s32 $0x0  }
0x30: {  	[spmem:s6] =	stream.linear.scatter [tilespmem:s17], [sflag:$0x5], $0x1200, $0x38;
	[tilespmem:$0x1FA20] =	vst v63  }
0x31: {  	s18 =	rddreg [dreg:$0x4]  }
0x32: {  	[spmem:s18] =	stream.linear.scatter [tilespmem:s17], [sflag:$0x5], $0x1200, $0x38;
	[tilespmem:$0x1FA20] =	vst v63  }
0x33: {  	s19 =	rddreg [dreg:$0x5]  }
0x34: {  	[spmem:s19] =	stream.linear.scatter [tilespmem:s17], [sflag:$0x5], $0x1200, $0x38;
	[tilespmem:$0x1FA20] =	vst v63  }
0x35: {  	s19 =	rddreg [dreg:$0x6]  }
0x36: {  	[spmem:s19] =	stream.linear.scatter [tilespmem:s17], [sflag:$0x5], $0x1200, $0x38;
	[tilespmem:$0x1FA20] =	vst v63  }
0x37: {  	s19 =	rddreg [dreg:$0x7]  }
0x38: {  	[spmem:s19] =	stream.linear.scatter [tilespmem:s17], [sflag:$0x5], $0x1200, $0x38;
	[tilespmem:$0x1FA20] =	vst v63  }
0x39: {  	s19 =	rddreg [dreg:$0x8]  }
0x3a: {  	[spmem:s19] =	stream.linear.scatter [tilespmem:s17], [sflag:$0x5], $0x1200, $0x38;
	[tilespmem:$0x1FA20] =	vst v63  }
0x3b: {  	s19 =	rddreg [dreg:$0x9]  }
0x3c: {  	[spmem:s19] =	stream.linear.scatter [tilespmem:s17], [sflag:$0x5], $0x1200, $0x38;
	[tilespmem:$0x1FA20] =	vst v63  }
0x3d: {  	s19 =	rddreg [dreg:$0xa]  }
0x3e: {  	[spmem:s19] =	stream.linear.scatter [tilespmem:s17], [sflag:$0x5], $0x1200, $0x38;
	[tilespmem:$0x1FA20] =	vst v63  }
0x3f: {  	s19 =	rddreg [dreg:$0xb]  }
0x40: {  	[spmem:s19] =	stream.linear.scatter [tilespmem:s17], [sflag:$0x5], $0x1200, $0x38;
	[tilespmem:$0x1FA20] =	vst v63  }
0x41: {  	s19 =	rddreg [dreg:$0xc]  }
0x42: {  	[spmem:s19] =	stream.linear.scatter [tilespmem:s17], [sflag:$0x5], $0x1200, $0x38;
	[tilespmem:$0x1FA20] =	vst v63  }
0x43: {  	s19 =	rddreg [dreg:$0xd]  }
0x44: {  	[spmem:s19] =	stream.linear.scatter [tilespmem:s17], [sflag:$0x5], $0x1200, $0x38;
	[tilespmem:$0x1FA20] =	vst v63  }
0x45: {  	s19 =	rddreg [dreg:$0xe]  }
0x46: {  	[spmem:s19] =	stream.linear.scatter [tilespmem:s17], [sflag:$0x5], $0x1200, $0x38;
	[tilespmem:$0x1FA20] =	vst v63  }
0x47: {  	s19 =	rddreg [dreg:$0xf]  }
0x48: {  	[spmem:s19] =	stream.linear.scatter [tilespmem:s17], [sflag:$0x5], $0x1200, $0x38;
	[tilespmem:$0x1FA20] =	vst v63  }
0x49: {  	s19 =	rddreg [dreg:$0x10]  }
0x4a: {  	[spmem:s19] =	stream.linear.scatter [tilespmem:s17], [sflag:$0x5], $0x1200, $0x38;
	[tilespmem:$0x1FA20] =	vst v63  }
0x4b: {  	_ = 	snop  }
0x4c: {  	[spmem:s21] =	stream.linear.scatter [tilespmem:s17], [sflag:$0x5], $0x1200, $0x38;
	[tilespmem:$0x1FA20] =	vst v63  }
0x4d: {  	_ = 	snop  }
0x4e: {  	[spmem:s22] =	stream.linear.scatter [tilespmem:s17], [sflag:$0x5], $0x1200, $0x38;
	[tilespmem:$0x1FA20] =	vst v63  }
0x4f: {  	_ = 	snop  }
0x50: {  	[spmem:s23] =	stream.linear.scatter [tilespmem:s17], [sflag:$0x5], $0x1200, $0x38;
	[tilespmem:$0x1FA20] =	vst v63  }
0x51: {  	_ = 	snop  }
0x52: {  	[spmem:s24] =	stream.linear.scatter [tilespmem:s17], [sflag:$0x5], $0x1200, $0x38;
	[tilespmem:$0x1FA20] =	vst v63  }
0x53: {  	_ = 	snop  }
0x54: {  	[spmem:s25] =	stream.linear.scatter [tilespmem:s17], [sflag:$0x5], $0x1200, $0x38;
	[tilespmem:$0x1FA20] =	vst v63  }
0x55: {  	_ = 	snop  }
0x56: {  	[spmem:s26] =	stream.linear.scatter [tilespmem:s17], [sflag:$0x5], $0x1200, $0x38;
	[tilespmem:$0x1FA20] =	vst v63  }
0x57: {  	_ = 	snop  }
0x58: {  	[tilespmem:s31], [sflag:$0x6] =	stream.linear.gather [hbm4b:s20+s17], $0x2710, $0x38;
	[tilespmem:$0x1FA20] =	vst v63  }
0x59: {  	_ =	swait.ge [sflag:s1], $0x2710  }
0x5a: {  	[sflag:s1] =	ssyncset.done $0x0  }
0x5b: {  	[sflag:s1] =	ssyncadd.s32 $0xFFFFD8F0  }
0x5c: {  	[tilespmem:s0], [sflag:$0x6] =	stream.linear.gather [hbm4b:s28+s17], $0x2710, $0x38;
	[tilespmem:$0x1FA20] =	vst v63  }
0x5d: {  	_ =	swait.ge [sflag:s1], $0x2710  }
0x5e: {  	[sflag:s1] =	ssyncset.done $0x0  }
0x5f: {  	[sflag:s1] =	ssyncadd.s32 $0xFFFFD8F0  }
0x60: {  	_ =	swait.ge [sflag:s7], $0x1200  }
0x61: {  	[sflag:s7] =	ssyncset.done $0x0  }
0x62: {  	[sflag:s7] =	ssyncadd.s32 $0xFFFFEE00  }
0x63: {  	_ =	swait.ge [sflag:s7], $0x1200  }
0x64: {  	[sflag:s7] =	ssyncset.done $0x0  }
0x65: {  	[sflag:s7] =	ssyncadd.s32 $0xFFFFEE00  }
0x66: {  	_ =	swait.ge [sflag:s7], $0x1200  }
0x67: {  	[sflag:s7] =	ssyncset.done $0x0  }
0x68: {  	[sflag:s7] =	ssyncadd.s32 $0xFFFFEE00  }
0x69: {  	_ =	swait.ge [sflag:s7], $0x1200  }
0x6a: {  	[sflag:s7] =	ssyncset.done $0x0  }
0x6b: {  	[sflag:s7] =	ssyncadd.s32 $0xFFFFEE00  }
0x6c: {  	_ =	swait.ge [sflag:s7], $0x1200  }
0x6d: {  	[sflag:s7] =	ssyncset.done $0x0  }
0x6e: {  	[sflag:s7] =	ssyncadd.s32 $0xFFFFEE00  }
0x6f: {  	_ =	swait.ge [sflag:s7], $0x1200  }
0x70: {  	[sflag:s7] =	ssyncset.done $0x0  }
0x71: {  	[sflag:s7] =	ssyncadd.s32 $0xFFFFEE00  }
0x72: {  	_ =	swait.ge [sflag:s7], $0x1200  }
0x73: {  	[sflag:s7] =	ssyncset.done $0x0  }
0x74: {  	[sflag:s7] =	ssyncadd.s32 $0xFFFFEE00  }
0x75: {  	_ =	swait.ge [sflag:s7], $0x1200  }
0x76: {  	[sflag:s7] =	ssyncset.done $0x0  }
0x77: {  	[sflag:s7] =	ssyncadd.s32 $0xFFFFEE00  }
0x78: {  	_ =	swait.ge [sflag:s7], $0x1200  }
0x79: {  	[sflag:s7] =	ssyncset.done $0x0  }
0x7a: {  	[sflag:s7] =	ssyncadd.s32 $0xFFFFEE00  }
0x7b: {  	_ =	swait.ge [sflag:s7], $0x1200  }
0x7c: {  	[sflag:s7] =	ssyncset.done $0x0  }
0x7d: {  	[sflag:s7] =	ssyncadd.s32 $0xFFFFEE00  }
0x7e: {  	_ =	swait.ge [sflag:s7], $0x1200  }
0x7f: {  	[sflag:s7] =	ssyncset.done $0x0  }
0x80: {  	[sflag:s7] =	ssyncadd.s32 $0xFFFFEE00  }
0x81: {  	_ =	swait.ge [sflag:s7], $0x1200  }
0x82: {  	[sflag:s7] =	ssyncset.done $0x0  }
0x83: {  	[sflag:s7] =	ssyncadd.s32 $0xFFFFEE00  }
0x84: {  	_ =	swait.ge [sflag:s7], $0x1200  }
0x85: {  	[sflag:s7] =	ssyncset.done $0x0  }
0x86: {  	[sflag:s7] =	ssyncadd.s32 $0xFFFFEE00  }
0x87: {  	_ =	swait.ge [sflag:s7], $0x1200  }
0x88: {  	[sflag:s7] =	ssyncset.done $0x0  }
0x89: {  	[sflag:s7] =	ssyncadd.s32 $0xFFFFEE00  }
0x8a: {  	_ =	swait.ge [sflag:s7], $0x1200  }
0x8b: {  	[sflag:s7] =	ssyncset.done $0x0  }
0x8c: {  	[sflag:s7] =	ssyncadd.s32 $0xFFFFEE00  }
0x8d: {  	_ =	swait.ge [sflag:s7], $0x1200  }
0x8e: {  	[sflag:s7] =	ssyncset.done $0x0  }
0x8f: {  	[sflag:s7] =	ssyncadd.s32 $0xFFFFEE00  }
0x90: {  	_ =	swait.ge [sflag:s7], $0x1200  }
0x91: {  	[sflag:s7] =	ssyncset.done $0x0  }
0x92: {  	[sflag:s7] =	ssyncadd.s32 $0xFFFFEE00  }
0x93: {  	_ =	swait.ge [sflag:s7], $0x1200  }
0x94: {  	[sflag:s7] =	ssyncset.done $0x0  }
0x95: {  	[sflag:s7] =	ssyncadd.s32 $0xFFFFEE00  }
0x96: {  	_ =	swait.ge [sflag:s7], $0x1200  }
0x97: {  	[sflag:s7] =	ssyncset.done $0x0  }
0x98: {  	[sflag:s7] =	ssyncadd.s32 $0xFFFFEE00  }
0x99: {  	_ =	swait.ge [sflag:s7], $0x1200  }
0x9a: {  	[sflag:s7] =	ssyncset.done $0x0  }
0x9b: {  	[sflag:s7] =	ssyncadd.s32 $0xFFFFEE00  }
0x9c: {  	[bflag:$0x0] =	sbarrier.arrive $0xFFFF  }
0x9d: {  	[tilespmem:s9], [sflag:$0x1] =	stream.indirect.gather [hbm4b:s4+s8], $0x90, s31, s8, $0xb8;
	[tilespmem:$0x1FA20] =	vst v63  }
0x9e: {  	_ = 	snop  }
0x9f: {  	[tilespmem:s10], [sflag:$0x3] =	stream.indirect.gather [hbm4b:s5+s8], $0x10, s0, s8, $0xb8;
	[tilespmem:$0x1FA20] =	vst v63  }
0xa0: {  	s19 =	simm.s32 $0x1228  }
0xa1: {  	[tilespmem:s11], [sflag:$0x2] =	stream.indirect.gather [hbm4b:s4+s8], $0x90, s19, s8, $0xb8;
	[tilespmem:$0x1FA20] =	vst v63  }
0xa2: {  	s18 =	simm.s32 $0x3938  }
0xa3: {  	[tilespmem:s12], [sflag:$0x4] =	stream.indirect.gather [hbm4b:s5+s8], $0x10, s18, s8, $0xb8;
	[tilespmem:$0x1FA20] =	vst v63  }
0xa4: {  	_ =	swait.ge [sflag:s13], $0x1680  }
0xa5: {  	[sflag:s13] =	ssyncset.done $0x0  }
0xa6: {  	[sflag:s13] =	ssyncadd.s32 $0xFFFFE980  }
0xa7: {  	_ =	swait.ge [sflag:s14], $0x280  }
0xa8: {  	[sflag:s14] =	ssyncset.done $0x0  }
0xa9: {  	s19 =	simm.s32 $0x3910;
	[sflag:s14] =	ssyncadd.s32 $0xFFFFFD80  }
0xaa: {  	[spmem:s2] =	stream.indirect.scatter.add.f32 [tilespmem:s9], [sflag:$0x6], $0x90, s19, s8, $0xb8;
	[tilespmem:$0x1FA20] =	vst v63  }
0xab: {  	_ =	swait.ge [sflag:s1], $0x1680  }
0xac: {  	[sflag:s1] =	ssyncset.done $0x0  }
0xad: {  	[sflag:s1] =	ssyncadd.s32 $0xFFFFE980  }
0xae: {  	_ =	swait.ge [sflag:s15], $0x1680  }
0xaf: {  	[sflag:s15] =	ssyncset.done $0x0  }
0xb0: {  	[sflag:s15] =	ssyncadd.s32 $0xFFFFE980  }
0xb1: {  	_ =	swait.ge [sflag:s16], $0x280  }
0xb2: {  	[sflag:s16] =	ssyncset.done $0x0  }
0xb3: {  	s18 =	simm.s32 $0x1250;
	[sflag:s16] =	ssyncadd.s32 $0xFFFFFD80  }
0xb4: {  	[tilespmem:s9], [sflag:$0x1] =	stream.indirect.gather [hbm4b:s4+s8], $0x90, s18, s8, $0xb8;
	[tilespmem:$0x1FA20] =	vst v63  }
0xb5: {  	s19 =	simm.s32 $0x3960  }
0xb6: {  	[tilespmem:s10], [sflag:$0x3] =	stream.indirect.gather [hbm4b:s5+s8], $0x10, s19, s8, $0xb8;
	[tilespmem:$0x1FA20] =	vst v63  }
0xb7: {  	s18 =	simm.s32 $0x3938  }
0xb8: {  	[spmem:s2] =	stream.indirect.scatter.add.f32 [tilespmem:s11], [sflag:$0x6], $0x90, s18, s8, $0xb8;
	[tilespmem:$0x1FA20] =	vst v63  }
0xb9: {  	_ =	swait.ge [sflag:s1], $0x1680  }
0xba: {  	s17 =	simm.s32 $0x140;
	[sflag:s1] =	ssyncset.done $0x0  }
0xbb: {  	s19 =	simm.s32 $0x1278;
	s18 =	simm.s32 $0x3988;
	[sflag:s1] =	ssyncadd.s32 $0xFFFFE980  }
0xbc: {  	[tilespmem:s11], [sflag:$0x2] =	stream.indirect.gather [hbm4b:s4+s8], $0x90, s19, s8, $0xb8;
	[tilespmem:$0x1FA20] =	vst v63  }
.LBB2_4:
0xbd: {  	[tilespmem:s12], [sflag:$0x4] =	stream.indirect.gather [hbm4b:s5+s8], $0x10, s18, s8, $0xb8;
	[tilespmem:$0x1FA20] =	vst v63  }
0xbe: {  	s18 =	smov.u32 s17  }
0xbf: {  	p0 =	sne.s32 s17, $0x99C0;
	s17 =	sadd.s32 $0x140, s17;
	_ =	swait.ge [sflag:s13], $0x1680  }
0xc0: {  	[sflag:s13] =	ssyncset.done $0x0  }
0xc1: {  	[sflag:s13] =	ssyncadd.s32 $0xFFFFE980  }
0xc2: {  	_ =	swait.ge [sflag:s14], $0x280  }
0xc3: {  	s18 =	sshra.s32 s18, $0x2;
	[sflag:s14] =	ssyncset.done $0x0  }
0xc4: {  	s19 =	sadd.s32 $0x3910, s18;
	[sflag:s14] =	ssyncadd.s32 $0xFFFFFD80  }
0xc5: {  	[spmem:s2] =	stream.indirect.scatter.add.f32 [tilespmem:s9], [sflag:$0x6], $0x90, s19, s8, $0xb8;
	[tilespmem:$0x1FA20] =	vst v63  }
0xc6: {  	_ =	swait.ge [sflag:s1], $0x1680  }
0xc7: {  	[sflag:s1] =	ssyncset.done $0x0  }
0xc8: {  	[sflag:s1] =	ssyncadd.s32 $0xFFFFE980  }
0xc9: {  	_ =	swait.ge [sflag:s15], $0x1680  }
0xca: {  	[sflag:s15] =	ssyncset.done $0x0  }
0xcb: {  	[sflag:s15] =	ssyncadd.s32 $0xFFFFE980  }
0xcc: {  	_ =	swait.ge [sflag:s16], $0x280  }
0xcd: {  	[sflag:s16] =	ssyncset.done $0x0  }
0xce: {  	s19 =	sadd.s32 $0x1250, s18;
	[sflag:s16] =	ssyncadd.s32 $0xFFFFFD80  }
0xcf: {  	[tilespmem:s9], [sflag:$0x1] =	stream.indirect.gather [hbm4b:s4+s8], $0x90, s19, s8, $0xb8;
	[tilespmem:$0x1FA20] =	vst v63  }
0xd0: {  	s19 =	sadd.s32 $0x3960, s18  }
0xd1: {  	[tilespmem:s10], [sflag:$0x3] =	stream.indirect.gather [hbm4b:s5+s8], $0x10, s19, s8, $0xb8;
	[tilespmem:$0x1FA20] =	vst v63  }
0xd2: {  	s19 =	sadd.s32 $0x3938, s18  }
0xd3: {  	[spmem:s2] =	stream.indirect.scatter.add.f32 [tilespmem:s11], [sflag:$0x6], $0x90, s19, s8, $0xb8;
	[tilespmem:$0x1FA20] =	vst v63  }
.Ltmp1:
0xd4: {  	_ =	swait.ge [sflag:s1], $0x1680;
	(pc) =	sbr.rel @p0 .LBB2_4-.Ltmp1, $4  }
0xd5: {  	[sflag:s1] =	ssyncset.done $0x0  }
0xd6: {  	s19 =	sadd.s32 $0x1278, s18;
	[sflag:s1] =	ssyncadd.s32 $0xFFFFE980  }
0xd7: {  	[tilespmem:s11], [sflag:$0x2] =	stream.indirect.gather [hbm4b:s4+s8], $0x90, s19, s8, $0xb8;
	[tilespmem:$0x1FA20] =	vst v63  }
0xd8: {  	s18 =	sadd.s32 $0x3988, s18  }
0xd9: {  	[tilespmem:s12], [sflag:$0x4] =	stream.indirect.gather [hbm4b:s5+s8], $0x10, s18, s8, $0xb8;
	[tilespmem:$0x1FA20] =	vst v63  }
0xda: {  	_ =	swait.ge [sflag:s13], $0x1680  }
0xdb: {  	[sflag:s13] =	ssyncset.done $0x0  }
0xdc: {  	[sflag:s13] =	ssyncadd.s32 $0xFFFFE980  }
0xdd: {  	_ =	swait.ge [sflag:s14], $0x280  }
0xde: {  	[sflag:s14] =	ssyncset.done $0x0  }
0xdf: {  	s17 =	simm.s32 $0x5FD0;
	[sflag:s14] =	ssyncadd.s32 $0xFFFFFD80  }
0xe0: {  	[spmem:s2] =	stream.indirect.scatter.add.f32 [tilespmem:s9], [sflag:$0x6], $0x90, s17, s8, $0xb8;
	[tilespmem:$0x1FA20] =	vst v63  }
0xe1: {  	_ =	swait.ge [sflag:s1], $0x1680  }
0xe2: {  	[sflag:s1] =	ssyncset.done $0x0  }
0xe3: {  	[sflag:s1] =	ssyncadd.s32 $0xFFFFE980  }
0xe4: {  	_ =	swait.ge [sflag:s15], $0x1680  }
0xe5: {  	[sflag:s15] =	ssyncset.done $0x0  }
0xe6: {  	[sflag:s15] =	ssyncadd.s32 $0xFFFFE980  }
0xe7: {  	_ =	swait.ge [sflag:s16], $0x280  }
0xe8: {  	[sflag:s16] =	ssyncset.done $0x0  }
0xe9: {  	s19 =	simm.s32 $0x5FF8;
	[sflag:s16] =	ssyncadd.s32 $0xFFFFFD80  }
0xea: {  	[spmem:s2] =	stream.indirect.scatter.add.f32 [tilespmem:s11], [sflag:$0x6], $0x90, s19, s8, $0xb8;
	[tilespmem:$0x1FA20] =	vst v63  }
0xeb: {  	s18 =	stileid.u32;
	_ =	swait.ge [sflag:s1], $0x1680  }
0xec: {  	s3 =	sadd.s32 $0x1, s3;
	s17 =	sshll.u32 s18, $0x6;
	[sflag:s1] =	ssyncset.done $0x0  }
0xed: {  	p0 =	sne.s32 s3, s30;
	s17 =	sor.u32 $0x1C06, s17;
	[sflag:s1] =	ssyncadd.s32 $0xFFFFE980  }
.Ltmp2:
0xee: {  	s19 =	sshrl.u32 s6, $0x3;
	[bflag:$0x0] =	sbarrier.arrive $0xFFFF;
	(pc) =	sbr.rel @p0 .LBB2_1-.Ltmp2, $4  }
0xef: {  	[hbm:s29], [sflag:s17] =	dma.local [spmem:s19], $0x2D00  }
0xf0: {  	_ =	swait.ge [sflag:s1], $0x2D00  }
0xf1: {  	[sflag:s1] =	ssyncset.done $0x0  }
0xf2: {  	[sflag:s1] =	ssyncadd.s32 $0xFFFFD300  }
0xf3: {  	_ =	sfence.sel $0x180000  }
0xf4: {  	[bflag:$0x0] =	sbarrier.arrive $0xFFFF  }
0xf5: {  	_ =	strace $0x90000047  }
0xf6: {  	s0 =	stileid.u32;
	[bflag:$0x2] =	sbarrier.arrive $0xFFFF  }
0xf7: {  	p0 =	sne.s32 s0, $0x0;
	s0 =	rddreg [dreg:$0x3]  }
0xf8: {  	s0 =	sadd.s32 @!p0 $0x100000, s0  }
0xf9: {  	[sflag:s0] =	ssyncadd.tile.s32 @!p0 $0x1;
	_ =	shalt  }
.Lfunc_end2:
_tile_overlayer_lowered:
.L_overlay_start_2:
0xfa: {  	(tag) =	ssettag $0x2  }
0xfb: {  	s0 =	rddreg [dreg:$0x0];
	s2 =	stileid.u32  }
0xfc: {  	s1 =	rddreg [dreg:$0x1];
	p0 =	sne.s32 s2, $0x0  }
0xfd: {  	s3 =	rddreg [dreg:$0x2];
	[bflag:$0x3] =	sbarrier.arrive $0xFFFF;
	s2 =	simm.s32 @!p0 $0x1C06  }
0xfe: {  	[timem:s3], [sflag:s2] =	dma.local @!p0 [hbm:s0], s1  }
0xff: {  	s0 =	simm.s32 @!p0 $0x6  }
0x100: {  	_ =	swait.ge @!p0 [sflag:s0], s1  }
0x101: {  	s1 =	ssub.s32 @!p0 $0x0, s1;
	[sflag:s0] =	ssyncset.done @!p0 $0x0  }
0x102: {  	[sflag:s0] =	ssyncadd.s32 @!p0 s1  }
0x103: {  	[bflag:$0x3] =	sbarrier.arrive $0xFFFF  }
0x104: {  	_ =	shalt  }

</sc_bundles>
